<compile_context>
chip_gen: v7x
topology: tpu7x:2x2x1
jax: 0.10.2.dev20260603
libtpu: 0.0.44.dev20260713+nightly
codegen_flags: <defaults>
</compile_context>

<pallas_src>
import functools

import jax
import jax.numpy as jnp
from jax import lax
from jax.experimental import pallas as pl
from jax.experimental.pallas import tpu as pltpu
from jax.experimental.pallas import tpu_sc as plsc

NC = 2
NS = 16
NW = NC * NS
LANES = 16
BBLK = 512
GROUP = 128


def _build_gather(B, L, D):
    nblk = B // BBLK
    items = L * nblk
    per_w = items // NW
    gpc = BBLK // GROUP
    ngrp = BBLK // LANES

    mesh = plsc.VectorSubcoreMesh(core_axis_name="c", subcore_axis_name="s")

    @functools.partial(
        pl.kernel,
        out_type=jax.ShapeDtypeStruct((L, D, B), jnp.float32),
        mesh=mesh,
        compiler_params=pltpu.CompilerParams(
            use_tc_tiling_on_sc=False, needs_layout_passes=False),
        scratch_types=[
            pltpu.VMEM((BBLK,), jnp.int32),
            pltpu.VMEM((BBLK,), jnp.int32),
            pltpu.VMEM((BBLK, D), jnp.float32),
            pltpu.VMEM((BBLK, D), jnp.float32),
            pltpu.VMEM((BBLK * D,), jnp.float32),
            pltpu.VMEM((D, BBLK), jnp.float32),
            pltpu.VMEM((D, BBLK), jnp.float32),
            pltpu.VMEM((L, D), jnp.float32),
            pltpu.SemaphoreType.DMA,
            pltpu.SemaphoreType.DMA,
            pltpu.SemaphoreType.DMA,
            pltpu.SemaphoreType.DMA,
        ],
    )
    def emb(seq_hbm, tok_hbm, pos_hbm, out_hbm,
            idx_a, idx_b, rows_a, rows_b, skew, tout_a, tout_b, pos_v,
            gsem_a, gsem_b, wsem_a, wsem_b):
        wid = lax.axis_index("s") * NC + lax.axis_index("c")
        item0 = wid * per_w

        pltpu.sync_copy(pos_hbm, pos_v)

        def fire(t, idx_v, rows_v, gsem):
            l = t // nblk
            bb = t % nblk
            pltpu.sync_copy(seq_hbm.at[l, pl.ds(bb * BBLK, BBLK)], idx_v)
            return [
                pltpu.async_copy(tok_hbm.at[idx_v.at[pl.ds(g * GROUP, GROUP)]],
                                 rows_v.at[pl.ds(g * GROUP, GROUP)], gsem)
                for g in range(gpc)
            ]

        def transpose_add(t, rows_v, tout_v):
            l = t // nblk
            pvec = [pos_v[l, pl.ds(h * LANES, LANES)]
                    for h in range(D // LANES)]

            @plsc.parallel_loop(0, BBLK)
            def _(r):
                i = lax.iota(jnp.int32, LANES)
                rot = (i + r) & (LANES - 1)
                for h in range(D // LANES):
                    v = rows_v[r, pl.ds(16 * h, LANES)] + pvec[h]
                    idx = r * D + 16 * h + rot
                    plsc.store_scatter(skew, [idx], v)

            @plsc.parallel_loop(0, ngrp)
            def _(g):
                r0 = g * LANES
                i = lax.iota(jnp.int32, LANES)
                base = (r0 + i) * D
                for d in range(D):
                    rot = (d + r0 + i) & (LANES - 1)
                    idx = base + 16 * (d // LANES) + rot
                    tout_v[d, pl.ds(r0, LANES)] = plsc.load_gather(
                        skew, [idx])

        def out_slice(t):
            l = t // nblk
            bb = t % nblk
            return out_hbm.at[l, :, pl.ds(bb * BBLK, BBLK)]

        def drain_gathers(rows_v, gsem):
            pltpu.make_async_copy(rows_v, tok_hbm.at[pl.ds(0, BBLK)],
                                  gsem).wait()

        nit = per_w // 2

        def iter_body(i, carry):
            ta = item0 + 2 * i
            tb = item0 + 2 * i + 1
            drain_gathers(rows_a, gsem_a)

            @pl.when(i > 0)
            def _():
                pltpu.make_async_copy(tout_a, out_slice(ta), wsem_a).wait()

            transpose_add(ta, rows_a, tout_a)

            @pl.when(i + 1 < nit)
            def _():
                fire(ta + 2, idx_a, rows_a, gsem_a)

            pltpu.async_copy(tout_a, out_slice(ta), wsem_a)
            drain_gathers(rows_b, gsem_b)

            @pl.when(i > 0)
            def _():
                pltpu.make_async_copy(tout_b, out_slice(tb), wsem_b).wait()

            transpose_add(tb, rows_b, tout_b)

            @pl.when(i + 1 < nit)
            def _():
                fire(tb + 2, idx_b, rows_b, gsem_b)

            pltpu.async_copy(tout_b, out_slice(tb), wsem_b)
            return carry

        fire(item0, idx_a, rows_a, gsem_a)
        fire(item0 + 1, idx_b, rows_b, gsem_b)
        lax.fori_loop(0, nit, iter_body, 0)
        pltpu.make_async_copy(tout_a, out_slice(item0), wsem_a).wait()
        pltpu.make_async_copy(tout_b, out_slice(item0), wsem_b).wait()

    return emb


def kernel(seq, token_table, pos_table):
    B, L = seq.shape
    V, D = token_table.shape
    seq_t = jnp.swapaxes(seq, 0, 1).astype(jnp.int32)
    out3 = _build_gather(B, L, D)(seq_t, token_table, pos_table)
    return jnp.transpose(out3, (2, 0, 1))

# --- scband reference (transcript-rebuilt; emitter-appended) ---
"""Pipeline reference for scband-seq-embedding-8126078124677 (READ-ONLY COPY).

The authoritative reference and input builder live on the scoring server;
editing this copy changes nothing except your own understanding.
"""

import jax, jax.numpy as jnp
import numpy as np

VOCAB = 1000000
MAX_LEN = 200
DEPTH = 32
BATCH = 4096
SEQ_LEN = 200


def setup_inputs(seed: int = 0) -> dict:
    key = jax.random.key(seed)
    k1, k2, k3 = jax.random.split(key, 3)
    seq = jax.random.randint(k1, (BATCH, SEQ_LEN), 0, VOCAB, dtype=jnp.int64 if jax.config.jax_enable_x64 else jnp.int32)
    token_table = jax.random.normal(k2, (VOCAB, DEPTH), dtype=jnp.float32) * 0.02
    pos_table = jax.random.normal(k3, (MAX_LEN, DEPTH), dtype=jnp.float32) * 0.02
    return {"seq": seq, "token_table": token_table, "pos_table": pos_table}


def reference(seq, token_table, pos_table):
    # token embedding lookup (gather)
    tok = jnp.take(token_table, seq, axis=0)  # [B, L, D]
    # positional embedding: indices 0..L-1, broadcast over batch
    pos_idx = jnp.arange(seq.shape[1])[None, :]  # [1, L]
    pos = jnp.take(pos_table, pos_idx, axis=0)   # [1, L, D]
    return tok + pos

if __name__ == "__main__":
    import jax
    _d = setup_inputs()
    print(jax.jit(kernel)(*tuple(_d.values())))

</pallas_src>

<mosaic_0001>
#map = affine_map<(d0, d1) -> (0, 0)>
#map1 = affine_map<(d0, d1) -> (0, 0, 0)>
module attributes {stable_mosaic.version = 14 : i64} {
  func.func @emb(%arg0: i32, %arg1: i32, %arg2: memref<200x4096xi32, #tpu.memory_space<hbm>>, %arg3: memref<1000000x32xf32, #tpu.memory_space<hbm>>, %arg4: memref<200x32xf32, #tpu.memory_space<hbm>>, %arg5: memref<200x32x4096xf32, #tpu.memory_space<hbm>>, %arg6: memref<512xi32, #tpu.memory_space<vmem>>, %arg7: memref<512xi32, #tpu.memory_space<vmem>>, %arg8: memref<512x32xf32, #tpu.memory_space<vmem>>, %arg9: memref<512x32xf32, #tpu.memory_space<vmem>>, %arg10: memref<16384xf32, #tpu.memory_space<vmem>>, %arg11: memref<32x512xf32, #tpu.memory_space<vmem>>, %arg12: memref<32x512xf32, #tpu.memory_space<vmem>>, %arg13: memref<200x32xf32, #tpu.memory_space<vmem>>, %arg14: memref<!tpu.dma_semaphore, #tpu.memory_space<semaphore_mem>>, %arg15: memref<!tpu.dma_semaphore, #tpu.memory_space<semaphore_mem>>, %arg16: memref<!tpu.dma_semaphore, #tpu.memory_space<semaphore_mem>>, %arg17: memref<!tpu.dma_semaphore, #tpu.memory_space<semaphore_mem>>) attributes {dimension_semantics = [#tpu.dimension_semantics<core_parallel>, #tpu.dimension_semantics<subcore_parallel>], iteration_bounds = array<i64: 2, 16>, scalar_prefetch = 0 : i64, scratch_operands = 12 : i64, tpu.core_type = #tpu.core_type<sc_vector_subcore>, window_params = [{transform_indices = #map}, {transform_indices = #map}, {transform_indices = #map}, {transform_indices = #map1}]} {
    %mul3A = arith.constant 2 : i32
    %mul3A_0 = arith.muli %arg1, %mul3A : i32
    %add3A = arith.addi %mul3A_0, %arg0 : i32
    %mul3A_1 = arith.constant 50 : i32
    %mul3A_2 = arith.muli %add3A, %mul3A_1 : i32
    "tpu.region"() ({
      %run_scoped3A = tpu.sem_alloc : memref<!tpu.dma_semaphore, #tpu.memory_space<semaphore_mem>>
      tpu.enqueue_dma source(%arg4 : memref<200x32xf32, #tpu.memory_space<hbm>>) target(%arg13 : memref<200x32xf32, #tpu.memory_space<vmem>>) target_semaphore(%run_scoped3A : memref<!tpu.dma_semaphore, #tpu.memory_space<semaphore_mem>>)
      tpu.wait_dma2 semaphore(%run_scoped3A : memref<!tpu.dma_semaphore, #tpu.memory_space<semaphore_mem>>) src(%arg4 : memref<200x32xf32, #tpu.memory_space<hbm>>) dst(%arg13 : memref<200x32xf32, #tpu.memory_space<vmem>>)
      tpu.yield
    }) : () -> ()
    %jit3A = arith.constant 8 : i32
    %div3A = arith.divsi %mul3A_2, %jit3A : i32
    %sign3A = arith.constant 0 : i32
    %sign3A_3 = arith.cmpi sgt, %mul3A_2, %sign3A : i32
    %sign3A_4 = arith.extui %sign3A_3 : i1 to i32
    %sign3A_5 = arith.constant 0 : i32
    %sign3A_6 = arith.cmpi slt, %mul3A_2, %sign3A_5 : i32
    %sign3A_7 = arith.extui %sign3A_6 : i1 to i32
    %sign3A_8 = arith.subi %sign3A_4, %sign3A_7 : i32
    %sign3A_9 = arith.constant 0 : i32
    %sign3A_10 = arith.cmpi sgt, %jit3A, %sign3A_9 : i32
    %sign3A_11 = arith.extui %sign3A_10 : i1 to i32
    %sign3A_12 = arith.constant 0 : i32
    %sign3A_13 = arith.cmpi slt, %jit3A, %sign3A_12 : i32
    %sign3A_14 = arith.extui %sign3A_13 : i1 to i32
    %sign3A_15 = arith.subi %sign3A_11, %sign3A_14 : i32
    %ne3A = arith.cmpi ne, %sign3A_8, %sign3A_15 : i32
    %rem3A = arith.remsi %mul3A_2, %jit3A : i32
    %ne3A_16 = arith.constant 0 : i32
    %ne3A_17 = arith.cmpi ne, %rem3A, %ne3A_16 : i32
    %and3A = arith.andi %ne3A, %ne3A_17 : i1
    %sub3A = arith.constant 1 : i32
    %sub3A_18 = arith.subi %div3A, %sub3A : i32
    %select_n3A = arith.select %and3A, %sub3A_18, %div3A : i32
    %jit3A_19 = arith.constant 8 : i32
    %eq3A = arith.constant 0 : i32
    %eq3A_20 = arith.cmpi eq, %jit3A_19, %eq3A : i32
    %jit3A_21 = arith.constant 1 : i32
    %select_n3A_22 = arith.select %eq3A_20, %jit3A_21, %jit3A_19 : i32
    %rem3A_23 = arith.remsi %mul3A_2, %select_n3A_22 : i32
    %ne3A_24 = arith.constant 0 : i32
    %ne3A_25 = arith.cmpi ne, %rem3A_23, %ne3A_24 : i32
    %lt3A = arith.constant 0 : i32
    %lt3A_26 = arith.cmpi slt, %rem3A_23, %lt3A : i32
    %lt3A_27 = arith.constant 0 : i32
    %lt3A_28 = arith.cmpi slt, %select_n3A_22, %lt3A_27 : i32
    %ne3A_29 = arith.xori %lt3A_26, %lt3A_28 : i1
    %and3A_30 = arith.andi %ne3A_29, %ne3A_25 : i1
    %add3A_31 = arith.addi %rem3A_23, %select_n3A_22 : i32
    %select_n3A_32 = arith.select %and3A_30, %add3A_31, %rem3A_23 : i32
    %mul3A_33 = arith.constant 512 : i32
    %mul3A_34 = arith.muli %select_n3A_32, %mul3A_33 : i32
    "tpu.region"() ({
      %run_scoped3A = tpu.sem_alloc : memref<!tpu.dma_semaphore, #tpu.memory_space<semaphore_mem>>
      %dma_start3A_242 = tpu.memref_slice %arg2[%select_n3A, %mul3A_34] : memref<200x4096xi32, #tpu.memory_space<hbm>> -> memref<1x512xi32, #tpu.memory_space<hbm>>
      %dma_start3A_243 = tpu.memref_squeeze %dma_start3A_242 : memref<1x512xi32, #tpu.memory_space<hbm>> -> memref<512xi32, #tpu.memory_space<hbm>>
      %dma_start3A_244 = tpu.memref_slice %arg2[%select_n3A, %mul3A_34] : memref<200x4096xi32, #tpu.memory_space<hbm>> -> memref<1x512xi32, #tpu.memory_space<hbm>>
      %dma_start3A_245 = tpu.memref_squeeze %dma_start3A_244 : memref<1x512xi32, #tpu.memory_space<hbm>> -> memref<512xi32, #tpu.memory_space<hbm>>
      tpu.enqueue_dma source(%dma_start3A_245 : memref<512xi32, #tpu.memory_space<hbm>>) target(%arg6 : memref<512xi32, #tpu.memory_space<vmem>>) target_semaphore(%run_scoped3A : memref<!tpu.dma_semaphore, #tpu.memory_space<semaphore_mem>>)
      %dma_wait3A_246 = tpu.memref_slice %arg2[%select_n3A, %mul3A_34] : memref<200x4096xi32, #tpu.memory_space<hbm>> -> memref<1x512xi32, #tpu.memory_space<hbm>>
      %dma_wait3A_247 = tpu.memref_squeeze %dma_wait3A_246 : memref<1x512xi32, #tpu.memory_space<hbm>> -> memref<512xi32, #tpu.memory_space<hbm>>
      %dma_wait3A_248 = tpu.memref_slice %arg2[%select_n3A, %mul3A_34] : memref<200x4096xi32, #tpu.memory_space<hbm>> -> memref<1x512xi32, #tpu.memory_space<hbm>>
      %dma_wait3A_249 = tpu.memref_squeeze %dma_wait3A_248 : memref<1x512xi32, #tpu.memory_space<hbm>> -> memref<512xi32, #tpu.memory_space<hbm>>
      tpu.wait_dma2 semaphore(%run_scoped3A : memref<!tpu.dma_semaphore, #tpu.memory_space<semaphore_mem>>) src(%dma_wait3A_249 : memref<512xi32, #tpu.memory_space<hbm>>) dst(%arg6 : memref<512xi32, #tpu.memory_space<vmem>>)
      tpu.yield
    }) : () -> ()
    %dma_start3A = arith.constant 0 : i32
    %dma_start3A_35 = arith.constant 0 : i32
    %dma_start3A_36 = tpu.memref_slice %arg8[%dma_start3A, %dma_start3A_35] : memref<512x32xf32, #tpu.memory_space<vmem>> -> memref<128x32xf32, #tpu.memory_space<vmem>>
    %dma_start3A_37 = arith.constant 0 : i32
    %dma_start3A_38 = tpu.memref_slice %arg6[%dma_start3A_37] : memref<512xi32, #tpu.memory_space<vmem>> -> memref<128xi32, #tpu.memory_space<vmem>>
    %dma_start3A_39 = arith.constant 0 : i32
    %dma_start3A_40 = arith.constant 0 : i32
    %dma_start3A_41 = tpu.memref_slice %arg3[%dma_start3A_39, %dma_start3A_40] : memref<1000000x32xf32, #tpu.memory_space<hbm>> -> memref<1000000x32xf32, #tpu.memory_space<hbm>>
    tpu.enqueue_indirect_dma source(%dma_start3A_41 : memref<1000000x32xf32, #tpu.memory_space<hbm>>) target(%dma_start3A_36 : memref<128x32xf32, #tpu.memory_space<vmem>>) offsets(%dma_start3A_38 : memref<128xi32, #tpu.memory_space<vmem>>) semaphore(%arg14 : memref<!tpu.dma_semaphore, #tpu.memory_space<semaphore_mem>>)
    %dma_start3A_42 = arith.constant 128 : i32
    %dma_start3A_43 = arith.constant 0 : i32
    %dma_start3A_44 = tpu.memref_slice %arg8[%dma_start3A_42, %dma_start3A_43] : memref<512x32xf32, #tpu.memory_space<vmem>> -> memref<128x32xf32, #tpu.memory_space<vmem>>
    %dma_start3A_45 = arith.constant 128 : i32
    %dma_start3A_46 = tpu.memref_slice %arg6[%dma_start3A_45] : memref<512xi32, #tpu.memory_space<vmem>> -> memref<128xi32, #tpu.memory_space<vmem>>
    %dma_start3A_47 = arith.constant 0 : i32
    %dma_start3A_48 = arith.constant 0 : i32
    %dma_start3A_49 = tpu.memref_slice %arg3[%dma_start3A_47, %dma_start3A_48] : memref<1000000x32xf32, #tpu.memory_space<hbm>> -> memref<1000000x32xf32, #tpu.memory_space<hbm>>
    tpu.enqueue_indirect_dma source(%dma_start3A_49 : memref<1000000x32xf32, #tpu.memory_space<hbm>>) target(%dma_start3A_44 : memref<128x32xf32, #tpu.memory_space<vmem>>) offsets(%dma_start3A_46 : memref<128xi32, #tpu.memory_space<vmem>>) semaphore(%arg14 : memref<!tpu.dma_semaphore, #tpu.memory_space<semaphore_mem>>)
    %dma_start3A_50 = arith.constant 256 : i32
    %dma_start3A_51 = arith.constant 0 : i32
    %dma_start3A_52 = tpu.memref_slice %arg8[%dma_start3A_50, %dma_start3A_51] : memref<512x32xf32, #tpu.memory_space<vmem>> -> memref<128x32xf32, #tpu.memory_space<vmem>>
    %dma_start3A_53 = arith.constant 256 : i32
    %dma_start3A_54 = tpu.memref_slice %arg6[%dma_start3A_53] : memref<512xi32, #tpu.memory_space<vmem>> -> memref<128xi32, #tpu.memory_space<vmem>>
    %dma_start3A_55 = arith.constant 0 : i32
    %dma_start3A_56 = arith.constant 0 : i32
    %dma_start3A_57 = tpu.memref_slice %arg3[%dma_start3A_55, %dma_start3A_56] : memref<1000000x32xf32, #tpu.memory_space<hbm>> -> memref<1000000x32xf32, #tpu.memory_space<hbm>>
    tpu.enqueue_indirect_dma source(%dma_start3A_57 : memref<1000000x32xf32, #tpu.memory_space<hbm>>) target(%dma_start3A_52 : memref<128x32xf32, #tpu.memory_space<vmem>>) offsets(%dma_start3A_54 : memref<128xi32, #tpu.memory_space<vmem>>) semaphore(%arg14 : memref<!tpu.dma_semaphore, #tpu.memory_space<semaphore_mem>>)
    %dma_start3A_58 = arith.constant 384 : i32
    %dma_start3A_59 = arith.constant 0 : i32
    %dma_start3A_60 = tpu.memref_slice %arg8[%dma_start3A_58, %dma_start3A_59] : memref<512x32xf32, #tpu.memory_space<vmem>> -> memref<128x32xf32, #tpu.memory_space<vmem>>
    %dma_start3A_61 = arith.constant 384 : i32
    %dma_start3A_62 = tpu.memref_slice %arg6[%dma_start3A_61] : memref<512xi32, #tpu.memory_space<vmem>> -> memref<128xi32, #tpu.memory_space<vmem>>
    %dma_start3A_63 = arith.constant 0 : i32
    %dma_start3A_64 = arith.constant 0 : i32
    %dma_start3A_65 = tpu.memref_slice %arg3[%dma_start3A_63, %dma_start3A_64] : memref<1000000x32xf32, #tpu.memory_space<hbm>> -> memref<1000000x32xf32, #tpu.memory_space<hbm>>
    tpu.enqueue_indirect_dma source(%dma_start3A_65 : memref<1000000x32xf32, #tpu.memory_space<hbm>>) target(%dma_start3A_60 : memref<128x32xf32, #tpu.memory_space<vmem>>) offsets(%dma_start3A_62 : memref<128xi32, #tpu.memory_space<vmem>>) semaphore(%arg14 : memref<!tpu.dma_semaphore, #tpu.memory_space<semaphore_mem>>)
    %add3A_66 = arith.constant 1 : i32
    %add3A_67 = arith.addi %mul3A_2, %add3A_66 : i32
    %jit3A_68 = arith.constant 8 : i32
    %div3A_69 = arith.divsi %add3A_67, %jit3A_68 : i32
    %sign3A_70 = arith.constant 0 : i32
    %sign3A_71 = arith.cmpi sgt, %add3A_67, %sign3A_70 : i32
    %sign3A_72 = arith.extui %sign3A_71 : i1 to i32
    %sign3A_73 = arith.constant 0 : i32
    %sign3A_74 = arith.cmpi slt, %add3A_67, %sign3A_73 : i32
    %sign3A_75 = arith.extui %sign3A_74 : i1 to i32
    %sign3A_76 = arith.subi %sign3A_72, %sign3A_75 : i32
    %sign3A_77 = arith.constant 0 : i32
    %sign3A_78 = arith.cmpi sgt, %jit3A_68, %sign3A_77 : i32
    %sign3A_79 = arith.extui %sign3A_78 : i1 to i32
    %sign3A_80 = arith.constant 0 : i32
    %sign3A_81 = arith.cmpi slt, %jit3A_68, %sign3A_80 : i32
    %sign3A_82 = arith.extui %sign3A_81 : i1 to i32
    %sign3A_83 = arith.subi %sign3A_79, %sign3A_82 : i32
    %ne3A_84 = arith.cmpi ne, %sign3A_76, %sign3A_83 : i32
    %rem3A_85 = arith.remsi %add3A_67, %jit3A_68 : i32
    %ne3A_86 = arith.constant 0 : i32
    %ne3A_87 = arith.cmpi ne, %rem3A_85, %ne3A_86 : i32
    %and3A_88 = arith.andi %ne3A_84, %ne3A_87 : i1
    %sub3A_89 = arith.constant 1 : i32
    %sub3A_90 = arith.subi %div3A_69, %sub3A_89 : i32
    %select_n3A_91 = arith.select %and3A_88, %sub3A_90, %div3A_69 : i32
    %jit3A_92 = arith.constant 8 : i32
    %eq3A_93 = arith.constant 0 : i32
    %eq3A_94 = arith.cmpi eq, %jit3A_92, %eq3A_93 : i32
    %jit3A_95 = arith.constant 1 : i32
    %select_n3A_96 = arith.select %eq3A_94, %jit3A_95, %jit3A_92 : i32
    %rem3A_97 = arith.remsi %add3A_67, %select_n3A_96 : i32
    %ne3A_98 = arith.constant 0 : i32
    %ne3A_99 = arith.cmpi ne, %rem3A_97, %ne3A_98 : i32
    %lt3A_100 = arith.constant 0 : i32
    %lt3A_101 = arith.cmpi slt, %rem3A_97, %lt3A_100 : i32
    %lt3A_102 = arith.constant 0 : i32
    %lt3A_103 = arith.cmpi slt, %select_n3A_96, %lt3A_102 : i32
    %ne3A_104 = arith.xori %lt3A_101, %lt3A_103 : i1
    %and3A_105 = arith.andi %ne3A_104, %ne3A_99 : i1
    %add3A_106 = arith.addi %rem3A_97, %select_n3A_96 : i32
    %select_n3A_107 = arith.select %and3A_105, %add3A_106, %rem3A_97 : i32
    %mul3A_108 = arith.constant 512 : i32
    %mul3A_109 = arith.muli %select_n3A_107, %mul3A_108 : i32
    "tpu.region"() ({
      %run_scoped3A = tpu.sem_alloc : memref<!tpu.dma_semaphore, #tpu.memory_space<semaphore_mem>>
      %dma_start3A_242 = tpu.memref_slice %arg2[%select_n3A_91, %mul3A_109] : memref<200x4096xi32, #tpu.memory_space<hbm>> -> memref<1x512xi32, #tpu.memory_space<hbm>>
      %dma_start3A_243 = tpu.memref_squeeze %dma_start3A_242 : memref<1x512xi32, #tpu.memory_space<hbm>> -> memref<512xi32, #tpu.memory_space<hbm>>
      %dma_start3A_244 = tpu.memref_slice %arg2[%select_n3A_91, %mul3A_109] : memref<200x4096xi32, #tpu.memory_space<hbm>> -> memref<1x512xi32, #tpu.memory_space<hbm>>
      %dma_start3A_245 = tpu.memref_squeeze %dma_start3A_244 : memref<1x512xi32, #tpu.memory_space<hbm>> -> memref<512xi32, #tpu.memory_space<hbm>>
      tpu.enqueue_dma source(%dma_start3A_245 : memref<512xi32, #tpu.memory_space<hbm>>) target(%arg7 : memref<512xi32, #tpu.memory_space<vmem>>) target_semaphore(%run_scoped3A : memref<!tpu.dma_semaphore, #tpu.memory_space<semaphore_mem>>)
      %dma_wait3A_246 = tpu.memref_slice %arg2[%select_n3A_91, %mul3A_109] : memref<200x4096xi32, #tpu.memory_space<hbm>> -> memref<1x512xi32, #tpu.memory_space<hbm>>
      %dma_wait3A_247 = tpu.memref_squeeze %dma_wait3A_246 : memref<1x512xi32, #tpu.memory_space<hbm>> -> memref<512xi32, #tpu.memory_space<hbm>>
      %dma_wait3A_248 = tpu.memref_slice %arg2[%select_n3A_91, %mul3A_109] : memref<200x4096xi32, #tpu.memory_space<hbm>> -> memref<1x512xi32, #tpu.memory_space<hbm>>
      %dma_wait3A_249 = tpu.memref_squeeze %dma_wait3A_248 : memref<1x512xi32, #tpu.memory_space<hbm>> -> memref<512xi32, #tpu.memory_space<hbm>>
      tpu.wait_dma2 semaphore(%run_scoped3A : memref<!tpu.dma_semaphore, #tpu.memory_space<semaphore_mem>>) src(%dma_wait3A_249 : memref<512xi32, #tpu.memory_space<hbm>>) dst(%arg7 : memref<512xi32, #tpu.memory_space<vmem>>)
      tpu.yield
    }) : () -> ()
    %dma_start3A_110 = arith.constant 0 : i32
    %dma_start3A_111 = arith.constant 0 : i32
    %dma_start3A_112 = tpu.memref_slice %arg9[%dma_start3A_110, %dma_start3A_111] : memref<512x32xf32, #tpu.memory_space<vmem>> -> memref<128x32xf32, #tpu.memory_space<vmem>>
    %dma_start3A_113 = arith.constant 0 : i32
    %dma_start3A_114 = tpu.memref_slice %arg7[%dma_start3A_113] : memref<512xi32, #tpu.memory_space<vmem>> -> memref<128xi32, #tpu.memory_space<vmem>>
    %dma_start3A_115 = arith.constant 0 : i32
    %dma_start3A_116 = arith.constant 0 : i32
    %dma_start3A_117 = tpu.memref_slice %arg3[%dma_start3A_115, %dma_start3A_116] : memref<1000000x32xf32, #tpu.memory_space<hbm>> -> memref<1000000x32xf32, #tpu.memory_space<hbm>>
    tpu.enqueue_indirect_dma source(%dma_start3A_117 : memref<1000000x32xf32, #tpu.memory_space<hbm>>) target(%dma_start3A_112 : memref<128x32xf32, #tpu.memory_space<vmem>>) offsets(%dma_start3A_114 : memref<128xi32, #tpu.memory_space<vmem>>) semaphore(%arg15 : memref<!tpu.dma_semaphore, #tpu.memory_space<semaphore_mem>>)
    %dma_start3A_118 = arith.constant 128 : i32
    %dma_start3A_119 = arith.constant 0 : i32
    %dma_start3A_120 = tpu.memref_slice %arg9[%dma_start3A_118, %dma_start3A_119] : memref<512x32xf32, #tpu.memory_space<vmem>> -> memref<128x32xf32, #tpu.memory_space<vmem>>
    %dma_start3A_121 = arith.constant 128 : i32
    %dma_start3A_122 = tpu.memref_slice %arg7[%dma_start3A_121] : memref<512xi32, #tpu.memory_space<vmem>> -> memref<128xi32, #tpu.memory_space<vmem>>
    %dma_start3A_123 = arith.constant 0 : i32
    %dma_start3A_124 = arith.constant 0 : i32
    %dma_start3A_125 = tpu.memref_slice %arg3[%dma_start3A_123, %dma_start3A_124] : memref<1000000x32xf32, #tpu.memory_space<hbm>> -> memref<1000000x32xf32, #tpu.memory_space<hbm>>
    tpu.enqueue_indirect_dma source(%dma_start3A_125 : memref<1000000x32xf32, #tpu.memory_space<hbm>>) target(%dma_start3A_120 : memref<128x32xf32, #tpu.memory_space<vmem>>) offsets(%dma_start3A_122 : memref<128xi32, #tpu.memory_space<vmem>>) semaphore(%arg15 : memref<!tpu.dma_semaphore, #tpu.memory_space<semaphore_mem>>)
    %dma_start3A_126 = arith.constant 256 : i32
    %dma_start3A_127 = arith.constant 0 : i32
    %dma_start3A_128 = tpu.memref_slice %arg9[%dma_start3A_126, %dma_start3A_127] : memref<512x32xf32, #tpu.memory_space<vmem>> -> memref<128x32xf32, #tpu.memory_space<vmem>>
    %dma_start3A_129 = arith.constant 256 : i32
    %dma_start3A_130 = tpu.memref_slice %arg7[%dma_start3A_129] : memref<512xi32, #tpu.memory_space<vmem>> -> memref<128xi32, #tpu.memory_space<vmem>>
    %dma_start3A_131 = arith.constant 0 : i32
    %dma_start3A_132 = arith.constant 0 : i32
    %dma_start3A_133 = tpu.memref_slice %arg3[%dma_start3A_131, %dma_start3A_132] : memref<1000000x32xf32, #tpu.memory_space<hbm>> -> memref<1000000x32xf32, #tpu.memory_space<hbm>>
    tpu.enqueue_indirect_dma source(%dma_start3A_133 : memref<1000000x32xf32, #tpu.memory_space<hbm>>) target(%dma_start3A_128 : memref<128x32xf32, #tpu.memory_space<vmem>>) offsets(%dma_start3A_130 : memref<128xi32, #tpu.memory_space<vmem>>) semaphore(%arg15 : memref<!tpu.dma_semaphore, #tpu.memory_space<semaphore_mem>>)
    %dma_start3A_134 = arith.constant 384 : i32
    %dma_start3A_135 = arith.constant 0 : i32
    %dma_start3A_136 = tpu.memref_slice %arg9[%dma_start3A_134, %dma_start3A_135] : memref<512x32xf32, #tpu.memory_space<vmem>> -> memref<128x32xf32, #tpu.memory_space<vmem>>
    %dma_start3A_137 = arith.constant 384 : i32
    %dma_start3A_138 = tpu.memref_slice %arg7[%dma_start3A_137] : memref<512xi32, #tpu.memory_space<vmem>> -> memref<128xi32, #tpu.memory_space<vmem>>
    %dma_start3A_139 = arith.constant 0 : i32
    %dma_start3A_140 = arith.constant 0 : i32
    %dma_start3A_141 = tpu.memref_slice %arg3[%dma_start3A_139, %dma_start3A_140] : memref<1000000x32xf32, #tpu.memory_space<hbm>> -> memref<1000000x32xf32, #tpu.memory_space<hbm>>
    tpu.enqueue_indirect_dma source(%dma_start3A_141 : memref<1000000x32xf32, #tpu.memory_space<hbm>>) target(%dma_start3A_136 : memref<128x32xf32, #tpu.memory_space<vmem>>) offsets(%dma_start3A_138 : memref<128xi32, #tpu.memory_space<vmem>>) semaphore(%arg15 : memref<!tpu.dma_semaphore, #tpu.memory_space<semaphore_mem>>)
    %scan3A = arith.constant 0 : i32
    %scan3A_142 = arith.constant 0 : i32
    %scan3A_143 = arith.constant 25 : i32
    %scan3A_144 = arith.addi %scan3A_142, %scan3A_143 : i32
    %scan3A_145 = arith.constant 1 : i32
    scf.for %scan3A_242 = %scan3A_142 to %scan3A_144 step %scan3A_145  : i32 {
      %mul3A_243 = arith.constant 2 : i32
      %mul3A_244 = arith.muli %mul3A_243, %scan3A_242 : i32
      %add3A_245 = arith.addi %mul3A_2, %mul3A_244 : i32
      %mul3A_246 = arith.constant 2 : i32
      %mul3A_247 = arith.muli %mul3A_246, %scan3A_242 : i32
      %add3A_248 = arith.addi %mul3A_2, %mul3A_247 : i32
      %add3A_249 = arith.constant 1 : i32
      %add3A_250 = arith.addi %add3A_248, %add3A_249 : i32
      %dma_wait3A_251 = arith.constant 0 : i32
      %dma_wait3A_252 = arith.constant 0 : i32
      %dma_wait3A_253 = tpu.memref_slice %arg3[%dma_wait3A_251, %dma_wait3A_252] : memref<1000000x32xf32, #tpu.memory_space<hbm>> -> memref<512x32xf32, #tpu.memory_space<hbm>>
      %dma_wait3A_254 = arith.constant 0 : i32
      %dma_wait3A_255 = arith.constant 0 : i32
      %dma_wait3A_256 = tpu.memref_slice %arg3[%dma_wait3A_254, %dma_wait3A_255] : memref<1000000x32xf32, #tpu.memory_space<hbm>> -> memref<512x32xf32, #tpu.memory_space<hbm>>
      tpu.wait_dma2 semaphore(%arg14 : memref<!tpu.dma_semaphore, #tpu.memory_space<semaphore_mem>>) src(%arg8 : memref<512x32xf32, #tpu.memory_space<vmem>>) dst(%dma_wait3A_256 : memref<512x32xf32, #tpu.memory_space<hbm>>)
      %gt3A = arith.constant 0 : i32
      %gt3A_257 = arith.cmpi sgt, %scan3A_242, %gt3A : i32
      %convert_element_type3A = arith.extui %gt3A_257 : i1 to i32
      %cond3A = arith.constant 0 : i32
      %cond3A_258 = arith.cmpi ne, %convert_element_type3A, %cond3A : i32
      scf.if %cond3A_258 {
        %jit3A_450 = arith.constant 8 : i32
        %div3A_451 = arith.divsi %add3A_245, %jit3A_450 : i32
        %sign3A_452 = arith.constant 0 : i32
        %sign3A_453 = arith.cmpi sgt, %add3A_245, %sign3A_452 : i32
        %sign3A_454 = arith.extui %sign3A_453 : i1 to i32
        %sign3A_455 = arith.constant 0 : i32
        %sign3A_456 = arith.cmpi slt, %add3A_245, %sign3A_455 : i32
        %sign3A_457 = arith.extui %sign3A_456 : i1 to i32
        %sign3A_458 = arith.subi %sign3A_454, %sign3A_457 : i32
        %sign3A_459 = arith.constant 0 : i32
        %sign3A_460 = arith.cmpi sgt, %jit3A_450, %sign3A_459 : i32
        %sign3A_461 = arith.extui %sign3A_460 : i1 to i32
        %sign3A_462 = arith.constant 0 : i32
        %sign3A_463 = arith.cmpi slt, %jit3A_450, %sign3A_462 : i32
        %sign3A_464 = arith.extui %sign3A_463 : i1 to i32
        %sign3A_465 = arith.subi %sign3A_461, %sign3A_464 : i32
        %ne3A_466 = arith.cmpi ne, %sign3A_458, %sign3A_465 : i32
        %rem3A_467 = arith.remsi %add3A_245, %jit3A_450 : i32
        %ne3A_468 = arith.constant 0 : i32
        %ne3A_469 = arith.cmpi ne, %rem3A_467, %ne3A_468 : i32
        %and3A_470 = arith.andi %ne3A_466, %ne3A_469 : i1
        %sub3A_471 = arith.constant 1 : i32
        %sub3A_472 = arith.subi %div3A_451, %sub3A_471 : i32
        %select_n3A_473 = arith.select %and3A_470, %sub3A_472, %div3A_451 : i32
        %jit3A_474 = arith.constant 8 : i32
        %eq3A_475 = arith.constant 0 : i32
        %eq3A_476 = arith.cmpi eq, %jit3A_474, %eq3A_475 : i32
        %jit3A_477 = arith.constant 1 : i32
        %select_n3A_478 = arith.select %eq3A_476, %jit3A_477, %jit3A_474 : i32
        %rem3A_479 = arith.remsi %add3A_245, %select_n3A_478 : i32
        %ne3A_480 = arith.constant 0 : i32
        %ne3A_481 = arith.cmpi ne, %rem3A_479, %ne3A_480 : i32
        %lt3A_482 = arith.constant 0 : i32
        %lt3A_483 = arith.cmpi slt, %rem3A_479, %lt3A_482 : i32
        %lt3A_484 = arith.constant 0 : i32
        %lt3A_485 = arith.cmpi slt, %select_n3A_478, %lt3A_484 : i32
        %ne3A_486 = arith.xori %lt3A_483, %lt3A_485 : i1
        %and3A_487 = arith.andi %ne3A_486, %ne3A_481 : i1
        %add3A_488 = arith.addi %rem3A_479, %select_n3A_478 : i32
        %select_n3A_489 = arith.select %and3A_487, %add3A_488, %rem3A_479 : i32
        %mul3A_490 = arith.constant 512 : i32
        %mul3A_491 = arith.muli %select_n3A_489, %mul3A_490 : i32
        %dma_wait3A_492 = arith.constant 0 : i32
        %dma_wait3A_493 = tpu.memref_slice %arg5[%select_n3A_473, %dma_wait3A_492, %mul3A_491] : memref<200x32x4096xf32, #tpu.memory_space<hbm>> -> memref<1x32x512xf32, #tpu.memory_space<hbm>>
        %dma_wait3A_494 = tpu.memref_squeeze %dma_wait3A_493 : memref<1x32x512xf32, #tpu.memory_space<hbm>> -> memref<32x512xf32, #tpu.memory_space<hbm>>
        %dma_wait3A_495 = arith.constant 0 : i32
        %dma_wait3A_496 = tpu.memref_slice %arg5[%select_n3A_473, %dma_wait3A_495, %mul3A_491] : memref<200x32x4096xf32, #tpu.memory_space<hbm>> -> memref<1x32x512xf32, #tpu.memory_space<hbm>>
        %dma_wait3A_497 = tpu.memref_squeeze %dma_wait3A_496 : memref<1x32x512xf32, #tpu.memory_space<hbm>> -> memref<32x512xf32, #tpu.memory_space<hbm>>
        tpu.wait_dma2 semaphore(%arg16 : memref<!tpu.dma_semaphore, #tpu.memory_space<semaphore_mem>>) src(%arg11 : memref<32x512xf32, #tpu.memory_space<vmem>>) dst(%dma_wait3A_497 : memref<32x512xf32, #tpu.memory_space<hbm>>)
      } else {
      }
      %jit3A_259 = arith.constant 8 : i32
      %div3A_260 = arith.divsi %add3A_245, %jit3A_259 : i32
      %sign3A_261 = arith.constant 0 : i32
      %sign3A_262 = arith.cmpi sgt, %add3A_245, %sign3A_261 : i32
      %sign3A_263 = arith.extui %sign3A_262 : i1 to i32
      %sign3A_264 = arith.constant 0 : i32
      %sign3A_265 = arith.cmpi slt, %add3A_245, %sign3A_264 : i32
      %sign3A_266 = arith.extui %sign3A_265 : i1 to i32
      %sign3A_267 = arith.subi %sign3A_263, %sign3A_266 : i32
      %sign3A_268 = arith.constant 0 : i32
      %sign3A_269 = arith.cmpi sgt, %jit3A_259, %sign3A_268 : i32
      %sign3A_270 = arith.extui %sign3A_269 : i1 to i32
      %sign3A_271 = arith.constant 0 : i32
      %sign3A_272 = arith.cmpi slt, %jit3A_259, %sign3A_271 : i32
      %sign3A_273 = arith.extui %sign3A_272 : i1 to i32
      %sign3A_274 = arith.subi %sign3A_270, %sign3A_273 : i32
      %ne3A_275 = arith.cmpi ne, %sign3A_267, %sign3A_274 : i32
      %rem3A_276 = arith.remsi %add3A_245, %jit3A_259 : i32
      %ne3A_277 = arith.constant 0 : i32
      %ne3A_278 = arith.cmpi ne, %rem3A_276, %ne3A_277 : i32
      %and3A_279 = arith.andi %ne3A_275, %ne3A_278 : i1
      %sub3A_280 = arith.constant 1 : i32
      %sub3A_281 = arith.subi %div3A_260, %sub3A_280 : i32
      %select_n3A_282 = arith.select %and3A_279, %sub3A_281, %div3A_260 : i32
      %get3A = arith.index_cast %select_n3A_282 : i32 to index
      %get3A_283 = arith.constant 0 : index
      %get3A_284 = tpu.vector_load %arg13[%get3A, %get3A_283] {strides = array<i32>} : memref<200x32xf32, #tpu.memory_space<vmem>>, vector<16xf32>,
      %get3A_285 = arith.index_cast %select_n3A_282 : i32 to index
      %get3A_286 = arith.constant 16 : index
      %get3A_287 = tpu.vector_load %arg13[%get3A_285, %get3A_286] {strides = array<i32>} : memref<200x32xf32, #tpu.memory_space<vmem>>, vector<16xf32>,
      %parallel_loop3A = arith.constant 0 : i32
      %parallel_loop3A_288 = arith.constant 512 : i32
      %parallel_loop3A_289 = arith.constant 1 : i32
      scf.for %parallel_loop3A_450 = %parallel_loop3A to %parallel_loop3A_288 step %parallel_loop3A_289  : i32 {
        %parallel_loop3A_451 = tpu.iota {dimensions = array<i32: 0>} : vector<16xi32>
        %parallel_loop3A_452 = vector.broadcast %parallel_loop3A_450 : i32 to vector<16xi32>
        %parallel_loop3A_453 = arith.addi %parallel_loop3A_451, %parallel_loop3A_452 : vector<16xi32>
        %parallel_loop3A_454 = arith.constant 15 : i32
        %parallel_loop3A_455 = vector.broadcast %parallel_loop3A_454 : i32 to vector<16xi32>
        %parallel_loop3A_456 = arith.andi %parallel_loop3A_453, %parallel_loop3A_455 : vector<16xi32>
        %parallel_loop3A_457 = arith.index_cast %parallel_loop3A_450 : i32 to index
        %parallel_loop3A_458 = arith.constant 0 : index
        %parallel_loop3A_459 = tpu.vector_load %arg8[%parallel_loop3A_457, %parallel_loop3A_458] {strides = array<i32>} : memref<512x32xf32, #tpu.memory_space<vmem>>, vector<16xf32>,
        %parallel_loop3A_460 = arith.addf %parallel_loop3A_459, %get3A_284 : vector<16xf32>
        %parallel_loop3A_461 = arith.constant 32 : i32
        %parallel_loop3A_462 = arith.muli %parallel_loop3A_450, %parallel_loop3A_461 : i32
        %parallel_loop3A_463 = arith.constant 0 : i32
        %parallel_loop3A_464 = arith.addi %parallel_loop3A_462, %parallel_loop3A_463 : i32
        %parallel_loop3A_465 = vector.broadcast %parallel_loop3A_464 : i32 to vector<16xi32>
        %parallel_loop3A_466 = arith.addi %parallel_loop3A_465, %parallel_loop3A_456 : vector<16xi32>
        tpu.vector_store_idx %arg10[%parallel_loop3A_466], %parallel_loop3A_460 : memref<16384xf32, #tpu.memory_space<vmem>>[vector<16xi32>], vector<16xf32>,
        %parallel_loop3A_467 = arith.index_cast %parallel_loop3A_450 : i32 to index
        %parallel_loop3A_468 = arith.constant 16 : index
        %parallel_loop3A_469 = tpu.vector_load %arg8[%parallel_loop3A_467, %parallel_loop3A_468] {strides = array<i32>} : memref<512x32xf32, #tpu.memory_space<vmem>>, vector<16xf32>,
        %parallel_loop3A_470 = arith.addf %parallel_loop3A_469, %get3A_287 : vector<16xf32>
        %parallel_loop3A_471 = arith.constant 32 : i32
        %parallel_loop3A_472 = arith.muli %parallel_loop3A_450, %parallel_loop3A_471 : i32
        %parallel_loop3A_473 = arith.constant 16 : i32
        %parallel_loop3A_474 = arith.addi %parallel_loop3A_472, %parallel_loop3A_473 : i32
        %parallel_loop3A_475 = vector.broadcast %parallel_loop3A_474 : i32 to vector<16xi32>
        %parallel_loop3A_476 = arith.addi %parallel_loop3A_475, %parallel_loop3A_456 : vector<16xi32>
        tpu.vector_store_idx %arg10[%parallel_loop3A_476], %parallel_loop3A_470 : memref<16384xf32, #tpu.memory_space<vmem>>[vector<16xi32>], vector<16xf32>,
      } {sc.loop_unroll_factor = 1 : i64, sc.parallel_access}
      %parallel_loop3A_290 = arith.constant 0 : i32
      %parallel_loop3A_291 = arith.constant 32 : i32
      %parallel_loop3A_292 = arith.constant 1 : i32
      scf.for %parallel_loop3A_450 = %parallel_loop3A_290 to %parallel_loop3A_291 step %parallel_loop3A_292  : i32 {
        %parallel_loop3A_451 = arith.constant 16 : i32
        %parallel_loop3A_452 = arith.muli %parallel_loop3A_450, %parallel_loop3A_451 : i32
        %parallel_loop3A_453 = tpu.iota {dimensions = array<i32: 0>} : vector<16xi32>
        %parallel_loop3A_454 = vector.broadcast %parallel_loop3A_452 : i32 to vector<16xi32>
        %parallel_loop3A_455 = arith.addi %parallel_loop3A_454, %parallel_loop3A_453 : vector<16xi32>
        %parallel_loop3A_456 = arith.constant 32 : i32
        %parallel_loop3A_457 = vector.broadcast %parallel_loop3A_456 : i32 to vector<16xi32>
        %parallel_loop3A_458 = arith.muli %parallel_loop3A_455, %parallel_loop3A_457 : vector<16xi32>
        %parallel_loop3A_459 = arith.constant 0 : i32
        %parallel_loop3A_460 = arith.addi %parallel_loop3A_459, %parallel_loop3A_452 : i32
        %parallel_loop3A_461 = vector.broadcast %parallel_loop3A_460 : i32 to vector<16xi32>
        %parallel_loop3A_462 = arith.addi %parallel_loop3A_461, %parallel_loop3A_453 : vector<16xi32>
        %parallel_loop3A_463 = arith.constant 15 : i32
        %parallel_loop3A_464 = vector.broadcast %parallel_loop3A_463 : i32 to vector<16xi32>
        %parallel_loop3A_465 = arith.andi %parallel_loop3A_462, %parallel_loop3A_464 : vector<16xi32>
        %parallel_loop3A_466 = arith.constant 0 : i32
        %parallel_loop3A_467 = vector.broadcast %parallel_loop3A_466 : i32 to vector<16xi32>
        %parallel_loop3A_468 = arith.addi %parallel_loop3A_458, %parallel_loop3A_467 : vector<16xi32>
        %parallel_loop3A_469 = arith.addi %parallel_loop3A_468, %parallel_loop3A_465 : vector<16xi32>
        %parallel_loop3A_470 = tpu.vector_load_idx %arg10[%parallel_loop3A_469] : memref<16384xf32, #tpu.memory_space<vmem>>[vector<16xi32>], vector<16xf32>,
        %parallel_loop3A_471 = arith.constant 0 : i32
        %parallel_loop3A_472 = arith.index_cast %parallel_loop3A_471 : i32 to index
        %parallel_loop3A_473 = arith.index_cast %parallel_loop3A_452 : i32 to index
        %parallel_loop3A_474 = tpu.vector_load %arg11[%parallel_loop3A_472, %parallel_loop3A_473] {strides = array<i32>} : memref<32x512xf32, #tpu.memory_space<vmem>>, vector<16xf32>,
        tpu.vector_store %arg11[%parallel_loop3A_472, %parallel_loop3A_473], %parallel_loop3A_470 {strides = array<i32>} : memref<32x512xf32, #tpu.memory_space<vmem>>, vector<16xf32>,
        %parallel_loop3A_475 = arith.constant 1 : i32
        %parallel_loop3A_476 = arith.addi %parallel_loop3A_475, %parallel_loop3A_452 : i32
        %parallel_loop3A_477 = vector.broadcast %parallel_loop3A_476 : i32 to vector<16xi32>
        %parallel_loop3A_478 = arith.addi %parallel_loop3A_477, %parallel_loop3A_453 : vector<16xi32>
        %parallel_loop3A_479 = arith.constant 15 : i32
        %parallel_loop3A_480 = vector.broadcast %parallel_loop3A_479 : i32 to vector<16xi32>
        %parallel_loop3A_481 = arith.andi %parallel_loop3A_478, %parallel_loop3A_480 : vector<16xi32>
        %parallel_loop3A_482 = arith.constant 0 : i32
        %parallel_loop3A_483 = vector.broadcast %parallel_loop3A_482 : i32 to vector<16xi32>
        %parallel_loop3A_484 = arith.addi %parallel_loop3A_458, %parallel_loop3A_483 : vector<16xi32>
        %parallel_loop3A_485 = arith.addi %parallel_loop3A_484, %parallel_loop3A_481 : vector<16xi32>
        %parallel_loop3A_486 = tpu.vector_load_idx %arg10[%parallel_loop3A_485] : memref<16384xf32, #tpu.memory_space<vmem>>[vector<16xi32>], vector<16xf32>,
        %parallel_loop3A_487 = arith.constant 1 : i32
        %parallel_loop3A_488 = arith.index_cast %parallel_loop3A_487 : i32 to index
        %parallel_loop3A_489 = arith.index_cast %parallel_loop3A_452 : i32 to index
        %parallel_loop3A_490 = tpu.vector_load %arg11[%parallel_loop3A_488, %parallel_loop3A_489] {strides = array<i32>} : memref<32x512xf32, #tpu.memory_space<vmem>>, vector<16xf32>,
        tpu.vector_store %arg11[%parallel_loop3A_488, %parallel_loop3A_489], %parallel_loop3A_486 {strides = array<i32>} : memref<32x512xf32, #tpu.memory_space<vmem>>, vector<16xf32>,
        %parallel_loop3A_491 = arith.constant 2 : i32
        %parallel_loop3A_492 = arith.addi %parallel_loop3A_491, %parallel_loop3A_452 : i32
        %parallel_loop3A_493 = vector.broadcast %parallel_loop3A_492 : i32 to vector<16xi32>
        %parallel_loop3A_494 = arith.addi %parallel_loop3A_493, %parallel_loop3A_453 : vector<16xi32>
        %parallel_loop3A_495 = arith.constant 15 : i32
        %parallel_loop3A_496 = vector.broadcast %parallel_loop3A_495 : i32 to vector<16xi32>
        %parallel_loop3A_497 = arith.andi %parallel_loop3A_494, %parallel_loop3A_496 : vector<16xi32>
        %parallel_loop3A_498 = arith.constant 0 : i32
        %parallel_loop3A_499 = vector.broadcast %parallel_loop3A_498 : i32 to vector<16xi32>
        %parallel_loop3A_500 = arith.addi %parallel_loop3A_458, %parallel_loop3A_499 : vector<16xi32>
        %parallel_loop3A_501 = arith.addi %parallel_loop3A_500, %parallel_loop3A_497 : vector<16xi32>
        %parallel_loop3A_502 = tpu.vector_load_idx %arg10[%parallel_loop3A_501] : memref<16384xf32, #tpu.memory_space<vmem>>[vector<16xi32>], vector<16xf32>,
        %parallel_loop3A_503 = arith.constant 2 : i32
        %parallel_loop3A_504 = arith.index_cast %parallel_loop3A_503 : i32 to index
        %parallel_loop3A_505 = arith.index_cast %parallel_loop3A_452 : i32 to index
        %parallel_loop3A_506 = tpu.vector_load %arg11[%parallel_loop3A_504, %parallel_loop3A_505] {strides = array<i32>} : memref<32x512xf32, #tpu.memory_space<vmem>>, vector<16xf32>,
        tpu.vector_store %arg11[%parallel_loop3A_504, %parallel_loop3A_505], %parallel_loop3A_502 {strides = array<i32>} : memref<32x512xf32, #tpu.memory_space<vmem>>, vector<16xf32>,
        %parallel_loop3A_507 = arith.constant 3 : i32
        %parallel_loop3A_508 = arith.addi %parallel_loop3A_507, %parallel_loop3A_452 : i32
        %parallel_loop3A_509 = vector.broadcast %parallel_loop3A_508 : i32 to vector<16xi32>
        %parallel_loop3A_510 = arith.addi %parallel_loop3A_509, %parallel_loop3A_453 : vector<16xi32>
        %parallel_loop3A_511 = arith.constant 15 : i32
        %parallel_loop3A_512 = vector.broadcast %parallel_loop3A_511 : i32 to vector<16xi32>
        %parallel_loop3A_513 = arith.andi %parallel_loop3A_510, %parallel_loop3A_512 : vector<16xi32>
        %parallel_loop3A_514 = arith.constant 0 : i32
        %parallel_loop3A_515 = vector.broadcast %parallel_loop3A_514 : i32 to vector<16xi32>
        %parallel_loop3A_516 = arith.addi %parallel_loop3A_458, %parallel_loop3A_515 : vector<16xi32>
        %parallel_loop3A_517 = arith.addi %parallel_loop3A_516, %parallel_loop3A_513 : vector<16xi32>
        %parallel_loop3A_518 = tpu.vector_load_idx %arg10[%parallel_loop3A_517] : memref<16384xf32, #tpu.memory_space<vmem>>[vector<16xi32>], vector<16xf32>,
        %parallel_loop3A_519 = arith.constant 3 : i32
        %parallel_loop3A_520 = arith.index_cast %parallel_loop3A_519 : i32 to index
        %parallel_loop3A_521 = arith.index_cast %parallel_loop3A_452 : i32 to index
        %parallel_loop3A_522 = tpu.vector_load %arg11[%parallel_loop3A_520, %parallel_loop3A_521] {strides = array<i32>} : memref<32x512xf32, #tpu.memory_space<vmem>>, vector<16xf32>,
        tpu.vector_store %arg11[%parallel_loop3A_520, %parallel_loop3A_521], %parallel_loop3A_518 {strides = array<i32>} : memref<32x512xf32, #tpu.memory_space<vmem>>, vector<16xf32>,
        %parallel_loop3A_523 = arith.constant 4 : i32
        %parallel_loop3A_524 = arith.addi %parallel_loop3A_523, %parallel_loop3A_452 : i32
        %parallel_loop3A_525 = vector.broadcast %parallel_loop3A_524 : i32 to vector<16xi32>
        %parallel_loop3A_526 = arith.addi %parallel_loop3A_525, %parallel_loop3A_453 : vector<16xi32>
        %parallel_loop3A_527 = arith.constant 15 : i32
        %parallel_loop3A_528 = vector.broadcast %parallel_loop3A_527 : i32 to vector<16xi32>
        %parallel_loop3A_529 = arith.andi %parallel_loop3A_526, %parallel_loop3A_528 : vector<16xi32>
        %parallel_loop3A_530 = arith.constant 0 : i32
        %parallel_loop3A_531 = vector.broadcast %parallel_loop3A_530 : i32 to vector<16xi32>
        %parallel_loop3A_532 = arith.addi %parallel_loop3A_458, %parallel_loop3A_531 : vector<16xi32>
        %parallel_loop3A_533 = arith.addi %parallel_loop3A_532, %parallel_loop3A_529 : vector<16xi32>
        %parallel_loop3A_534 = tpu.vector_load_idx %arg10[%parallel_loop3A_533] : memref<16384xf32, #tpu.memory_space<vmem>>[vector<16xi32>], vector<16xf32>,
        %parallel_loop3A_535 = arith.constant 4 : i32
        %parallel_loop3A_536 = arith.index_cast %parallel_loop3A_535 : i32 to index
        %parallel_loop3A_537 = arith.index_cast %parallel_loop3A_452 : i32 to index
        %parallel_loop3A_538 = tpu.vector_load %arg11[%parallel_loop3A_536, %parallel_loop3A_537] {strides = array<i32>} : memref<32x512xf32, #tpu.memory_space<vmem>>, vector<16xf32>,
        tpu.vector_store %arg11[%parallel_loop3A_536, %parallel_loop3A_537], %parallel_loop3A_534 {strides = array<i32>} : memref<32x512xf32, #tpu.memory_space<vmem>>, vector<16xf32>,
        %parallel_loop3A_539 = arith.constant 5 : i32
        %parallel_loop3A_540 = arith.addi %parallel_loop3A_539, %parallel_loop3A_452 : i32
        %parallel_loop3A_541 = vector.broadcast %parallel_loop3A_540 : i32 to vector<16xi32>
        %parallel_loop3A_542 = arith.addi %parallel_loop3A_541, %parallel_loop3A_453 : vector<16xi32>
        %parallel_loop3A_543 = arith.constant 15 : i32
        %parallel_loop3A_544 = vector.broadcast %parallel_loop3A_543 : i32 to vector<16xi32>
        %parallel_loop3A_545 = arith.andi %parallel_loop3A_542, %parallel_loop3A_544 : vector<16xi32>
        %parallel_loop3A_546 = arith.constant 0 : i32
        %parallel_loop3A_547 = vector.broadcast %parallel_loop3A_546 : i32 to vector<16xi32>
        %parallel_loop3A_548 = arith.addi %parallel_loop3A_458, %parallel_loop3A_547 : vector<16xi32>
        %parallel_loop3A_549 = arith.addi %parallel_loop3A_548, %parallel_loop3A_545 : vector<16xi32>
        %parallel_loop3A_550 = tpu.vector_load_idx %arg10[%parallel_loop3A_549] : memref<16384xf32, #tpu.memory_space<vmem>>[vector<16xi32>], vector<16xf32>,
        %parallel_loop3A_551 = arith.constant 5 : i32
        %parallel_loop3A_552 = arith.index_cast %parallel_loop3A_551 : i32 to index
        %parallel_loop3A_553 = arith.index_cast %parallel_loop3A_452 : i32 to index
        %parallel_loop3A_554 = tpu.vector_load %arg11[%parallel_loop3A_552, %parallel_loop3A_553] {strides = array<i32>} : memref<32x512xf32, #tpu.memory_space<vmem>>, vector<16xf32>,
        tpu.vector_store %arg11[%parallel_loop3A_552, %parallel_loop3A_553], %parallel_loop3A_550 {strides = array<i32>} : memref<32x512xf32, #tpu.memory_space<vmem>>, vector<16xf32>,
        %parallel_loop3A_555 = arith.constant 6 : i32
        %parallel_loop3A_556 = arith.addi %parallel_loop3A_555, %parallel_loop3A_452 : i32
        %parallel_loop3A_557 = vector.broadcast %parallel_loop3A_556 : i32 to vector<16xi32>
        %parallel_loop3A_558 = arith.addi %parallel_loop3A_557, %parallel_loop3A_453 : vector<16xi32>
        %parallel_loop3A_559 = arith.constant 15 : i32
        %parallel_loop3A_560 = vector.broadcast %parallel_loop3A_559 : i32 to vector<16xi32>
        %parallel_loop3A_561 = arith.andi %parallel_loop3A_558, %parallel_loop3A_560 : vector<16xi32>
        %parallel_loop3A_562 = arith.constant 0 : i32
        %parallel_loop3A_563 = vector.broadcast %parallel_loop3A_562 : i32 to vector<16xi32>
        %parallel_loop3A_564 = arith.addi %parallel_loop3A_458, %parallel_loop3A_563 : vector<16xi32>
        %parallel_loop3A_565 = arith.addi %parallel_loop3A_564, %parallel_loop3A_561 : vector<16xi32>
        %parallel_loop3A_566 = tpu.vector_load_idx %arg10[%parallel_loop3A_565] : memref<16384xf32, #tpu.memory_space<vmem>>[vector<16xi32>], vector<16xf32>,
        %parallel_loop3A_567 = arith.constant 6 : i32
        %parallel_loop3A_568 = arith.index_cast %parallel_loop3A_567 : i32 to index
        %parallel_loop3A_569 = arith.index_cast %parallel_loop3A_452 : i32 to index
        %parallel_loop3A_570 = tpu.vector_load %arg11[%parallel_loop3A_568, %parallel_loop3A_569] {strides = array<i32>} : memref<32x512xf32, #tpu.memory_space<vmem>>, vector<16xf32>,
        tpu.vector_store %arg11[%parallel_loop3A_568, %parallel_loop3A_569], %parallel_loop3A_566 {strides = array<i32>} : memref<32x512xf32, #tpu.memory_space<vmem>>, vector<16xf32>,
        %parallel_loop3A_571 = arith.constant 7 : i32
        %parallel_loop3A_572 = arith.addi %parallel_loop3A_571, %parallel_loop3A_452 : i32
        %parallel_loop3A_573 = vector.broadcast %parallel_loop3A_572 : i32 to vector<16xi32>
        %parallel_loop3A_574 = arith.addi %parallel_loop3A_573, %parallel_loop3A_453 : vector<16xi32>
        %parallel_loop3A_575 = arith.constant 15 : i32
        %parallel_loop3A_576 = vector.broadcast %parallel_loop3A_575 : i32 to vector<16xi32>
        %parallel_loop3A_577 = arith.andi %parallel_loop3A_574, %parallel_loop3A_576 : vector<16xi32>
        %parallel_loop3A_578 = arith.constant 0 : i32
        %parallel_loop3A_579 = vector.broadcast %parallel_loop3A_578 : i32 to vector<16xi32>
        %parallel_loop3A_580 = arith.addi %parallel_loop3A_458, %parallel_loop3A_579 : vector<16xi32>
        %parallel_loop3A_581 = arith.addi %parallel_loop3A_580, %parallel_loop3A_577 : vector<16xi32>
        %parallel_loop3A_582 = tpu.vector_load_idx %arg10[%parallel_loop3A_581] : memref<16384xf32, #tpu.memory_space<vmem>>[vector<16xi32>], vector<16xf32>,
        %parallel_loop3A_583 = arith.constant 7 : i32
        %parallel_loop3A_584 = arith.index_cast %parallel_loop3A_583 : i32 to index
        %parallel_loop3A_585 = arith.index_cast %parallel_loop3A_452 : i32 to index
        %parallel_loop3A_586 = tpu.vector_load %arg11[%parallel_loop3A_584, %parallel_loop3A_585] {strides = array<i32>} : memref<32x512xf32, #tpu.memory_space<vmem>>, vector<16xf32>,
        tpu.vector_store %arg11[%parallel_loop3A_584, %parallel_loop3A_585], %parallel_loop3A_582 {strides = array<i32>} : memref<32x512xf32, #tpu.memory_space<vmem>>, vector<16xf32>,
        %parallel_loop3A_587 = arith.constant 8 : i32
        %parallel_loop3A_588 = arith.addi %parallel_loop3A_587, %parallel_loop3A_452 : i32
        %parallel_loop3A_589 = vector.broadcast %parallel_loop3A_588 : i32 to vector<16xi32>
        %parallel_loop3A_590 = arith.addi %parallel_loop3A_589, %parallel_loop3A_453 : vector<16xi32>
        %parallel_loop3A_591 = arith.constant 15 : i32
        %parallel_loop3A_592 = vector.broadcast %parallel_loop3A_591 : i32 to vector<16xi32>
        %parallel_loop3A_593 = arith.andi %parallel_loop3A_590, %parallel_loop3A_592 : vector<16xi32>
        %parallel_loop3A_594 = arith.constant 0 : i32
        %parallel_loop3A_595 = vector.broadcast %parallel_loop3A_594 : i32 to vector<16xi32>
        %parallel_loop3A_596 = arith.addi %parallel_loop3A_458, %parallel_loop3A_595 : vector<16xi32>
        %parallel_loop3A_597 = arith.addi %parallel_loop3A_596, %parallel_loop3A_593 : vector<16xi32>
        %parallel_loop3A_598 = tpu.vector_load_idx %arg10[%parallel_loop3A_597] : memref<16384xf32, #tpu.memory_space<vmem>>[vector<16xi32>], vector<16xf32>,
        %parallel_loop3A_599 = arith.constant 8 : i32
        %parallel_loop3A_600 = arith.index_cast %parallel_loop3A_599 : i32 to index
        %parallel_loop3A_601 = arith.index_cast %parallel_loop3A_452 : i32 to index
        %parallel_loop3A_602 = tpu.vector_load %arg11[%parallel_loop3A_600, %parallel_loop3A_601] {strides = array<i32>} : memref<32x512xf32, #tpu.memory_space<vmem>>, vector<16xf32>,
        tpu.vector_store %arg11[%parallel_loop3A_600, %parallel_loop3A_601], %parallel_loop3A_598 {strides = array<i32>} : memref<32x512xf32, #tpu.memory_space<vmem>>, vector<16xf32>,
        %parallel_loop3A_603 = arith.constant 9 : i32
        %parallel_loop3A_604 = arith.addi %parallel_loop3A_603, %parallel_loop3A_452 : i32
        %parallel_loop3A_605 = vector.broadcast %parallel_loop3A_604 : i32 to vector<16xi32>
        %parallel_loop3A_606 = arith.addi %parallel_loop3A_605, %parallel_loop3A_453 : vector<16xi32>
        %parallel_loop3A_607 = arith.constant 15 : i32
        %parallel_loop3A_608 = vector.broadcast %parallel_loop3A_607 : i32 to vector<16xi32>
        %parallel_loop3A_609 = arith.andi %parallel_loop3A_606, %parallel_loop3A_608 : vector<16xi32>
        %parallel_loop3A_610 = arith.constant 0 : i32
        %parallel_loop3A_611 = vector.broadcast %parallel_loop3A_610 : i32 to vector<16xi32>
        %parallel_loop3A_612 = arith.addi %parallel_loop3A_458, %parallel_loop3A_611 : vector<16xi32>
        %parallel_loop3A_613 = arith.addi %parallel_loop3A_612, %parallel_loop3A_609 : vector<16xi32>
        %parallel_loop3A_614 = tpu.vector_load_idx %arg10[%parallel_loop3A_613] : memref<16384xf32, #tpu.memory_space<vmem>>[vector<16xi32>], vector<16xf32>,
        %parallel_loop3A_615 = arith.constant 9 : i32
        %parallel_loop3A_616 = arith.index_cast %parallel_loop3A_615 : i32 to index
        %parallel_loop3A_617 = arith.index_cast %parallel_loop3A_452 : i32 to index
        %parallel_loop3A_618 = tpu.vector_load %arg11[%parallel_loop3A_616, %parallel_loop3A_617] {strides = array<i32>} : memref<32x512xf32, #tpu.memory_space<vmem>>, vector<16xf32>,
        tpu.vector_store %arg11[%parallel_loop3A_616, %parallel_loop3A_617], %parallel_loop3A_614 {strides = array<i32>} : memref<32x512xf32, #tpu.memory_space<vmem>>, vector<16xf32>,
        %parallel_loop3A_619 = arith.constant 10 : i32
        %parallel_loop3A_620 = arith.addi %parallel_loop3A_619, %parallel_loop3A_452 : i32
        %parallel_loop3A_621 = vector.broadcast %parallel_loop3A_620 : i32 to vector<16xi32>
        %parallel_loop3A_622 = arith.addi %parallel_loop3A_621, %parallel_loop3A_453 : vector<16xi32>
        %parallel_loop3A_623 = arith.constant 15 : i32
        %parallel_loop3A_624 = vector.broadcast %parallel_loop3A_623 : i32 to vector<16xi32>
        %parallel_loop3A_625 = arith.andi %parallel_loop3A_622, %parallel_loop3A_624 : vector<16xi32>
        %parallel_loop3A_626 = arith.constant 0 : i32
        %parallel_loop3A_627 = vector.broadcast %parallel_loop3A_626 : i32 to vector<16xi32>
        %parallel_loop3A_628 = arith.addi %parallel_loop3A_458, %parallel_loop3A_627 : vector<16xi32>
        %parallel_loop3A_629 = arith.addi %parallel_loop3A_628, %parallel_loop3A_625 : vector<16xi32>
        %parallel_loop3A_630 = tpu.vector_load_idx %arg10[%parallel_loop3A_629] : memref<16384xf32, #tpu.memory_space<vmem>>[vector<16xi32>], vector<16xf32>,
        %parallel_loop3A_631 = arith.constant 10 : i32
        %parallel_loop3A_632 = arith.index_cast %parallel_loop3A_631 : i32 to index
        %parallel_loop3A_633 = arith.index_cast %parallel_loop3A_452 : i32 to index
        %parallel_loop3A_634 = tpu.vector_load %arg11[%parallel_loop3A_632, %parallel_loop3A_633] {strides = array<i32>} : memref<32x512xf32, #tpu.memory_space<vmem>>, vector<16xf32>,
        tpu.vector_store %arg11[%parallel_loop3A_632, %parallel_loop3A_633], %parallel_loop3A_630 {strides = array<i32>} : memref<32x512xf32, #tpu.memory_space<vmem>>, vector<16xf32>,
        %parallel_loop3A_635 = arith.constant 11 : i32
        %parallel_loop3A_636 = arith.addi %parallel_loop3A_635, %parallel_loop3A_452 : i32
        %parallel_loop3A_637 = vector.broadcast %parallel_loop3A_636 : i32 to vector<16xi32>
        %parallel_loop3A_638 = arith.addi %parallel_loop3A_637, %parallel_loop3A_453 : vector<16xi32>
        %parallel_loop3A_639 = arith.constant 15 : i32
        %parallel_loop3A_640 = vector.broadcast %parallel_loop3A_639 : i32 to vector<16xi32>
        %parallel_loop3A_641 = arith.andi %parallel_loop3A_638, %parallel_loop3A_640 : vector<16xi32>
        %parallel_loop3A_642 = arith.constant 0 : i32
        %parallel_loop3A_643 = vector.broadcast %parallel_loop3A_642 : i32 to vector<16xi32>
        %parallel_loop3A_644 = arith.addi %parallel_loop3A_458, %parallel_loop3A_643 : vector<16xi32>
        %parallel_loop3A_645 = arith.addi %parallel_loop3A_644, %parallel_loop3A_641 : vector<16xi32>
        %parallel_loop3A_646 = tpu.vector_load_idx %arg10[%parallel_loop3A_645] : memref<16384xf32, #tpu.memory_space<vmem>>[vector<16xi32>], vector<16xf32>,
        %parallel_loop3A_647 = arith.constant 11 : i32
        %parallel_loop3A_648 = arith.index_cast %parallel_loop3A_647 : i32 to index
        %parallel_loop3A_649 = arith.index_cast %parallel_loop3A_452 : i32 to index
        %parallel_loop3A_650 = tpu.vector_load %arg11[%parallel_loop3A_648, %parallel_loop3A_649] {strides = array<i32>} : memref<32x512xf32, #tpu.memory_space<vmem>>, vector<16xf32>,
        tpu.vector_store %arg11[%parallel_loop3A_648, %parallel_loop3A_649], %parallel_loop3A_646 {strides = array<i32>} : memref<32x512xf32, #tpu.memory_space<vmem>>, vector<16xf32>,
        %parallel_loop3A_651 = arith.constant 12 : i32
        %parallel_loop3A_652 = arith.addi %parallel_loop3A_651, %parallel_loop3A_452 : i32
        %parallel_loop3A_653 = vector.broadcast %parallel_loop3A_652 : i32 to vector<16xi32>
        %parallel_loop3A_654 = arith.addi %parallel_loop3A_653, %parallel_loop3A_453 : vector<16xi32>
        %parallel_loop3A_655 = arith.constant 15 : i32
        %parallel_loop3A_656 = vector.broadcast %parallel_loop3A_655 : i32 to vector<16xi32>
        %parallel_loop3A_657 = arith.andi %parallel_loop3A_654, %parallel_loop3A_656 : vector<16xi32>
        %parallel_loop3A_658 = arith.constant 0 : i32
        %parallel_loop3A_659 = vector.broadcast %parallel_loop3A_658 : i32 to vector<16xi32>
        %parallel_loop3A_660 = arith.addi %parallel_loop3A_458, %parallel_loop3A_659 : vector<16xi32>
        %parallel_loop3A_661 = arith.addi %parallel_loop3A_660, %parallel_loop3A_657 : vector<16xi32>
        %parallel_loop3A_662 = tpu.vector_load_idx %arg10[%parallel_loop3A_661] : memref<16384xf32, #tpu.memory_space<vmem>>[vector<16xi32>], vector<16xf32>,
        %parallel_loop3A_663 = arith.constant 12 : i32
        %parallel_loop3A_664 = arith.index_cast %parallel_loop3A_663 : i32 to index
        %parallel_loop3A_665 = arith.index_cast %parallel_loop3A_452 : i32 to index
        %parallel_loop3A_666 = tpu.vector_load %arg11[%parallel_loop3A_664, %parallel_loop3A_665] {strides = array<i32>} : memref<32x512xf32, #tpu.memory_space<vmem>>, vector<16xf32>,
        tpu.vector_store %arg11[%parallel_loop3A_664, %parallel_loop3A_665], %parallel_loop3A_662 {strides = array<i32>} : memref<32x512xf32, #tpu.memory_space<vmem>>, vector<16xf32>,
        %parallel_loop3A_667 = arith.constant 13 : i32
        %parallel_loop3A_668 = arith.addi %parallel_loop3A_667, %parallel_loop3A_452 : i32
        %parallel_loop3A_669 = vector.broadcast %parallel_loop3A_668 : i32 to vector<16xi32>
        %parallel_loop3A_670 = arith.addi %parallel_loop3A_669, %parallel_loop3A_453 : vector<16xi32>
        %parallel_loop3A_671 = arith.constant 15 : i32
        %parallel_loop3A_672 = vector.broadcast %parallel_loop3A_671 : i32 to vector<16xi32>
        %parallel_loop3A_673 = arith.andi %parallel_loop3A_670, %parallel_loop3A_672 : vector<16xi32>
        %parallel_loop3A_674 = arith.constant 0 : i32
        %parallel_loop3A_675 = vector.broadcast %parallel_loop3A_674 : i32 to vector<16xi32>
        %parallel_loop3A_676 = arith.addi %parallel_loop3A_458, %parallel_loop3A_675 : vector<16xi32>
        %parallel_loop3A_677 = arith.addi %parallel_loop3A_676, %parallel_loop3A_673 : vector<16xi32>
        %parallel_loop3A_678 = tpu.vector_load_idx %arg10[%parallel_loop3A_677] : memref<16384xf32, #tpu.memory_space<vmem>>[vector<16xi32>], vector<16xf32>,
        %parallel_loop3A_679 = arith.constant 13 : i32
        %parallel_loop3A_680 = arith.index_cast %parallel_loop3A_679 : i32 to index
        %parallel_loop3A_681 = arith.index_cast %parallel_loop3A_452 : i32 to index
        %parallel_loop3A_682 = tpu.vector_load %arg11[%parallel_loop3A_680, %parallel_loop3A_681] {strides = array<i32>} : memref<32x512xf32, #tpu.memory_space<vmem>>, vector<16xf32>,
        tpu.vector_store %arg11[%parallel_loop3A_680, %parallel_loop3A_681], %parallel_loop3A_678 {strides = array<i32>} : memref<32x512xf32, #tpu.memory_space<vmem>>, vector<16xf32>,
        %parallel_loop3A_683 = arith.constant 14 : i32
        %parallel_loop3A_684 = arith.addi %parallel_loop3A_683, %parallel_loop3A_452 : i32
        %parallel_loop3A_685 = vector.broadcast %parallel_loop3A_684 : i32 to vector<16xi32>
        %parallel_loop3A_686 = arith.addi %parallel_loop3A_685, %parallel_loop3A_453 : vector<16xi32>
        %parallel_loop3A_687 = arith.constant 15 : i32
        %parallel_loop3A_688 = vector.broadcast %parallel_loop3A_687 : i32 to vector<16xi32>
        %parallel_loop3A_689 = arith.andi %parallel_loop3A_686, %parallel_loop3A_688 : vector<16xi32>
        %parallel_loop3A_690 = arith.constant 0 : i32
        %parallel_loop3A_691 = vector.broadcast %parallel_loop3A_690 : i32 to vector<16xi32>
        %parallel_loop3A_692 = arith.addi %parallel_loop3A_458, %parallel_loop3A_691 : vector<16xi32>
        %parallel_loop3A_693 = arith.addi %parallel_loop3A_692, %parallel_loop3A_689 : vector<16xi32>
        %parallel_loop3A_694 = tpu.vector_load_idx %arg10[%parallel_loop3A_693] : memref<16384xf32, #tpu.memory_space<vmem>>[vector<16xi32>], vector<16xf32>,
        %parallel_loop3A_695 = arith.constant 14 : i32
        %parallel_loop3A_696 = arith.index_cast %parallel_loop3A_695 : i32 to index
        %parallel_loop3A_697 = arith.index_cast %parallel_loop3A_452 : i32 to index
        %parallel_loop3A_698 = tpu.vector_load %arg11[%parallel_loop3A_696, %parallel_loop3A_697] {strides = array<i32>} : memref<32x512xf32, #tpu.memory_space<vmem>>, vector<16xf32>,
        tpu.vector_store %arg11[%parallel_loop3A_696, %parallel_loop3A_697], %parallel_loop3A_694 {strides = array<i32>} : memref<32x512xf32, #tpu.memory_space<vmem>>, vector<16xf32>,
        %parallel_loop3A_699 = arith.constant 15 : i32
        %parallel_loop3A_700 = arith.addi %parallel_loop3A_699, %parallel_loop3A_452 : i32
        %parallel_loop3A_701 = vector.broadcast %parallel_loop3A_700 : i32 to vector<16xi32>
        %parallel_loop3A_702 = arith.addi %parallel_loop3A_701, %parallel_loop3A_453 : vector<16xi32>
        %parallel_loop3A_703 = arith.constant 15 : i32
        %parallel_loop3A_704 = vector.broadcast %parallel_loop3A_703 : i32 to vector<16xi32>
        %parallel_loop3A_705 = arith.andi %parallel_loop3A_702, %parallel_loop3A_704 : vector<16xi32>
        %parallel_loop3A_706 = arith.constant 0 : i32
        %parallel_loop3A_707 = vector.broadcast %parallel_loop3A_706 : i32 to vector<16xi32>
        %parallel_loop3A_708 = arith.addi %parallel_loop3A_458, %parallel_loop3A_707 : vector<16xi32>
        %parallel_loop3A_709 = arith.addi %parallel_loop3A_708, %parallel_loop3A_705 : vector<16xi32>
        %parallel_loop3A_710 = tpu.vector_load_idx %arg10[%parallel_loop3A_709] : memref<16384xf32, #tpu.memory_space<vmem>>[vector<16xi32>], vector<16xf32>,
        %parallel_loop3A_711 = arith.constant 15 : i32
        %parallel_loop3A_712 = arith.index_cast %parallel_loop3A_711 : i32 to index
        %parallel_loop3A_713 = arith.index_cast %parallel_loop3A_452 : i32 to index
        %parallel_loop3A_714 = tpu.vector_load %arg11[%parallel_loop3A_712, %parallel_loop3A_713] {strides = array<i32>} : memref<32x512xf32, #tpu.memory_space<vmem>>, vector<16xf32>,
        tpu.vector_store %arg11[%parallel_loop3A_712, %parallel_loop3A_713], %parallel_loop3A_710 {strides = array<i32>} : memref<32x512xf32, #tpu.memory_space<vmem>>, vector<16xf32>,
        %parallel_loop3A_715 = arith.constant 16 : i32
        %parallel_loop3A_716 = arith.addi %parallel_loop3A_715, %parallel_loop3A_452 : i32
        %parallel_loop3A_717 = vector.broadcast %parallel_loop3A_716 : i32 to vector<16xi32>
        %parallel_loop3A_718 = arith.addi %parallel_loop3A_717, %parallel_loop3A_453 : vector<16xi32>
        %parallel_loop3A_719 = arith.constant 15 : i32
        %parallel_loop3A_720 = vector.broadcast %parallel_loop3A_719 : i32 to vector<16xi32>
        %parallel_loop3A_721 = arith.andi %parallel_loop3A_718, %parallel_loop3A_720 : vector<16xi32>
        %parallel_loop3A_722 = arith.constant 16 : i32
        %parallel_loop3A_723 = vector.broadcast %parallel_loop3A_722 : i32 to vector<16xi32>
        %parallel_loop3A_724 = arith.addi %parallel_loop3A_458, %parallel_loop3A_723 : vector<16xi32>
        %parallel_loop3A_725 = arith.addi %parallel_loop3A_724, %parallel_loop3A_721 : vector<16xi32>
        %parallel_loop3A_726 = tpu.vector_load_idx %arg10[%parallel_loop3A_725] : memref<16384xf32, #tpu.memory_space<vmem>>[vector<16xi32>], vector<16xf32>,
        %parallel_loop3A_727 = arith.constant 16 : i32
        %parallel_loop3A_728 = arith.index_cast %parallel_loop3A_727 : i32 to index
        %parallel_loop3A_729 = arith.index_cast %parallel_loop3A_452 : i32 to index
        %parallel_loop3A_730 = tpu.vector_load %arg11[%parallel_loop3A_728, %parallel_loop3A_729] {strides = array<i32>} : memref<32x512xf32, #tpu.memory_space<vmem>>, vector<16xf32>,
        tpu.vector_store %arg11[%parallel_loop3A_728, %parallel_loop3A_729], %parallel_loop3A_726 {strides = array<i32>} : memref<32x512xf32, #tpu.memory_space<vmem>>, vector<16xf32>,
        %parallel_loop3A_731 = arith.constant 17 : i32
        %parallel_loop3A_732 = arith.addi %parallel_loop3A_731, %parallel_loop3A_452 : i32
        %parallel_loop3A_733 = vector.broadcast %parallel_loop3A_732 : i32 to vector<16xi32>
        %parallel_loop3A_734 = arith.addi %parallel_loop3A_733, %parallel_loop3A_453 : vector<16xi32>
        %parallel_loop3A_735 = arith.constant 15 : i32
        %parallel_loop3A_736 = vector.broadcast %parallel_loop3A_735 : i32 to vector<16xi32>
        %parallel_loop3A_737 = arith.andi %parallel_loop3A_734, %parallel_loop3A_736 : vector<16xi32>
        %parallel_loop3A_738 = arith.constant 16 : i32
        %parallel_loop3A_739 = vector.broadcast %parallel_loop3A_738 : i32 to vector<16xi32>
        %parallel_loop3A_740 = arith.addi %parallel_loop3A_458, %parallel_loop3A_739 : vector<16xi32>
        %parallel_loop3A_741 = arith.addi %parallel_loop3A_740, %parallel_loop3A_737 : vector<16xi32>
        %parallel_loop3A_742 = tpu.vector_load_idx %arg10[%parallel_loop3A_741] : memref<16384xf32, #tpu.memory_space<vmem>>[vector<16xi32>], vector<16xf32>,
        %parallel_loop3A_743 = arith.constant 17 : i32
        %parallel_loop3A_744 = arith.index_cast %parallel_loop3A_743 : i32 to index
        %parallel_loop3A_745 = arith.index_cast %parallel_loop3A_452 : i32 to index
        %parallel_loop3A_746 = tpu.vector_load %arg11[%parallel_loop3A_744, %parallel_loop3A_745] {strides = array<i32>} : memref<32x512xf32, #tpu.memory_space<vmem>>, vector<16xf32>,
        tpu.vector_store %arg11[%parallel_loop3A_744, %parallel_loop3A_745], %parallel_loop3A_742 {strides = array<i32>} : memref<32x512xf32, #tpu.memory_space<vmem>>, vector<16xf32>,
        %parallel_loop3A_747 = arith.constant 18 : i32
        %parallel_loop3A_748 = arith.addi %parallel_loop3A_747, %parallel_loop3A_452 : i32
        %parallel_loop3A_749 = vector.broadcast %parallel_loop3A_748 : i32 to vector<16xi32>
        %parallel_loop3A_750 = arith.addi %parallel_loop3A_749, %parallel_loop3A_453 : vector<16xi32>
        %parallel_loop3A_751 = arith.constant 15 : i32
        %parallel_loop3A_752 = vector.broadcast %parallel_loop3A_751 : i32 to vector<16xi32>
        %parallel_loop3A_753 = arith.andi %parallel_loop3A_750, %parallel_loop3A_752 : vector<16xi32>
        %parallel_loop3A_754 = arith.constant 16 : i32
        %parallel_loop3A_755 = vector.broadcast %parallel_loop3A_754 : i32 to vector<16xi32>
        %parallel_loop3A_756 = arith.addi %parallel_loop3A_458, %parallel_loop3A_755 : vector<16xi32>
        %parallel_loop3A_757 = arith.addi %parallel_loop3A_756, %parallel_loop3A_753 : vector<16xi32>
        %parallel_loop3A_758 = tpu.vector_load_idx %arg10[%parallel_loop3A_757] : memref<16384xf32, #tpu.memory_space<vmem>>[vector<16xi32>], vector<16xf32>,
        %parallel_loop3A_759 = arith.constant 18 : i32
        %parallel_loop3A_760 = arith.index_cast %parallel_loop3A_759 : i32 to index
        %parallel_loop3A_761 = arith.index_cast %parallel_loop3A_452 : i32 to index
        %parallel_loop3A_762 = tpu.vector_load %arg11[%parallel_loop3A_760, %parallel_loop3A_761] {strides = array<i32>} : memref<32x512xf32, #tpu.memory_space<vmem>>, vector<16xf32>,
        tpu.vector_store %arg11[%parallel_loop3A_760, %parallel_loop3A_761], %parallel_loop3A_758 {strides = array<i32>} : memref<32x512xf32, #tpu.memory_space<vmem>>, vector<16xf32>,
        %parallel_loop3A_763 = arith.constant 19 : i32
        %parallel_loop3A_764 = arith.addi %parallel_loop3A_763, %parallel_loop3A_452 : i32
        %parallel_loop3A_765 = vector.broadcast %parallel_loop3A_764 : i32 to vector<16xi32>
        %parallel_loop3A_766 = arith.addi %parallel_loop3A_765, %parallel_loop3A_453 : vector<16xi32>
        %parallel_loop3A_767 = arith.constant 15 : i32
        %parallel_loop3A_768 = vector.broadcast %parallel_loop3A_767 : i32 to vector<16xi32>
        %parallel_loop3A_769 = arith.andi %parallel_loop3A_766, %parallel_loop3A_768 : vector<16xi32>
        %parallel_loop3A_770 = arith.constant 16 : i32
        %parallel_loop3A_771 = vector.broadcast %parallel_loop3A_770 : i32 to vector<16xi32>
        %parallel_loop3A_772 = arith.addi %parallel_loop3A_458, %parallel_loop3A_771 : vector<16xi32>
        %parallel_loop3A_773 = arith.addi %parallel_loop3A_772, %parallel_loop3A_769 : vector<16xi32>
        %parallel_loop3A_774 = tpu.vector_load_idx %arg10[%parallel_loop3A_773] : memref<16384xf32, #tpu.memory_space<vmem>>[vector<16xi32>], vector<16xf32>,
        %parallel_loop3A_775 = arith.constant 19 : i32
        %parallel_loop3A_776 = arith.index_cast %parallel_loop3A_775 : i32 to index
        %parallel_loop3A_777 = arith.index_cast %parallel_loop3A_452 : i32 to index
        %parallel_loop3A_778 = tpu.vector_load %arg11[%parallel_loop3A_776, %parallel_loop3A_777] {strides = array<i32>} : memref<32x512xf32, #tpu.memory_space<vmem>>, vector<16xf32>,
        tpu.vector_store %arg11[%parallel_loop3A_776, %parallel_loop3A_777], %parallel_loop3A_774 {strides = array<i32>} : memref<32x512xf32, #tpu.memory_space<vmem>>, vector<16xf32>,
        %parallel_loop3A_779 = arith.constant 20 : i32
        %parallel_loop3A_780 = arith.addi %parallel_loop3A_779, %parallel_loop3A_452 : i32
        %parallel_loop3A_781 = vector.broadcast %parallel_loop3A_780 : i32 to vector<16xi32>
        %parallel_loop3A_782 = arith.addi %parallel_loop3A_781, %parallel_loop3A_453 : vector<16xi32>
        %parallel_loop3A_783 = arith.constant 15 : i32
        %parallel_loop3A_784 = vector.broadcast %parallel_loop3A_783 : i32 to vector<16xi32>
        %parallel_loop3A_785 = arith.andi %parallel_loop3A_782, %parallel_loop3A_784 : vector<16xi32>
        %parallel_loop3A_786 = arith.constant 16 : i32
        %parallel_loop3A_787 = vector.broadcast %parallel_loop3A_786 : i32 to vector<16xi32>
        %parallel_loop3A_788 = arith.addi %parallel_loop3A_458, %parallel_loop3A_787 : vector<16xi32>
        %parallel_loop3A_789 = arith.addi %parallel_loop3A_788, %parallel_loop3A_785 : vector<16xi32>
        %parallel_loop3A_790 = tpu.vector_load_idx %arg10[%parallel_loop3A_789] : memref<16384xf32, #tpu.memory_space<vmem>>[vector<16xi32>], vector<16xf32>,
        %parallel_loop3A_791 = arith.constant 20 : i32
        %parallel_loop3A_792 = arith.index_cast %parallel_loop3A_791 : i32 to index
        %parallel_loop3A_793 = arith.index_cast %parallel_loop3A_452 : i32 to index
        %parallel_loop3A_794 = tpu.vector_load %arg11[%parallel_loop3A_792, %parallel_loop3A_793] {strides = array<i32>} : memref<32x512xf32, #tpu.memory_space<vmem>>, vector<16xf32>,
        tpu.vector_store %arg11[%parallel_loop3A_792, %parallel_loop3A_793], %parallel_loop3A_790 {strides = array<i32>} : memref<32x512xf32, #tpu.memory_space<vmem>>, vector<16xf32>,
        %parallel_loop3A_795 = arith.constant 21 : i32
        %parallel_loop3A_796 = arith.addi %parallel_loop3A_795, %parallel_loop3A_452 : i32
        %parallel_loop3A_797 = vector.broadcast %parallel_loop3A_796 : i32 to vector<16xi32>
        %parallel_loop3A_798 = arith.addi %parallel_loop3A_797, %parallel_loop3A_453 : vector<16xi32>
        %parallel_loop3A_799 = arith.constant 15 : i32
        %parallel_loop3A_800 = vector.broadcast %parallel_loop3A_799 : i32 to vector<16xi32>
        %parallel_loop3A_801 = arith.andi %parallel_loop3A_798, %parallel_loop3A_800 : vector<16xi32>
        %parallel_loop3A_802 = arith.constant 16 : i32
        %parallel_loop3A_803 = vector.broadcast %parallel_loop3A_802 : i32 to vector<16xi32>
        %parallel_loop3A_804 = arith.addi %parallel_loop3A_458, %parallel_loop3A_803 : vector<16xi32>
        %parallel_loop3A_805 = arith.addi %parallel_loop3A_804, %parallel_loop3A_801 : vector<16xi32>
        %parallel_loop3A_806 = tpu.vector_load_idx %arg10[%parallel_loop3A_805] : memref<16384xf32, #tpu.memory_space<vmem>>[vector<16xi32>], vector<16xf32>,
        %parallel_loop3A_807 = arith.constant 21 : i32
        %parallel_loop3A_808 = arith.index_cast %parallel_loop3A_807 : i32 to index
        %parallel_loop3A_809 = arith.index_cast %parallel_loop3A_452 : i32 to index
        %parallel_loop3A_810 = tpu.vector_load %arg11[%parallel_loop3A_808, %parallel_loop3A_809] {strides = array<i32>} : memref<32x512xf32, #tpu.memory_space<vmem>>, vector<16xf32>,
        tpu.vector_store %arg11[%parallel_loop3A_808, %parallel_loop3A_809], %parallel_loop3A_806 {strides = array<i32>} : memref<32x512xf32, #tpu.memory_space<vmem>>, vector<16xf32>,
        %parallel_loop3A_811 = arith.constant 22 : i32
        %parallel_loop3A_812 = arith.addi %parallel_loop3A_811, %parallel_loop3A_452 : i32
        %parallel_loop3A_813 = vector.broadcast %parallel_loop3A_812 : i32 to vector<16xi32>
        %parallel_loop3A_814 = arith.addi %parallel_loop3A_813, %parallel_loop3A_453 : vector<16xi32>
        %parallel_loop3A_815 = arith.constant 15 : i32
        %parallel_loop3A_816 = vector.broadcast %parallel_loop3A_815 : i32 to vector<16xi32>
        %parallel_loop3A_817 = arith.andi %parallel_loop3A_814, %parallel_loop3A_816 : vector<16xi32>
        %parallel_loop3A_818 = arith.constant 16 : i32
        %parallel_loop3A_819 = vector.broadcast %parallel_loop3A_818 : i32 to vector<16xi32>
        %parallel_loop3A_820 = arith.addi %parallel_loop3A_458, %parallel_loop3A_819 : vector<16xi32>
        %parallel_loop3A_821 = arith.addi %parallel_loop3A_820, %parallel_loop3A_817 : vector<16xi32>
        %parallel_loop3A_822 = tpu.vector_load_idx %arg10[%parallel_loop3A_821] : memref<16384xf32, #tpu.memory_space<vmem>>[vector<16xi32>], vector<16xf32>,
        %parallel_loop3A_823 = arith.constant 22 : i32
        %parallel_loop3A_824 = arith.index_cast %parallel_loop3A_823 : i32 to index
        %parallel_loop3A_825 = arith.index_cast %parallel_loop3A_452 : i32 to index
        %parallel_loop3A_826 = tpu.vector_load %arg11[%parallel_loop3A_824, %parallel_loop3A_825] {strides = array<i32>} : memref<32x512xf32, #tpu.memory_space<vmem>>, vector<16xf32>,
        tpu.vector_store %arg11[%parallel_loop3A_824, %parallel_loop3A_825], %parallel_loop3A_822 {strides = array<i32>} : memref<32x512xf32, #tpu.memory_space<vmem>>, vector<16xf32>,
        %parallel_loop3A_827 = arith.constant 23 : i32
        %parallel_loop3A_828 = arith.addi %parallel_loop3A_827, %parallel_loop3A_452 : i32
        %parallel_loop3A_829 = vector.broadcast %parallel_loop3A_828 : i32 to vector<16xi32>
        %parallel_loop3A_830 = arith.addi %parallel_loop3A_829, %parallel_loop3A_453 : vector<16xi32>
        %parallel_loop3A_831 = arith.constant 15 : i32
        %parallel_loop3A_832 = vector.broadcast %parallel_loop3A_831 : i32 to vector<16xi32>
        %parallel_loop3A_833 = arith.andi %parallel_loop3A_830, %parallel_loop3A_832 : vector<16xi32>
        %parallel_loop3A_834 = arith.constant 16 : i32
        %parallel_loop3A_835 = vector.broadcast %parallel_loop3A_834 : i32 to vector<16xi32>
        %parallel_loop3A_836 = arith.addi %parallel_loop3A_458, %parallel_loop3A_835 : vector<16xi32>
        %parallel_loop3A_837 = arith.addi %parallel_loop3A_836, %parallel_loop3A_833 : vector<16xi32>
        %parallel_loop3A_838 = tpu.vector_load_idx %arg10[%parallel_loop3A_837] : memref<16384xf32, #tpu.memory_space<vmem>>[vector<16xi32>], vector<16xf32>,
        %parallel_loop3A_839 = arith.constant 23 : i32
        %parallel_loop3A_840 = arith.index_cast %parallel_loop3A_839 : i32 to index
        %parallel_loop3A_841 = arith.index_cast %parallel_loop3A_452 : i32 to index
        %parallel_loop3A_842 = tpu.vector_load %arg11[%parallel_loop3A_840, %parallel_loop3A_841] {strides = array<i32>} : memref<32x512xf32, #tpu.memory_space<vmem>>, vector<16xf32>,
        tpu.vector_store %arg11[%parallel_loop3A_840, %parallel_loop3A_841], %parallel_loop3A_838 {strides = array<i32>} : memref<32x512xf32, #tpu.memory_space<vmem>>, vector<16xf32>,
        %parallel_loop3A_843 = arith.constant 24 : i32
        %parallel_loop3A_844 = arith.addi %parallel_loop3A_843, %parallel_loop3A_452 : i32
        %parallel_loop3A_845 = vector.broadcast %parallel_loop3A_844 : i32 to vector<16xi32>
        %parallel_loop3A_846 = arith.addi %parallel_loop3A_845, %parallel_loop3A_453 : vector<16xi32>
        %parallel_loop3A_847 = arith.constant 15 : i32
        %parallel_loop3A_848 = vector.broadcast %parallel_loop3A_847 : i32 to vector<16xi32>
        %parallel_loop3A_849 = arith.andi %parallel_loop3A_846, %parallel_loop3A_848 : vector<16xi32>
        %parallel_loop3A_850 = arith.constant 16 : i32
        %parallel_loop3A_851 = vector.broadcast %parallel_loop3A_850 : i32 to vector<16xi32>
        %parallel_loop3A_852 = arith.addi %parallel_loop3A_458, %parallel_loop3A_851 : vector<16xi32>
        %parallel_loop3A_853 = arith.addi %parallel_loop3A_852, %parallel_loop3A_849 : vector<16xi32>
        %parallel_loop3A_854 = tpu.vector_load_idx %arg10[%parallel_loop3A_853] : memref<16384xf32, #tpu.memory_space<vmem>>[vector<16xi32>], vector<16xf32>,
        %parallel_loop3A_855 = arith.constant 24 : i32
        %parallel_loop3A_856 = arith.index_cast %parallel_loop3A_855 : i32 to index
        %parallel_loop3A_857 = arith.index_cast %parallel_loop3A_452 : i32 to index
        %parallel_loop3A_858 = tpu.vector_load %arg11[%parallel_loop3A_856, %parallel_loop3A_857] {strides = array<i32>} : memref<32x512xf32, #tpu.memory_space<vmem>>, vector<16xf32>,
        tpu.vector_store %arg11[%parallel_loop3A_856, %parallel_loop3A_857], %parallel_loop3A_854 {strides = array<i32>} : memref<32x512xf32, #tpu.memory_space<vmem>>, vector<16xf32>,
        %parallel_loop3A_859 = arith.constant 25 : i32
        %parallel_loop3A_860 = arith.addi %parallel_loop3A_859, %parallel_loop3A_452 : i32
        %parallel_loop3A_861 = vector.broadcast %parallel_loop3A_860 : i32 to vector<16xi32>
        %parallel_loop3A_862 = arith.addi %parallel_loop3A_861, %parallel_loop3A_453 : vector<16xi32>
        %parallel_loop3A_863 = arith.constant 15 : i32
        %parallel_loop3A_864 = vector.broadcast %parallel_loop3A_863 : i32 to vector<16xi32>
        %parallel_loop3A_865 = arith.andi %parallel_loop3A_862, %parallel_loop3A_864 : vector<16xi32>
        %parallel_loop3A_866 = arith.constant 16 : i32
        %parallel_loop3A_867 = vector.broadcast %parallel_loop3A_866 : i32 to vector<16xi32>
        %parallel_loop3A_868 = arith.addi %parallel_loop3A_458, %parallel_loop3A_867 : vector<16xi32>
        %parallel_loop3A_869 = arith.addi %parallel_loop3A_868, %parallel_loop3A_865 : vector<16xi32>
        %parallel_loop3A_870 = tpu.vector_load_idx %arg10[%parallel_loop3A_869] : memref<16384xf32, #tpu.memory_space<vmem>>[vector<16xi32>], vector<16xf32>,
        %parallel_loop3A_871 = arith.constant 25 : i32
        %parallel_loop3A_872 = arith.index_cast %parallel_loop3A_871 : i32 to index
        %parallel_loop3A_873 = arith.index_cast %parallel_loop3A_452 : i32 to index
        %parallel_loop3A_874 = tpu.vector_load %arg11[%parallel_loop3A_872, %parallel_loop3A_873] {strides = array<i32>} : memref<32x512xf32, #tpu.memory_space<vmem>>, vector<16xf32>,
        tpu.vector_store %arg11[%parallel_loop3A_872, %parallel_loop3A_873], %parallel_loop3A_870 {strides = array<i32>} : memref<32x512xf32, #tpu.memory_space<vmem>>, vector<16xf32>,
        %parallel_loop3A_875 = arith.constant 26 : i32
        %parallel_loop3A_876 = arith.addi %parallel_loop3A_875, %parallel_loop3A_452 : i32
        %parallel_loop3A_877 = vector.broadcast %parallel_loop3A_876 : i32 to vector<16xi32>
        %parallel_loop3A_878 = arith.addi %parallel_loop3A_877, %parallel_loop3A_453 : vector<16xi32>
        %parallel_loop3A_879 = arith.constant 15 : i32
        %parallel_loop3A_880 = vector.broadcast %parallel_loop3A_879 : i32 to vector<16xi32>
        %parallel_loop3A_881 = arith.andi %parallel_loop3A_878, %parallel_loop3A_880 : vector<16xi32>
        %parallel_loop3A_882 = arith.constant 16 : i32
        %parallel_loop3A_883 = vector.broadcast %parallel_loop3A_882 : i32 to vector<16xi32>
        %parallel_loop3A_884 = arith.addi %parallel_loop3A_458, %parallel_loop3A_883 : vector<16xi32>
        %parallel_loop3A_885 = arith.addi %parallel_loop3A_884, %parallel_loop3A_881 : vector<16xi32>
        %parallel_loop3A_886 = tpu.vector_load_idx %arg10[%parallel_loop3A_885] : memref<16384xf32, #tpu.memory_space<vmem>>[vector<16xi32>], vector<16xf32>,
        %parallel_loop3A_887 = arith.constant 26 : i32
        %parallel_loop3A_888 = arith.index_cast %parallel_loop3A_887 : i32 to index
        %parallel_loop3A_889 = arith.index_cast %parallel_loop3A_452 : i32 to index
        %parallel_loop3A_890 = tpu.vector_load %arg11[%parallel_loop3A_888, %parallel_loop3A_889] {strides = array<i32>} : memref<32x512xf32, #tpu.memory_space<vmem>>, vector<16xf32>,
        tpu.vector_store %arg11[%parallel_loop3A_888, %parallel_loop3A_889], %parallel_loop3A_886 {strides = array<i32>} : memref<32x512xf32, #tpu.memory_space<vmem>>, vector<16xf32>,
        %parallel_loop3A_891 = arith.constant 27 : i32
        %parallel_loop3A_892 = arith.addi %parallel_loop3A_891, %parallel_loop3A_452 : i32
        %parallel_loop3A_893 = vector.broadcast %parallel_loop3A_892 : i32 to vector<16xi32>
        %parallel_loop3A_894 = arith.addi %parallel_loop3A_893, %parallel_loop3A_453 : vector<16xi32>
        %parallel_loop3A_895 = arith.constant 15 : i32
        %parallel_loop3A_896 = vector.broadcast %parallel_loop3A_895 : i32 to vector<16xi32>
        %parallel_loop3A_897 = arith.andi %parallel_loop3A_894, %parallel_loop3A_896 : vector<16xi32>
        %parallel_loop3A_898 = arith.constant 16 : i32
        %parallel_loop3A_899 = vector.broadcast %parallel_loop3A_898 : i32 to vector<16xi32>
        %parallel_loop3A_900 = arith.addi %parallel_loop3A_458, %parallel_loop3A_899 : vector<16xi32>
        %parallel_loop3A_901 = arith.addi %parallel_loop3A_900, %parallel_loop3A_897 : vector<16xi32>
        %parallel_loop3A_902 = tpu.vector_load_idx %arg10[%parallel_loop3A_901] : memref<16384xf32, #tpu.memory_space<vmem>>[vector<16xi32>], vector<16xf32>,
        %parallel_loop3A_903 = arith.constant 27 : i32
        %parallel_loop3A_904 = arith.index_cast %parallel_loop3A_903 : i32 to index
        %parallel_loop3A_905 = arith.index_cast %parallel_loop3A_452 : i32 to index
        %parallel_loop3A_906 = tpu.vector_load %arg11[%parallel_loop3A_904, %parallel_loop3A_905] {strides = array<i32>} : memref<32x512xf32, #tpu.memory_space<vmem>>, vector<16xf32>,
        tpu.vector_store %arg11[%parallel_loop3A_904, %parallel_loop3A_905], %parallel_loop3A_902 {strides = array<i32>} : memref<32x512xf32, #tpu.memory_space<vmem>>, vector<16xf32>,
        %parallel_loop3A_907 = arith.constant 28 : i32
        %parallel_loop3A_908 = arith.addi %parallel_loop3A_907, %parallel_loop3A_452 : i32
        %parallel_loop3A_909 = vector.broadcast %parallel_loop3A_908 : i32 to vector<16xi32>
        %parallel_loop3A_910 = arith.addi %parallel_loop3A_909, %parallel_loop3A_453 : vector<16xi32>
        %parallel_loop3A_911 = arith.constant 15 : i32
        %parallel_loop3A_912 = vector.broadcast %parallel_loop3A_911 : i32 to vector<16xi32>
        %parallel_loop3A_913 = arith.andi %parallel_loop3A_910, %parallel_loop3A_912 : vector<16xi32>
        %parallel_loop3A_914 = arith.constant 16 : i32
        %parallel_loop3A_915 = vector.broadcast %parallel_loop3A_914 : i32 to vector<16xi32>
        %parallel_loop3A_916 = arith.addi %parallel_loop3A_458, %parallel_loop3A_915 : vector<16xi32>
        %parallel_loop3A_917 = arith.addi %parallel_loop3A_916, %parallel_loop3A_913 : vector<16xi32>
        %parallel_loop3A_918 = tpu.vector_load_idx %arg10[%parallel_loop3A_917] : memref<16384xf32, #tpu.memory_space<vmem>>[vector<16xi32>], vector<16xf32>,
        %parallel_loop3A_919 = arith.constant 28 : i32
        %parallel_loop3A_920 = arith.index_cast %parallel_loop3A_919 : i32 to index
        %parallel_loop3A_921 = arith.index_cast %parallel_loop3A_452 : i32 to index
        %parallel_loop3A_922 = tpu.vector_load %arg11[%parallel_loop3A_920, %parallel_loop3A_921] {strides = array<i32>} : memref<32x512xf32, #tpu.memory_space<vmem>>, vector<16xf32>,
        tpu.vector_store %arg11[%parallel_loop3A_920, %parallel_loop3A_921], %parallel_loop3A_918 {strides = array<i32>} : memref<32x512xf32, #tpu.memory_space<vmem>>, vector<16xf32>,
        %parallel_loop3A_923 = arith.constant 29 : i32
        %parallel_loop3A_924 = arith.addi %parallel_loop3A_923, %parallel_loop3A_452 : i32
        %parallel_loop3A_925 = vector.broadcast %parallel_loop3A_924 : i32 to vector<16xi32>
        %parallel_loop3A_926 = arith.addi %parallel_loop3A_925, %parallel_loop3A_453 : vector<16xi32>
        %parallel_loop3A_927 = arith.constant 15 : i32
        %parallel_loop3A_928 = vector.broadcast %parallel_loop3A_927 : i32 to vector<16xi32>
        %parallel_loop3A_929 = arith.andi %parallel_loop3A_926, %parallel_loop3A_928 : vector<16xi32>
        %parallel_loop3A_930 = arith.constant 16 : i32
        %parallel_loop3A_931 = vector.broadcast %parallel_loop3A_930 : i32 to vector<16xi32>
        %parallel_loop3A_932 = arith.addi %parallel_loop3A_458, %parallel_loop3A_931 : vector<16xi32>
        %parallel_loop3A_933 = arith.addi %parallel_loop3A_932, %parallel_loop3A_929 : vector<16xi32>
        %parallel_loop3A_934 = tpu.vector_load_idx %arg10[%parallel_loop3A_933] : memref<16384xf32, #tpu.memory_space<vmem>>[vector<16xi32>], vector<16xf32>,
        %parallel_loop3A_935 = arith.constant 29 : i32
        %parallel_loop3A_936 = arith.index_cast %parallel_loop3A_935 : i32 to index
        %parallel_loop3A_937 = arith.index_cast %parallel_loop3A_452 : i32 to index
        %parallel_loop3A_938 = tpu.vector_load %arg11[%parallel_loop3A_936, %parallel_loop3A_937] {strides = array<i32>} : memref<32x512xf32, #tpu.memory_space<vmem>>, vector<16xf32>,
        tpu.vector_store %arg11[%parallel_loop3A_936, %parallel_loop3A_937], %parallel_loop3A_934 {strides = array<i32>} : memref<32x512xf32, #tpu.memory_space<vmem>>, vector<16xf32>,
        %parallel_loop3A_939 = arith.constant 30 : i32
        %parallel_loop3A_940 = arith.addi %parallel_loop3A_939, %parallel_loop3A_452 : i32
        %parallel_loop3A_941 = vector.broadcast %parallel_loop3A_940 : i32 to vector<16xi32>
        %parallel_loop3A_942 = arith.addi %parallel_loop3A_941, %parallel_loop3A_453 : vector<16xi32>
        %parallel_loop3A_943 = arith.constant 15 : i32
        %parallel_loop3A_944 = vector.broadcast %parallel_loop3A_943 : i32 to vector<16xi32>
        %parallel_loop3A_945 = arith.andi %parallel_loop3A_942, %parallel_loop3A_944 : vector<16xi32>
        %parallel_loop3A_946 = arith.constant 16 : i32
        %parallel_loop3A_947 = vector.broadcast %parallel_loop3A_946 : i32 to vector<16xi32>
        %parallel_loop3A_948 = arith.addi %parallel_loop3A_458, %parallel_loop3A_947 : vector<16xi32>
        %parallel_loop3A_949 = arith.addi %parallel_loop3A_948, %parallel_loop3A_945 : vector<16xi32>
        %parallel_loop3A_950 = tpu.vector_load_idx %arg10[%parallel_loop3A_949] : memref<16384xf32, #tpu.memory_space<vmem>>[vector<16xi32>], vector<16xf32>,
        %parallel_loop3A_951 = arith.constant 30 : i32
        %parallel_loop3A_952 = arith.index_cast %parallel_loop3A_951 : i32 to index
        %parallel_loop3A_953 = arith.index_cast %parallel_loop3A_452 : i32 to index
        %parallel_loop3A_954 = tpu.vector_load %arg11[%parallel_loop3A_952, %parallel_loop3A_953] {strides = array<i32>} : memref<32x512xf32, #tpu.memory_space<vmem>>, vector<16xf32>,
        tpu.vector_store %arg11[%parallel_loop3A_952, %parallel_loop3A_953], %parallel_loop3A_950 {strides = array<i32>} : memref<32x512xf32, #tpu.memory_space<vmem>>, vector<16xf32>,
        %parallel_loop3A_955 = arith.constant 31 : i32
        %parallel_loop3A_956 = arith.addi %parallel_loop3A_955, %parallel_loop3A_452 : i32
        %parallel_loop3A_957 = vector.broadcast %parallel_loop3A_956 : i32 to vector<16xi32>
        %parallel_loop3A_958 = arith.addi %parallel_loop3A_957, %parallel_loop3A_453 : vector<16xi32>
        %parallel_loop3A_959 = arith.constant 15 : i32
        %parallel_loop3A_960 = vector.broadcast %parallel_loop3A_959 : i32 to vector<16xi32>
        %parallel_loop3A_961 = arith.andi %parallel_loop3A_958, %parallel_loop3A_960 : vector<16xi32>
        %parallel_loop3A_962 = arith.constant 16 : i32
        %parallel_loop3A_963 = vector.broadcast %parallel_loop3A_962 : i32 to vector<16xi32>
        %parallel_loop3A_964 = arith.addi %parallel_loop3A_458, %parallel_loop3A_963 : vector<16xi32>
        %parallel_loop3A_965 = arith.addi %parallel_loop3A_964, %parallel_loop3A_961 : vector<16xi32>
        %parallel_loop3A_966 = tpu.vector_load_idx %arg10[%parallel_loop3A_965] : memref<16384xf32, #tpu.memory_space<vmem>>[vector<16xi32>], vector<16xf32>,
        %parallel_loop3A_967 = arith.constant 31 : i32
        %parallel_loop3A_968 = arith.index_cast %parallel_loop3A_967 : i32 to index
        %parallel_loop3A_969 = arith.index_cast %parallel_loop3A_452 : i32 to index
        %parallel_loop3A_970 = tpu.vector_load %arg11[%parallel_loop3A_968, %parallel_loop3A_969] {strides = array<i32>} : memref<32x512xf32, #tpu.memory_space<vmem>>, vector<16xf32>,
        tpu.vector_store %arg11[%parallel_loop3A_968, %parallel_loop3A_969], %parallel_loop3A_966 {strides = array<i32>} : memref<32x512xf32, #tpu.memory_space<vmem>>, vector<16xf32>,
      } {sc.loop_unroll_factor = 1 : i64, sc.parallel_access}
      %add3A_293 = arith.constant 1 : i32
      %add3A_294 = arith.addi %scan3A_242, %add3A_293 : i32
      %lt3A_295 = arith.constant 25 : i32
      %lt3A_296 = arith.cmpi slt, %add3A_294, %lt3A_295 : i32
      %convert_element_type3A_297 = arith.extui %lt3A_296 : i1 to i32
      %cond3A_298 = arith.constant 0 : i32
      %cond3A_299 = arith.cmpi ne, %convert_element_type3A_297, %cond3A_298 : i32
      scf.if %cond3A_299 {
        %add3A_450 = arith.constant 2 : i32
        %add3A_451 = arith.addi %add3A_245, %add3A_450 : i32
        %jit3A_452 = arith.constant 8 : i32
        %div3A_453 = arith.divsi %add3A_451, %jit3A_452 : i32
        %sign3A_454 = arith.constant 0 : i32
        %sign3A_455 = arith.cmpi sgt, %add3A_451, %sign3A_454 : i32
        %sign3A_456 = arith.extui %sign3A_455 : i1 to i32
        %sign3A_457 = arith.constant 0 : i32
        %sign3A_458 = arith.cmpi slt, %add3A_451, %sign3A_457 : i32
        %sign3A_459 = arith.extui %sign3A_458 : i1 to i32
        %sign3A_460 = arith.subi %sign3A_456, %sign3A_459 : i32
        %sign3A_461 = arith.constant 0 : i32
        %sign3A_462 = arith.cmpi sgt, %jit3A_452, %sign3A_461 : i32
        %sign3A_463 = arith.extui %sign3A_462 : i1 to i32
        %sign3A_464 = arith.constant 0 : i32
        %sign3A_465 = arith.cmpi slt, %jit3A_452, %sign3A_464 : i32
        %sign3A_466 = arith.extui %sign3A_465 : i1 to i32
        %sign3A_467 = arith.subi %sign3A_463, %sign3A_466 : i32
        %ne3A_468 = arith.cmpi ne, %sign3A_460, %sign3A_467 : i32
        %rem3A_469 = arith.remsi %add3A_451, %jit3A_452 : i32
        %ne3A_470 = arith.constant 0 : i32
        %ne3A_471 = arith.cmpi ne, %rem3A_469, %ne3A_470 : i32
        %and3A_472 = arith.andi %ne3A_468, %ne3A_471 : i1
        %sub3A_473 = arith.constant 1 : i32
        %sub3A_474 = arith.subi %div3A_453, %sub3A_473 : i32
        %select_n3A_475 = arith.select %and3A_472, %sub3A_474, %div3A_453 : i32
        %jit3A_476 = arith.constant 8 : i32
        %eq3A_477 = arith.constant 0 : i32
        %eq3A_478 = arith.cmpi eq, %jit3A_476, %eq3A_477 : i32
        %jit3A_479 = arith.constant 1 : i32
        %select_n3A_480 = arith.select %eq3A_478, %jit3A_479, %jit3A_476 : i32
        %rem3A_481 = arith.remsi %add3A_451, %select_n3A_480 : i32
        %ne3A_482 = arith.constant 0 : i32
        %ne3A_483 = arith.cmpi ne, %rem3A_481, %ne3A_482 : i32
        %lt3A_484 = arith.constant 0 : i32
        %lt3A_485 = arith.cmpi slt, %rem3A_481, %lt3A_484 : i32
        %lt3A_486 = arith.constant 0 : i32
        %lt3A_487 = arith.cmpi slt, %select_n3A_480, %lt3A_486 : i32
        %ne3A_488 = arith.xori %lt3A_485, %lt3A_487 : i1
        %and3A_489 = arith.andi %ne3A_488, %ne3A_483 : i1
        %add3A_490 = arith.addi %rem3A_481, %select_n3A_480 : i32
        %select_n3A_491 = arith.select %and3A_489, %add3A_490, %rem3A_481 : i32
        %mul3A_492 = arith.constant 512 : i32
        %mul3A_493 = arith.muli %select_n3A_491, %mul3A_492 : i32
        "tpu.region"() ({
          %run_scoped3A = tpu.sem_alloc : memref<!tpu.dma_semaphore, #tpu.memory_space<semaphore_mem>>
          %dma_start3A_526 = tpu.memref_slice %arg2[%select_n3A_475, %mul3A_493] : memref<200x4096xi32, #tpu.memory_space<hbm>> -> memref<1x512xi32, #tpu.memory_space<hbm>>
          %dma_start3A_527 = tpu.memref_squeeze %dma_start3A_526 : memref<1x512xi32, #tpu.memory_space<hbm>> -> memref<512xi32, #tpu.memory_space<hbm>>
          %dma_start3A_528 = tpu.memref_slice %arg2[%select_n3A_475, %mul3A_493] : memref<200x4096xi32, #tpu.memory_space<hbm>> -> memref<1x512xi32, #tpu.memory_space<hbm>>
          %dma_start3A_529 = tpu.memref_squeeze %dma_start3A_528 : memref<1x512xi32, #tpu.memory_space<hbm>> -> memref<512xi32, #tpu.memory_space<hbm>>
          tpu.enqueue_dma source(%dma_start3A_529 : memref<512xi32, #tpu.memory_space<hbm>>) target(%arg6 : memref<512xi32, #tpu.memory_space<vmem>>) target_semaphore(%run_scoped3A : memref<!tpu.dma_semaphore, #tpu.memory_space<semaphore_mem>>)
          %dma_wait3A_530 = tpu.memref_slice %arg2[%select_n3A_475, %mul3A_493] : memref<200x4096xi32, #tpu.memory_space<hbm>> -> memref<1x512xi32, #tpu.memory_space<hbm>>
          %dma_wait3A_531 = tpu.memref_squeeze %dma_wait3A_530 : memref<1x512xi32, #tpu.memory_space<hbm>> -> memref<512xi32, #tpu.memory_space<hbm>>
          %dma_wait3A_532 = tpu.memref_slice %arg2[%select_n3A_475, %mul3A_493] : memref<200x4096xi32, #tpu.memory_space<hbm>> -> memref<1x512xi32, #tpu.memory_space<hbm>>
          %dma_wait3A_533 = tpu.memref_squeeze %dma_wait3A_532 : memref<1x512xi32, #tpu.memory_space<hbm>> -> memref<512xi32, #tpu.memory_space<hbm>>
          tpu.wait_dma2 semaphore(%run_scoped3A : memref<!tpu.dma_semaphore, #tpu.memory_space<semaphore_mem>>) src(%dma_wait3A_533 : memref<512xi32, #tpu.memory_space<hbm>>) dst(%arg6 : memref<512xi32, #tpu.memory_space<vmem>>)
          tpu.yield
        }) : () -> ()
        %dma_start3A_494 = arith.constant 0 : i32
        %dma_start3A_495 = arith.constant 0 : i32
        %dma_start3A_496 = tpu.memref_slice %arg8[%dma_start3A_494, %dma_start3A_495] : memref<512x32xf32, #tpu.memory_space<vmem>> -> memref<128x32xf32, #tpu.memory_space<vmem>>
        %dma_start3A_497 = arith.constant 0 : i32
        %dma_start3A_498 = tpu.memref_slice %arg6[%dma_start3A_497] : memref<512xi32, #tpu.memory_space<vmem>> -> memref<128xi32, #tpu.memory_space<vmem>>
        %dma_start3A_499 = arith.constant 0 : i32
        %dma_start3A_500 = arith.constant 0 : i32
        %dma_start3A_501 = tpu.memref_slice %arg3[%dma_start3A_499, %dma_start3A_500] : memref<1000000x32xf32, #tpu.memory_space<hbm>> -> memref<1000000x32xf32, #tpu.memory_space<hbm>>
        tpu.enqueue_indirect_dma source(%dma_start3A_501 : memref<1000000x32xf32, #tpu.memory_space<hbm>>) target(%dma_start3A_496 : memref<128x32xf32, #tpu.memory_space<vmem>>) offsets(%dma_start3A_498 : memref<128xi32, #tpu.memory_space<vmem>>) semaphore(%arg14 : memref<!tpu.dma_semaphore, #tpu.memory_space<semaphore_mem>>)
        %dma_start3A_502 = arith.constant 128 : i32
        %dma_start3A_503 = arith.constant 0 : i32
        %dma_start3A_504 = tpu.memref_slice %arg8[%dma_start3A_502, %dma_start3A_503] : memref<512x32xf32, #tpu.memory_space<vmem>> -> memref<128x32xf32, #tpu.memory_space<vmem>>
        %dma_start3A_505 = arith.constant 128 : i32
        %dma_start3A_506 = tpu.memref_slice %arg6[%dma_start3A_505] : memref<512xi32, #tpu.memory_space<vmem>> -> memref<128xi32, #tpu.memory_space<vmem>>
        %dma_start3A_507 = arith.constant 0 : i32
        %dma_start3A_508 = arith.constant 0 : i32
        %dma_start3A_509 = tpu.memref_slice %arg3[%dma_start3A_507, %dma_start3A_508] : memref<1000000x32xf32, #tpu.memory_space<hbm>> -> memref<1000000x32xf32, #tpu.memory_space<hbm>>
        tpu.enqueue_indirect_dma source(%dma_start3A_509 : memref<1000000x32xf32, #tpu.memory_space<hbm>>) target(%dma_start3A_504 : memref<128x32xf32, #tpu.memory_space<vmem>>) offsets(%dma_start3A_506 : memref<128xi32, #tpu.memory_space<vmem>>) semaphore(%arg14 : memref<!tpu.dma_semaphore, #tpu.memory_space<semaphore_mem>>)
        %dma_start3A_510 = arith.constant 256 : i32
        %dma_start3A_511 = arith.constant 0 : i32
        %dma_start3A_512 = tpu.memref_slice %arg8[%dma_start3A_510, %dma_start3A_511] : memref<512x32xf32, #tpu.memory_space<vmem>> -> memref<128x32xf32, #tpu.memory_space<vmem>>
        %dma_start3A_513 = arith.constant 256 : i32
        %dma_start3A_514 = tpu.memref_slice %arg6[%dma_start3A_513] : memref<512xi32, #tpu.memory_space<vmem>> -> memref<128xi32, #tpu.memory_space<vmem>>
        %dma_start3A_515 = arith.constant 0 : i32
        %dma_start3A_516 = arith.constant 0 : i32
        %dma_start3A_517 = tpu.memref_slice %arg3[%dma_start3A_515, %dma_start3A_516] : memref<1000000x32xf32, #tpu.memory_space<hbm>> -> memref<1000000x32xf32, #tpu.memory_space<hbm>>
        tpu.enqueue_indirect_dma source(%dma_start3A_517 : memref<1000000x32xf32, #tpu.memory_space<hbm>>) target(%dma_start3A_512 : memref<128x32xf32, #tpu.memory_space<vmem>>) offsets(%dma_start3A_514 : memref<128xi32, #tpu.memory_space<vmem>>) semaphore(%arg14 : memref<!tpu.dma_semaphore, #tpu.memory_space<semaphore_mem>>)
        %dma_start3A_518 = arith.constant 384 : i32
        %dma_start3A_519 = arith.constant 0 : i32
        %dma_start3A_520 = tpu.memref_slice %arg8[%dma_start3A_518, %dma_start3A_519] : memref<512x32xf32, #tpu.memory_space<vmem>> -> memref<128x32xf32, #tpu.memory_space<vmem>>
        %dma_start3A_521 = arith.constant 384 : i32
        %dma_start3A_522 = tpu.memref_slice %arg6[%dma_start3A_521] : memref<512xi32, #tpu.memory_space<vmem>> -> memref<128xi32, #tpu.memory_space<vmem>>
        %dma_start3A_523 = arith.constant 0 : i32
        %dma_start3A_524 = arith.constant 0 : i32
        %dma_start3A_525 = tpu.memref_slice %arg3[%dma_start3A_523, %dma_start3A_524] : memref<1000000x32xf32, #tpu.memory_space<hbm>> -> memref<1000000x32xf32, #tpu.memory_space<hbm>>
        tpu.enqueue_indirect_dma source(%dma_start3A_525 : memref<1000000x32xf32, #tpu.memory_space<hbm>>) target(%dma_start3A_520 : memref<128x32xf32, #tpu.memory_space<vmem>>) offsets(%dma_start3A_522 : memref<128xi32, #tpu.memory_space<vmem>>) semaphore(%arg14 : memref<!tpu.dma_semaphore, #tpu.memory_space<semaphore_mem>>)
      } else {
      }
      %jit3A_300 = arith.constant 8 : i32
      %div3A_301 = arith.divsi %add3A_245, %jit3A_300 : i32
      %sign3A_302 = arith.constant 0 : i32
      %sign3A_303 = arith.cmpi sgt, %add3A_245, %sign3A_302 : i32
      %sign3A_304 = arith.extui %sign3A_303 : i1 to i32
      %sign3A_305 = arith.constant 0 : i32
      %sign3A_306 = arith.cmpi slt, %add3A_245, %sign3A_305 : i32
      %sign3A_307 = arith.extui %sign3A_306 : i1 to i32
      %sign3A_308 = arith.subi %sign3A_304, %sign3A_307 : i32
      %sign3A_309 = arith.constant 0 : i32
      %sign3A_310 = arith.cmpi sgt, %jit3A_300, %sign3A_309 : i32
      %sign3A_311 = arith.extui %sign3A_310 : i1 to i32
      %sign3A_312 = arith.constant 0 : i32
      %sign3A_313 = arith.cmpi slt, %jit3A_300, %sign3A_312 : i32
      %sign3A_314 = arith.extui %sign3A_313 : i1 to i32
      %sign3A_315 = arith.subi %sign3A_311, %sign3A_314 : i32
      %ne3A_316 = arith.cmpi ne, %sign3A_308, %sign3A_315 : i32
      %rem3A_317 = arith.remsi %add3A_245, %jit3A_300 : i32
      %ne3A_318 = arith.constant 0 : i32
      %ne3A_319 = arith.cmpi ne, %rem3A_317, %ne3A_318 : i32
      %and3A_320 = arith.andi %ne3A_316, %ne3A_319 : i1
      %sub3A_321 = arith.constant 1 : i32
      %sub3A_322 = arith.subi %div3A_301, %sub3A_321 : i32
      %select_n3A_323 = arith.select %and3A_320, %sub3A_322, %div3A_301 : i32
      %jit3A_324 = arith.constant 8 : i32
      %eq3A_325 = arith.constant 0 : i32
      %eq3A_326 = arith.cmpi eq, %jit3A_324, %eq3A_325 : i32
      %jit3A_327 = arith.constant 1 : i32
      %select_n3A_328 = arith.select %eq3A_326, %jit3A_327, %jit3A_324 : i32
      %rem3A_329 = arith.remsi %add3A_245, %select_n3A_328 : i32
      %ne3A_330 = arith.constant 0 : i32
      %ne3A_331 = arith.cmpi ne, %rem3A_329, %ne3A_330 : i32
      %lt3A_332 = arith.constant 0 : i32
      %lt3A_333 = arith.cmpi slt, %rem3A_329, %lt3A_332 : i32
      %lt3A_334 = arith.constant 0 : i32
      %lt3A_335 = arith.cmpi slt, %select_n3A_328, %lt3A_334 : i32
      %ne3A_336 = arith.xori %lt3A_333, %lt3A_335 : i1
      %and3A_337 = arith.andi %ne3A_336, %ne3A_331 : i1
      %add3A_338 = arith.addi %rem3A_329, %select_n3A_328 : i32
      %select_n3A_339 = arith.select %and3A_337, %add3A_338, %rem3A_329 : i32
      %mul3A_340 = arith.constant 512 : i32
      %mul3A_341 = arith.muli %select_n3A_339, %mul3A_340 : i32
      %dma_start3A_342 = arith.constant 0 : i32
      %dma_start3A_343 = tpu.memref_slice %arg5[%select_n3A_323, %dma_start3A_342, %mul3A_341] : memref<200x32x4096xf32, #tpu.memory_space<hbm>> -> memref<1x32x512xf32, #tpu.memory_space<hbm>>
      %dma_start3A_344 = tpu.memref_squeeze %dma_start3A_343 : memref<1x32x512xf32, #tpu.memory_space<hbm>> -> memref<32x512xf32, #tpu.memory_space<hbm>>
      %dma_start3A_345 = arith.constant 0 : i32
      %dma_start3A_346 = tpu.memref_slice %arg5[%select_n3A_323, %dma_start3A_345, %mul3A_341] : memref<200x32x4096xf32, #tpu.memory_space<hbm>> -> memref<1x32x512xf32, #tpu.memory_space<hbm>>
      %dma_start3A_347 = tpu.memref_squeeze %dma_start3A_346 : memref<1x32x512xf32, #tpu.memory_space<hbm>> -> memref<32x512xf32, #tpu.memory_space<hbm>>
      tpu.enqueue_dma source(%arg11 : memref<32x512xf32, #tpu.memory_space<vmem>>) target(%dma_start3A_347 : memref<32x512xf32, #tpu.memory_space<hbm>>) target_semaphore(%arg16 : memref<!tpu.dma_semaphore, #tpu.memory_space<semaphore_mem>>)
      %dma_wait3A_348 = arith.constant 0 : i32
      %dma_wait3A_349 = arith.constant 0 : i32
      %dma_wait3A_350 = tpu.memref_slice %arg3[%dma_wait3A_348, %dma_wait3A_349] : memref<1000000x32xf32, #tpu.memory_space<hbm>> -> memref<512x32xf32, #tpu.memory_space<hbm>>
      %dma_wait3A_351 = arith.constant 0 : i32
      %dma_wait3A_352 = arith.constant 0 : i32
      %dma_wait3A_353 = tpu.memref_slice %arg3[%dma_wait3A_351, %dma_wait3A_352] : memref<1000000x32xf32, #tpu.memory_space<hbm>> -> memref<512x32xf32, #tpu.memory_space<hbm>>
      tpu.wait_dma2 semaphore(%arg15 : memref<!tpu.dma_semaphore, #tpu.memory_space<semaphore_mem>>) src(%arg9 : memref<512x32xf32, #tpu.memory_space<vmem>>) dst(%dma_wait3A_353 : memref<512x32xf32, #tpu.memory_space<hbm>>)
      %gt3A_354 = arith.constant 0 : i32
      %gt3A_355 = arith.cmpi sgt, %scan3A_242, %gt3A_354 : i32
      %convert_element_type3A_356 = arith.extui %gt3A_355 : i1 to i32
      %cond3A_357 = arith.constant 0 : i32
      %cond3A_358 = arith.cmpi ne, %convert_element_type3A_356, %cond3A_357 : i32
      scf.if %cond3A_358 {
        %jit3A_450 = arith.constant 8 : i32
        %div3A_451 = arith.divsi %add3A_250, %jit3A_450 : i32
        %sign3A_452 = arith.constant 0 : i32
        %sign3A_453 = arith.cmpi sgt, %add3A_250, %sign3A_452 : i32
        %sign3A_454 = arith.extui %sign3A_453 : i1 to i32
        %sign3A_455 = arith.constant 0 : i32
        %sign3A_456 = arith.cmpi slt, %add3A_250, %sign3A_455 : i32
        %sign3A_457 = arith.extui %sign3A_456 : i1 to i32
        %sign3A_458 = arith.subi %sign3A_454, %sign3A_457 : i32
        %sign3A_459 = arith.constant 0 : i32
        %sign3A_460 = arith.cmpi sgt, %jit3A_450, %sign3A_459 : i32
        %sign3A_461 = arith.extui %sign3A_460 : i1 to i32
        %sign3A_462 = arith.constant 0 : i32
        %sign3A_463 = arith.cmpi slt, %jit3A_450, %sign3A_462 : i32
        %sign3A_464 = arith.extui %sign3A_463 : i1 to i32
        %sign3A_465 = arith.subi %sign3A_461, %sign3A_464 : i32
        %ne3A_466 = arith.cmpi ne, %sign3A_458, %sign3A_465 : i32
        %rem3A_467 = arith.remsi %add3A_250, %jit3A_450 : i32
        %ne3A_468 = arith.constant 0 : i32
        %ne3A_469 = arith.cmpi ne, %rem3A_467, %ne3A_468 : i32
        %and3A_470 = arith.andi %ne3A_466, %ne3A_469 : i1
        %sub3A_471 = arith.constant 1 : i32
        %sub3A_472 = arith.subi %div3A_451, %sub3A_471 : i32
        %select_n3A_473 = arith.select %and3A_470, %sub3A_472, %div3A_451 : i32
        %jit3A_474 = arith.constant 8 : i32
        %eq3A_475 = arith.constant 0 : i32
        %eq3A_476 = arith.cmpi eq, %jit3A_474, %eq3A_475 : i32
        %jit3A_477 = arith.constant 1 : i32
        %select_n3A_478 = arith.select %eq3A_476, %jit3A_477, %jit3A_474 : i32
        %rem3A_479 = arith.remsi %add3A_250, %select_n3A_478 : i32
        %ne3A_480 = arith.constant 0 : i32
        %ne3A_481 = arith.cmpi ne, %rem3A_479, %ne3A_480 : i32
        %lt3A_482 = arith.constant 0 : i32
        %lt3A_483 = arith.cmpi slt, %rem3A_479, %lt3A_482 : i32
        %lt3A_484 = arith.constant 0 : i32
        %lt3A_485 = arith.cmpi slt, %select_n3A_478, %lt3A_484 : i32
        %ne3A_486 = arith.xori %lt3A_483, %lt3A_485 : i1
        %and3A_487 = arith.andi %ne3A_486, %ne3A_481 : i1
        %add3A_488 = arith.addi %rem3A_479, %select_n3A_478 : i32
        %select_n3A_489 = arith.select %and3A_487, %add3A_488, %rem3A_479 : i32
        %mul3A_490 = arith.constant 512 : i32
        %mul3A_491 = arith.muli %select_n3A_489, %mul3A_490 : i32
        %dma_wait3A_492 = arith.constant 0 : i32
        %dma_wait3A_493 = tpu.memref_slice %arg5[%select_n3A_473, %dma_wait3A_492, %mul3A_491] : memref<200x32x4096xf32, #tpu.memory_space<hbm>> -> memref<1x32x512xf32, #tpu.memory_space<hbm>>
        %dma_wait3A_494 = tpu.memref_squeeze %dma_wait3A_493 : memref<1x32x512xf32, #tpu.memory_space<hbm>> -> memref<32x512xf32, #tpu.memory_space<hbm>>
        %dma_wait3A_495 = arith.constant 0 : i32
        %dma_wait3A_496 = tpu.memref_slice %arg5[%select_n3A_473, %dma_wait3A_495, %mul3A_491] : memref<200x32x4096xf32, #tpu.memory_space<hbm>> -> memref<1x32x512xf32, #tpu.memory_space<hbm>>
        %dma_wait3A_497 = tpu.memref_squeeze %dma_wait3A_496 : memref<1x32x512xf32, #tpu.memory_space<hbm>> -> memref<32x512xf32, #tpu.memory_space<hbm>>
        tpu.wait_dma2 semaphore(%arg17 : memref<!tpu.dma_semaphore, #tpu.memory_space<semaphore_mem>>) src(%arg12 : memref<32x512xf32, #tpu.memory_space<vmem>>) dst(%dma_wait3A_497 : memref<32x512xf32, #tpu.memory_space<hbm>>)
      } else {
      }
      %jit3A_359 = arith.constant 8 : i32
      %div3A_360 = arith.divsi %add3A_250, %jit3A_359 : i32
      %sign3A_361 = arith.constant 0 : i32
      %sign3A_362 = arith.cmpi sgt, %add3A_250, %sign3A_361 : i32
      %sign3A_363 = arith.extui %sign3A_362 : i1 to i32
      %sign3A_364 = arith.constant 0 : i32
      %sign3A_365 = arith.cmpi slt, %add3A_250, %sign3A_364 : i32
      %sign3A_366 = arith.extui %sign3A_365 : i1 to i32
      %sign3A_367 = arith.subi %sign3A_363, %sign3A_366 : i32
      %sign3A_368 = arith.constant 0 : i32
      %sign3A_369 = arith.cmpi sgt, %jit3A_359, %sign3A_368 : i32
      %sign3A_370 = arith.extui %sign3A_369 : i1 to i32
      %sign3A_371 = arith.constant 0 : i32
      %sign3A_372 = arith.cmpi slt, %jit3A_359, %sign3A_371 : i32
      %sign3A_373 = arith.extui %sign3A_372 : i1 to i32
      %sign3A_374 = arith.subi %sign3A_370, %sign3A_373 : i32
      %ne3A_375 = arith.cmpi ne, %sign3A_367, %sign3A_374 : i32
      %rem3A_376 = arith.remsi %add3A_250, %jit3A_359 : i32
      %ne3A_377 = arith.constant 0 : i32
      %ne3A_378 = arith.cmpi ne, %rem3A_376, %ne3A_377 : i32
      %and3A_379 = arith.andi %ne3A_375, %ne3A_378 : i1
      %sub3A_380 = arith.constant 1 : i32
      %sub3A_381 = arith.subi %div3A_360, %sub3A_380 : i32
      %select_n3A_382 = arith.select %and3A_379, %sub3A_381, %div3A_360 : i32
      %get3A_383 = arith.index_cast %select_n3A_382 : i32 to index
      %get3A_384 = arith.constant 0 : index
      %get3A_385 = tpu.vector_load %arg13[%get3A_383, %get3A_384] {strides = array<i32>} : memref<200x32xf32, #tpu.memory_space<vmem>>, vector<16xf32>,
      %get3A_386 = arith.index_cast %select_n3A_382 : i32 to index
      %get3A_387 = arith.constant 16 : index
      %get3A_388 = tpu.vector_load %arg13[%get3A_386, %get3A_387] {strides = array<i32>} : memref<200x32xf32, #tpu.memory_space<vmem>>, vector<16xf32>,
      %parallel_loop3A_389 = arith.constant 0 : i32
      %parallel_loop3A_390 = arith.constant 512 : i32
      %parallel_loop3A_391 = arith.constant 1 : i32
      scf.for %parallel_loop3A_450 = %parallel_loop3A_389 to %parallel_loop3A_390 step %parallel_loop3A_391  : i32 {
        %parallel_loop3A_451 = tpu.iota {dimensions = array<i32: 0>} : vector<16xi32>
        %parallel_loop3A_452 = vector.broadcast %parallel_loop3A_450 : i32 to vector<16xi32>
        %parallel_loop3A_453 = arith.addi %parallel_loop3A_451, %parallel_loop3A_452 : vector<16xi32>
        %parallel_loop3A_454 = arith.constant 15 : i32
        %parallel_loop3A_455 = vector.broadcast %parallel_loop3A_454 : i32 to vector<16xi32>
        %parallel_loop3A_456 = arith.andi %parallel_loop3A_453, %parallel_loop3A_455 : vector<16xi32>
        %parallel_loop3A_457 = arith.index_cast %parallel_loop3A_450 : i32 to index
        %parallel_loop3A_458 = arith.constant 0 : index
        %parallel_loop3A_459 = tpu.vector_load %arg9[%parallel_loop3A_457, %parallel_loop3A_458] {strides = array<i32>} : memref<512x32xf32, #tpu.memory_space<vmem>>, vector<16xf32>,
        %parallel_loop3A_460 = arith.addf %parallel_loop3A_459, %get3A_385 : vector<16xf32>
        %parallel_loop3A_461 = arith.constant 32 : i32
        %parallel_loop3A_462 = arith.muli %parallel_loop3A_450, %parallel_loop3A_461 : i32
        %parallel_loop3A_463 = arith.constant 0 : i32
        %parallel_loop3A_464 = arith.addi %parallel_loop3A_462, %parallel_loop3A_463 : i32
        %parallel_loop3A_465 = vector.broadcast %parallel_loop3A_464 : i32 to vector<16xi32>
        %parallel_loop3A_466 = arith.addi %parallel_loop3A_465, %parallel_loop3A_456 : vector<16xi32>
        tpu.vector_store_idx %arg10[%parallel_loop3A_466], %parallel_loop3A_460 : memref<16384xf32, #tpu.memory_space<vmem>>[vector<16xi32>], vector<16xf32>,
        %parallel_loop3A_467 = arith.index_cast %parallel_loop3A_450 : i32 to index
        %parallel_loop3A_468 = arith.constant 16 : index
        %parallel_loop3A_469 = tpu.vector_load %arg9[%parallel_loop3A_467, %parallel_loop3A_468] {strides = array<i32>} : memref<512x32xf32, #tpu.memory_space<vmem>>, vector<16xf32>,
        %parallel_loop3A_470 = arith.addf %parallel_loop3A_469, %get3A_388 : vector<16xf32>
        %parallel_loop3A_471 = arith.constant 32 : i32
        %parallel_loop3A_472 = arith.muli %parallel_loop3A_450, %parallel_loop3A_471 : i32
        %parallel_loop3A_473 = arith.constant 16 : i32
        %parallel_loop3A_474 = arith.addi %parallel_loop3A_472, %parallel_loop3A_473 : i32
        %parallel_loop3A_475 = vector.broadcast %parallel_loop3A_474 : i32 to vector<16xi32>
        %parallel_loop3A_476 = arith.addi %parallel_loop3A_475, %parallel_loop3A_456 : vector<16xi32>
        tpu.vector_store_idx %arg10[%parallel_loop3A_476], %parallel_loop3A_470 : memref<16384xf32, #tpu.memory_space<vmem>>[vector<16xi32>], vector<16xf32>,
      } {sc.loop_unroll_factor = 1 : i64, sc.parallel_access}
      %parallel_loop3A_392 = arith.constant 0 : i32
      %parallel_loop3A_393 = arith.constant 32 : i32
      %parallel_loop3A_394 = arith.constant 1 : i32
      scf.for %parallel_loop3A_450 = %parallel_loop3A_392 to %parallel_loop3A_393 step %parallel_loop3A_394  : i32 {
        %parallel_loop3A_451 = arith.constant 16 : i32
        %parallel_loop3A_452 = arith.muli %parallel_loop3A_450, %parallel_loop3A_451 : i32
        %parallel_loop3A_453 = tpu.iota {dimensions = array<i32: 0>} : vector<16xi32>
        %parallel_loop3A_454 = vector.broadcast %parallel_loop3A_452 : i32 to vector<16xi32>
        %parallel_loop3A_455 = arith.addi %parallel_loop3A_454, %parallel_loop3A_453 : vector<16xi32>
        %parallel_loop3A_456 = arith.constant 32 : i32
        %parallel_loop3A_457 = vector.broadcast %parallel_loop3A_456 : i32 to vector<16xi32>
        %parallel_loop3A_458 = arith.muli %parallel_loop3A_455, %parallel_loop3A_457 : vector<16xi32>
        %parallel_loop3A_459 = arith.constant 0 : i32
        %parallel_loop3A_460 = arith.addi %parallel_loop3A_459, %parallel_loop3A_452 : i32
        %parallel_loop3A_461 = vector.broadcast %parallel_loop3A_460 : i32 to vector<16xi32>
        %parallel_loop3A_462 = arith.addi %parallel_loop3A_461, %parallel_loop3A_453 : vector<16xi32>
        %parallel_loop3A_463 = arith.constant 15 : i32
        %parallel_loop3A_464 = vector.broadcast %parallel_loop3A_463 : i32 to vector<16xi32>
        %parallel_loop3A_465 = arith.andi %parallel_loop3A_462, %parallel_loop3A_464 : vector<16xi32>
        %parallel_loop3A_466 = arith.constant 0 : i32
        %parallel_loop3A_467 = vector.broadcast %parallel_loop3A_466 : i32 to vector<16xi32>
        %parallel_loop3A_468 = arith.addi %parallel_loop3A_458, %parallel_loop3A_467 : vector<16xi32>
        %parallel_loop3A_469 = arith.addi %parallel_loop3A_468, %parallel_loop3A_465 : vector<16xi32>
        %parallel_loop3A_470 = tpu.vector_load_idx %arg10[%parallel_loop3A_469] : memref<16384xf32, #tpu.memory_space<vmem>>[vector<16xi32>], vector<16xf32>,
        %parallel_loop3A_471 = arith.constant 0 : i32
        %parallel_loop3A_472 = arith.index_cast %parallel_loop3A_471 : i32 to index
        %parallel_loop3A_473 = arith.index_cast %parallel_loop3A_452 : i32 to index
        %parallel_loop3A_474 = tpu.vector_load %arg12[%parallel_loop3A_472, %parallel_loop3A_473] {strides = array<i32>} : memref<32x512xf32, #tpu.memory_space<vmem>>, vector<16xf32>,
        tpu.vector_store %arg12[%parallel_loop3A_472, %parallel_loop3A_473], %parallel_loop3A_470 {strides = array<i32>} : memref<32x512xf32, #tpu.memory_space<vmem>>, vector<16xf32>,
        %parallel_loop3A_475 = arith.constant 1 : i32
        %parallel_loop3A_476 = arith.addi %parallel_loop3A_475, %parallel_loop3A_452 : i32
        %parallel_loop3A_477 = vector.broadcast %parallel_loop3A_476 : i32 to vector<16xi32>
        %parallel_loop3A_478 = arith.addi %parallel_loop3A_477, %parallel_loop3A_453 : vector<16xi32>
        %parallel_loop3A_479 = arith.constant 15 : i32
        %parallel_loop3A_480 = vector.broadcast %parallel_loop3A_479 : i32 to vector<16xi32>
        %parallel_loop3A_481 = arith.andi %parallel_loop3A_478, %parallel_loop3A_480 : vector<16xi32>
        %parallel_loop3A_482 = arith.constant 0 : i32
        %parallel_loop3A_483 = vector.broadcast %parallel_loop3A_482 : i32 to vector<16xi32>
        %parallel_loop3A_484 = arith.addi %parallel_loop3A_458, %parallel_loop3A_483 : vector<16xi32>
        %parallel_loop3A_485 = arith.addi %parallel_loop3A_484, %parallel_loop3A_481 : vector<16xi32>
        %parallel_loop3A_486 = tpu.vector_load_idx %arg10[%parallel_loop3A_485] : memref<16384xf32, #tpu.memory_space<vmem>>[vector<16xi32>], vector<16xf32>,
        %parallel_loop3A_487 = arith.constant 1 : i32
        %parallel_loop3A_488 = arith.index_cast %parallel_loop3A_487 : i32 to index
        %parallel_loop3A_489 = arith.index_cast %parallel_loop3A_452 : i32 to index
        %parallel_loop3A_490 = tpu.vector_load %arg12[%parallel_loop3A_488, %parallel_loop3A_489] {strides = array<i32>} : memref<32x512xf32, #tpu.memory_space<vmem>>, vector<16xf32>,
        tpu.vector_store %arg12[%parallel_loop3A_488, %parallel_loop3A_489], %parallel_loop3A_486 {strides = array<i32>} : memref<32x512xf32, #tpu.memory_space<vmem>>, vector<16xf32>,
        %parallel_loop3A_491 = arith.constant 2 : i32
        %parallel_loop3A_492 = arith.addi %parallel_loop3A_491, %parallel_loop3A_452 : i32
        %parallel_loop3A_493 = vector.broadcast %parallel_loop3A_492 : i32 to vector<16xi32>
        %parallel_loop3A_494 = arith.addi %parallel_loop3A_493, %parallel_loop3A_453 : vector<16xi32>
        %parallel_loop3A_495 = arith.constant 15 : i32
        %parallel_loop3A_496 = vector.broadcast %parallel_loop3A_495 : i32 to vector<16xi32>
        %parallel_loop3A_497 = arith.andi %parallel_loop3A_494, %parallel_loop3A_496 : vector<16xi32>
        %parallel_loop3A_498 = arith.constant 0 : i32
        %parallel_loop3A_499 = vector.broadcast %parallel_loop3A_498 : i32 to vector<16xi32>
        %parallel_loop3A_500 = arith.addi %parallel_loop3A_458, %parallel_loop3A_499 : vector<16xi32>
        %parallel_loop3A_501 = arith.addi %parallel_loop3A_500, %parallel_loop3A_497 : vector<16xi32>
        %parallel_loop3A_502 = tpu.vector_load_idx %arg10[%parallel_loop3A_501] : memref<16384xf32, #tpu.memory_space<vmem>>[vector<16xi32>], vector<16xf32>,
        %parallel_loop3A_503 = arith.constant 2 : i32
        %parallel_loop3A_504 = arith.index_cast %parallel_loop3A_503 : i32 to index
        %parallel_loop3A_505 = arith.index_cast %parallel_loop3A_452 : i32 to index
        %parallel_loop3A_506 = tpu.vector_load %arg12[%parallel_loop3A_504, %parallel_loop3A_505] {strides = array<i32>} : memref<32x512xf32, #tpu.memory_space<vmem>>, vector<16xf32>,
        tpu.vector_store %arg12[%parallel_loop3A_504, %parallel_loop3A_505], %parallel_loop3A_502 {strides = array<i32>} : memref<32x512xf32, #tpu.memory_space<vmem>>, vector<16xf32>,
        %parallel_loop3A_507 = arith.constant 3 : i32
        %parallel_loop3A_508 = arith.addi %parallel_loop3A_507, %parallel_loop3A_452 : i32
        %parallel_loop3A_509 = vector.broadcast %parallel_loop3A_508 : i32 to vector<16xi32>
        %parallel_loop3A_510 = arith.addi %parallel_loop3A_509, %parallel_loop3A_453 : vector<16xi32>
        %parallel_loop3A_511 = arith.constant 15 : i32
        %parallel_loop3A_512 = vector.broadcast %parallel_loop3A_511 : i32 to vector<16xi32>
        %parallel_loop3A_513 = arith.andi %parallel_loop3A_510, %parallel_loop3A_512 : vector<16xi32>
        %parallel_loop3A_514 = arith.constant 0 : i32
        %parallel_loop3A_515 = vector.broadcast %parallel_loop3A_514 : i32 to vector<16xi32>
        %parallel_loop3A_516 = arith.addi %parallel_loop3A_458, %parallel_loop3A_515 : vector<16xi32>
        %parallel_loop3A_517 = arith.addi %parallel_loop3A_516, %parallel_loop3A_513 : vector<16xi32>
        %parallel_loop3A_518 = tpu.vector_load_idx %arg10[%parallel_loop3A_517] : memref<16384xf32, #tpu.memory_space<vmem>>[vector<16xi32>], vector<16xf32>,
        %parallel_loop3A_519 = arith.constant 3 : i32
        %parallel_loop3A_520 = arith.index_cast %parallel_loop3A_519 : i32 to index
        %parallel_loop3A_521 = arith.index_cast %parallel_loop3A_452 : i32 to index
        %parallel_loop3A_522 = tpu.vector_load %arg12[%parallel_loop3A_520, %parallel_loop3A_521] {strides = array<i32>} : memref<32x512xf32, #tpu.memory_space<vmem>>, vector<16xf32>,
        tpu.vector_store %arg12[%parallel_loop3A_520, %parallel_loop3A_521], %parallel_loop3A_518 {strides = array<i32>} : memref<32x512xf32, #tpu.memory_space<vmem>>, vector<16xf32>,
        %parallel_loop3A_523 = arith.constant 4 : i32
        %parallel_loop3A_524 = arith.addi %parallel_loop3A_523, %parallel_loop3A_452 : i32
        %parallel_loop3A_525 = vector.broadcast %parallel_loop3A_524 : i32 to vector<16xi32>
        %parallel_loop3A_526 = arith.addi %parallel_loop3A_525, %parallel_loop3A_453 : vector<16xi32>
        %parallel_loop3A_527 = arith.constant 15 : i32
        %parallel_loop3A_528 = vector.broadcast %parallel_loop3A_527 : i32 to vector<16xi32>
        %parallel_loop3A_529 = arith.andi %parallel_loop3A_526, %parallel_loop3A_528 : vector<16xi32>
        %parallel_loop3A_530 = arith.constant 0 : i32
        %parallel_loop3A_531 = vector.broadcast %parallel_loop3A_530 : i32 to vector<16xi32>
        %parallel_loop3A_532 = arith.addi %parallel_loop3A_458, %parallel_loop3A_531 : vector<16xi32>
        %parallel_loop3A_533 = arith.addi %parallel_loop3A_532, %parallel_loop3A_529 : vector<16xi32>
        %parallel_loop3A_534 = tpu.vector_load_idx %arg10[%parallel_loop3A_533] : memref<16384xf32, #tpu.memory_space<vmem>>[vector<16xi32>], vector<16xf32>,
        %parallel_loop3A_535 = arith.constant 4 : i32
        %parallel_loop3A_536 = arith.index_cast %parallel_loop3A_535 : i32 to index
        %parallel_loop3A_537 = arith.index_cast %parallel_loop3A_452 : i32 to index
        %parallel_loop3A_538 = tpu.vector_load %arg12[%parallel_loop3A_536, %parallel_loop3A_537] {strides = array<i32>} : memref<32x512xf32, #tpu.memory_space<vmem>>, vector<16xf32>,
        tpu.vector_store %arg12[%parallel_loop3A_536, %parallel_loop3A_537], %parallel_loop3A_534 {strides = array<i32>} : memref<32x512xf32, #tpu.memory_space<vmem>>, vector<16xf32>,
        %parallel_loop3A_539 = arith.constant 5 : i32
        %parallel_loop3A_540 = arith.addi %parallel_loop3A_539, %parallel_loop3A_452 : i32
        %parallel_loop3A_541 = vector.broadcast %parallel_loop3A_540 : i32 to vector<16xi32>
        %parallel_loop3A_542 = arith.addi %parallel_loop3A_541, %parallel_loop3A_453 : vector<16xi32>
        %parallel_loop3A_543 = arith.constant 15 : i32
        %parallel_loop3A_544 = vector.broadcast %parallel_loop3A_543 : i32 to vector<16xi32>
        %parallel_loop3A_545 = arith.andi %parallel_loop3A_542, %parallel_loop3A_544 : vector<16xi32>
        %parallel_loop3A_546 = arith.constant 0 : i32
        %parallel_loop3A_547 = vector.broadcast %parallel_loop3A_546 : i32 to vector<16xi32>
        %parallel_loop3A_548 = arith.addi %parallel_loop3A_458, %parallel_loop3A_547 : vector<16xi32>
        %parallel_loop3A_549 = arith.addi %parallel_loop3A_548, %parallel_loop3A_545 : vector<16xi32>
        %parallel_loop3A_550 = tpu.vector_load_idx %arg10[%parallel_loop3A_549] : memref<16384xf32, #tpu.memory_space<vmem>>[vector<16xi32>], vector<16xf32>,
        %parallel_loop3A_551 = arith.constant 5 : i32
        %parallel_loop3A_552 = arith.index_cast %parallel_loop3A_551 : i32 to index
        %parallel_loop3A_553 = arith.index_cast %parallel_loop3A_452 : i32 to index
        %parallel_loop3A_554 = tpu.vector_load %arg12[%parallel_loop3A_552, %parallel_loop3A_553] {strides = array<i32>} : memref<32x512xf32, #tpu.memory_space<vmem>>, vector<16xf32>,
        tpu.vector_store %arg12[%parallel_loop3A_552, %parallel_loop3A_553], %parallel_loop3A_550 {strides = array<i32>} : memref<32x512xf32, #tpu.memory_space<vmem>>, vector<16xf32>,
        %parallel_loop3A_555 = arith.constant 6 : i32
        %parallel_loop3A_556 = arith.addi %parallel_loop3A_555, %parallel_loop3A_452 : i32
        %parallel_loop3A_557 = vector.broadcast %parallel_loop3A_556 : i32 to vector<16xi32>
        %parallel_loop3A_558 = arith.addi %parallel_loop3A_557, %parallel_loop3A_453 : vector<16xi32>
        %parallel_loop3A_559 = arith.constant 15 : i32
        %parallel_loop3A_560 = vector.broadcast %parallel_loop3A_559 : i32 to vector<16xi32>
        %parallel_loop3A_561 = arith.andi %parallel_loop3A_558, %parallel_loop3A_560 : vector<16xi32>
        %parallel_loop3A_562 = arith.constant 0 : i32
        %parallel_loop3A_563 = vector.broadcast %parallel_loop3A_562 : i32 to vector<16xi32>
        %parallel_loop3A_564 = arith.addi %parallel_loop3A_458, %parallel_loop3A_563 : vector<16xi32>
        %parallel_loop3A_565 = arith.addi %parallel_loop3A_564, %parallel_loop3A_561 : vector<16xi32>
        %parallel_loop3A_566 = tpu.vector_load_idx %arg10[%parallel_loop3A_565] : memref<16384xf32, #tpu.memory_space<vmem>>[vector<16xi32>], vector<16xf32>,
        %parallel_loop3A_567 = arith.constant 6 : i32
        %parallel_loop3A_568 = arith.index_cast %parallel_loop3A_567 : i32 to index
        %parallel_loop3A_569 = arith.index_cast %parallel_loop3A_452 : i32 to index
        %parallel_loop3A_570 = tpu.vector_load %arg12[%parallel_loop3A_568, %parallel_loop3A_569] {strides = array<i32>} : memref<32x512xf32, #tpu.memory_space<vmem>>, vector<16xf32>,
        tpu.vector_store %arg12[%parallel_loop3A_568, %parallel_loop3A_569], %parallel_loop3A_566 {strides = array<i32>} : memref<32x512xf32, #tpu.memory_space<vmem>>, vector<16xf32>,
        %parallel_loop3A_571 = arith.constant 7 : i32
        %parallel_loop3A_572 = arith.addi %parallel_loop3A_571, %parallel_loop3A_452 : i32
        %parallel_loop3A_573 = vector.broadcast %parallel_loop3A_572 : i32 to vector<16xi32>
        %parallel_loop3A_574 = arith.addi %parallel_loop3A_573, %parallel_loop3A_453 : vector<16xi32>
        %parallel_loop3A_575 = arith.constant 15 : i32
        %parallel_loop3A_576 = vector.broadcast %parallel_loop3A_575 : i32 to vector<16xi32>
        %parallel_loop3A_577 = arith.andi %parallel_loop3A_574, %parallel_loop3A_576 : vector<16xi32>
        %parallel_loop3A_578 = arith.constant 0 : i32
        %parallel_loop3A_579 = vector.broadcast %parallel_loop3A_578 : i32 to vector<16xi32>
        %parallel_loop3A_580 = arith.addi %parallel_loop3A_458, %parallel_loop3A_579 : vector<16xi32>
        %parallel_loop3A_581 = arith.addi %parallel_loop3A_580, %parallel_loop3A_577 : vector<16xi32>
        %parallel_loop3A_582 = tpu.vector_load_idx %arg10[%parallel_loop3A_581] : memref<16384xf32, #tpu.memory_space<vmem>>[vector<16xi32>], vector<16xf32>,
        %parallel_loop3A_583 = arith.constant 7 : i32
        %parallel_loop3A_584 = arith.index_cast %parallel_loop3A_583 : i32 to index
        %parallel_loop3A_585 = arith.index_cast %parallel_loop3A_452 : i32 to index
        %parallel_loop3A_586 = tpu.vector_load %arg12[%parallel_loop3A_584, %parallel_loop3A_585] {strides = array<i32>} : memref<32x512xf32, #tpu.memory_space<vmem>>, vector<16xf32>,
        tpu.vector_store %arg12[%parallel_loop3A_584, %parallel_loop3A_585], %parallel_loop3A_582 {strides = array<i32>} : memref<32x512xf32, #tpu.memory_space<vmem>>, vector<16xf32>,
        %parallel_loop3A_587 = arith.constant 8 : i32
        %parallel_loop3A_588 = arith.addi %parallel_loop3A_587, %parallel_loop3A_452 : i32
        %parallel_loop3A_589 = vector.broadcast %parallel_loop3A_588 : i32 to vector<16xi32>
        %parallel_loop3A_590 = arith.addi %parallel_loop3A_589, %parallel_loop3A_453 : vector<16xi32>
        %parallel_loop3A_591 = arith.constant 15 : i32
        %parallel_loop3A_592 = vector.broadcast %parallel_loop3A_591 : i32 to vector<16xi32>
        %parallel_loop3A_593 = arith.andi %parallel_loop3A_590, %parallel_loop3A_592 : vector<16xi32>
        %parallel_loop3A_594 = arith.constant 0 : i32
        %parallel_loop3A_595 = vector.broadcast %parallel_loop3A_594 : i32 to vector<16xi32>
        %parallel_loop3A_596 = arith.addi %parallel_loop3A_458, %parallel_loop3A_595 : vector<16xi32>
        %parallel_loop3A_597 = arith.addi %parallel_loop3A_596, %parallel_loop3A_593 : vector<16xi32>
        %parallel_loop3A_598 = tpu.vector_load_idx %arg10[%parallel_loop3A_597] : memref<16384xf32, #tpu.memory_space<vmem>>[vector<16xi32>], vector<16xf32>,
        %parallel_loop3A_599 = arith.constant 8 : i32
        %parallel_loop3A_600 = arith.index_cast %parallel_loop3A_599 : i32 to index
        %parallel_loop3A_601 = arith.index_cast %parallel_loop3A_452 : i32 to index
        %parallel_loop3A_602 = tpu.vector_load %arg12[%parallel_loop3A_600, %parallel_loop3A_601] {strides = array<i32>} : memref<32x512xf32, #tpu.memory_space<vmem>>, vector<16xf32>,
        tpu.vector_store %arg12[%parallel_loop3A_600, %parallel_loop3A_601], %parallel_loop3A_598 {strides = array<i32>} : memref<32x512xf32, #tpu.memory_space<vmem>>, vector<16xf32>,
        %parallel_loop3A_603 = arith.constant 9 : i32
        %parallel_loop3A_604 = arith.addi %parallel_loop3A_603, %parallel_loop3A_452 : i32
        %parallel_loop3A_605 = vector.broadcast %parallel_loop3A_604 : i32 to vector<16xi32>
        %parallel_loop3A_606 = arith.addi %parallel_loop3A_605, %parallel_loop3A_453 : vector<16xi32>
        %parallel_loop3A_607 = arith.constant 15 : i32
        %parallel_loop3A_608 = vector.broadcast %parallel_loop3A_607 : i32 to vector<16xi32>
        %parallel_loop3A_609 = arith.andi %parallel_loop3A_606, %parallel_loop3A_608 : vector<16xi32>
        %parallel_loop3A_610 = arith.constant 0 : i32
        %parallel_loop3A_611 = vector.broadcast %parallel_loop3A_610 : i32 to vector<16xi32>
        %parallel_loop3A_612 = arith.addi %parallel_loop3A_458, %parallel_loop3A_611 : vector<16xi32>
        %parallel_loop3A_613 = arith.addi %parallel_loop3A_612, %parallel_loop3A_609 : vector<16xi32>
        %parallel_loop3A_614 = tpu.vector_load_idx %arg10[%parallel_loop3A_613] : memref<16384xf32, #tpu.memory_space<vmem>>[vector<16xi32>], vector<16xf32>,
        %parallel_loop3A_615 = arith.constant 9 : i32
        %parallel_loop3A_616 = arith.index_cast %parallel_loop3A_615 : i32 to index
        %parallel_loop3A_617 = arith.index_cast %parallel_loop3A_452 : i32 to index
        %parallel_loop3A_618 = tpu.vector_load %arg12[%parallel_loop3A_616, %parallel_loop3A_617] {strides = array<i32>} : memref<32x512xf32, #tpu.memory_space<vmem>>, vector<16xf32>,
        tpu.vector_store %arg12[%parallel_loop3A_616, %parallel_loop3A_617], %parallel_loop3A_614 {strides = array<i32>} : memref<32x512xf32, #tpu.memory_space<vmem>>, vector<16xf32>,
        %parallel_loop3A_619 = arith.constant 10 : i32
        %parallel_loop3A_620 = arith.addi %parallel_loop3A_619, %parallel_loop3A_452 : i32
        %parallel_loop3A_621 = vector.broadcast %parallel_loop3A_620 : i32 to vector<16xi32>
        %parallel_loop3A_622 = arith.addi %parallel_loop3A_621, %parallel_loop3A_453 : vector<16xi32>
        %parallel_loop3A_623 = arith.constant 15 : i32
        %parallel_loop3A_624 = vector.broadcast %parallel_loop3A_623 : i32 to vector<16xi32>
        %parallel_loop3A_625 = arith.andi %parallel_loop3A_622, %parallel_loop3A_624 : vector<16xi32>
        %parallel_loop3A_626 = arith.constant 0 : i32
        %parallel_loop3A_627 = vector.broadcast %parallel_loop3A_626 : i32 to vector<16xi32>
        %parallel_loop3A_628 = arith.addi %parallel_loop3A_458, %parallel_loop3A_627 : vector<16xi32>
        %parallel_loop3A_629 = arith.addi %parallel_loop3A_628, %parallel_loop3A_625 : vector<16xi32>
        %parallel_loop3A_630 = tpu.vector_load_idx %arg10[%parallel_loop3A_629] : memref<16384xf32, #tpu.memory_space<vmem>>[vector<16xi32>], vector<16xf32>,
        %parallel_loop3A_631 = arith.constant 10 : i32
        %parallel_loop3A_632 = arith.index_cast %parallel_loop3A_631 : i32 to index
        %parallel_loop3A_633 = arith.index_cast %parallel_loop3A_452 : i32 to index
        %parallel_loop3A_634 = tpu.vector_load %arg12[%parallel_loop3A_632, %parallel_loop3A_633] {strides = array<i32>} : memref<32x512xf32, #tpu.memory_space<vmem>>, vector<16xf32>,
        tpu.vector_store %arg12[%parallel_loop3A_632, %parallel_loop3A_633], %parallel_loop3A_630 {strides = array<i32>} : memref<32x512xf32, #tpu.memory_space<vmem>>, vector<16xf32>,
        %parallel_loop3A_635 = arith.constant 11 : i32
        %parallel_loop3A_636 = arith.addi %parallel_loop3A_635, %parallel_loop3A_452 : i32
        %parallel_loop3A_637 = vector.broadcast %parallel_loop3A_636 : i32 to vector<16xi32>
        %parallel_loop3A_638 = arith.addi %parallel_loop3A_637, %parallel_loop3A_453 : vector<16xi32>
        %parallel_loop3A_639 = arith.constant 15 : i32
        %parallel_loop3A_640 = vector.broadcast %parallel_loop3A_639 : i32 to vector<16xi32>
        %parallel_loop3A_641 = arith.andi %parallel_loop3A_638, %parallel_loop3A_640 : vector<16xi32>
        %parallel_loop3A_642 = arith.constant 0 : i32
        %parallel_loop3A_643 = vector.broadcast %parallel_loop3A_642 : i32 to vector<16xi32>
        %parallel_loop3A_644 = arith.addi %parallel_loop3A_458, %parallel_loop3A_643 : vector<16xi32>
        %parallel_loop3A_645 = arith.addi %parallel_loop3A_644, %parallel_loop3A_641 : vector<16xi32>
        %parallel_loop3A_646 = tpu.vector_load_idx %arg10[%parallel_loop3A_645] : memref<16384xf32, #tpu.memory_space<vmem>>[vector<16xi32>], vector<16xf32>,
        %parallel_loop3A_647 = arith.constant 11 : i32
        %parallel_loop3A_648 = arith.index_cast %parallel_loop3A_647 : i32 to index
        %parallel_loop3A_649 = arith.index_cast %parallel_loop3A_452 : i32 to index
        %parallel_loop3A_650 = tpu.vector_load %arg12[%parallel_loop3A_648, %parallel_loop3A_649] {strides = array<i32>} : memref<32x512xf32, #tpu.memory_space<vmem>>, vector<16xf32>,
        tpu.vector_store %arg12[%parallel_loop3A_648, %parallel_loop3A_649], %parallel_loop3A_646 {strides = array<i32>} : memref<32x512xf32, #tpu.memory_space<vmem>>, vector<16xf32>,
        %parallel_loop3A_651 = arith.constant 12 : i32
        %parallel_loop3A_652 = arith.addi %parallel_loop3A_651, %parallel_loop3A_452 : i32
        %parallel_loop3A_653 = vector.broadcast %parallel_loop3A_652 : i32 to vector<16xi32>
        %parallel_loop3A_654 = arith.addi %parallel_loop3A_653, %parallel_loop3A_453 : vector<16xi32>
        %parallel_loop3A_655 = arith.constant 15 : i32
        %parallel_loop3A_656 = vector.broadcast %parallel_loop3A_655 : i32 to vector<16xi32>
        %parallel_loop3A_657 = arith.andi %parallel_loop3A_654, %parallel_loop3A_656 : vector<16xi32>
        %parallel_loop3A_658 = arith.constant 0 : i32
        %parallel_loop3A_659 = vector.broadcast %parallel_loop3A_658 : i32 to vector<16xi32>
        %parallel_loop3A_660 = arith.addi %parallel_loop3A_458, %parallel_loop3A_659 : vector<16xi32>
        %parallel_loop3A_661 = arith.addi %parallel_loop3A_660, %parallel_loop3A_657 : vector<16xi32>
        %parallel_loop3A_662 = tpu.vector_load_idx %arg10[%parallel_loop3A_661] : memref<16384xf32, #tpu.memory_space<vmem>>[vector<16xi32>], vector<16xf32>,
        %parallel_loop3A_663 = arith.constant 12 : i32
        %parallel_loop3A_664 = arith.index_cast %parallel_loop3A_663 : i32 to index
        %parallel_loop3A_665 = arith.index_cast %parallel_loop3A_452 : i32 to index
        %parallel_loop3A_666 = tpu.vector_load %arg12[%parallel_loop3A_664, %parallel_loop3A_665] {strides = array<i32>} : memref<32x512xf32, #tpu.memory_space<vmem>>, vector<16xf32>,
        tpu.vector_store %arg12[%parallel_loop3A_664, %parallel_loop3A_665], %parallel_loop3A_662 {strides = array<i32>} : memref<32x512xf32, #tpu.memory_space<vmem>>, vector<16xf32>,
        %parallel_loop3A_667 = arith.constant 13 : i32
        %parallel_loop3A_668 = arith.addi %parallel_loop3A_667, %parallel_loop3A_452 : i32
        %parallel_loop3A_669 = vector.broadcast %parallel_loop3A_668 : i32 to vector<16xi32>
        %parallel_loop3A_670 = arith.addi %parallel_loop3A_669, %parallel_loop3A_453 : vector<16xi32>
        %parallel_loop3A_671 = arith.constant 15 : i32
        %parallel_loop3A_672 = vector.broadcast %parallel_loop3A_671 : i32 to vector<16xi32>
        %parallel_loop3A_673 = arith.andi %parallel_loop3A_670, %parallel_loop3A_672 : vector<16xi32>
        %parallel_loop3A_674 = arith.constant 0 : i32
        %parallel_loop3A_675 = vector.broadcast %parallel_loop3A_674 : i32 to vector<16xi32>
        %parallel_loop3A_676 = arith.addi %parallel_loop3A_458, %parallel_loop3A_675 : vector<16xi32>
        %parallel_loop3A_677 = arith.addi %parallel_loop3A_676, %parallel_loop3A_673 : vector<16xi32>
        %parallel_loop3A_678 = tpu.vector_load_idx %arg10[%parallel_loop3A_677] : memref<16384xf32, #tpu.memory_space<vmem>>[vector<16xi32>], vector<16xf32>,
        %parallel_loop3A_679 = arith.constant 13 : i32
        %parallel_loop3A_680 = arith.index_cast %parallel_loop3A_679 : i32 to index
        %parallel_loop3A_681 = arith.index_cast %parallel_loop3A_452 : i32 to index
        %parallel_loop3A_682 = tpu.vector_load %arg12[%parallel_loop3A_680, %parallel_loop3A_681] {strides = array<i32>} : memref<32x512xf32, #tpu.memory_space<vmem>>, vector<16xf32>,
        tpu.vector_store %arg12[%parallel_loop3A_680, %parallel_loop3A_681], %parallel_loop3A_678 {strides = array<i32>} : memref<32x512xf32, #tpu.memory_space<vmem>>, vector<16xf32>,
        %parallel_loop3A_683 = arith.constant 14 : i32
        %parallel_loop3A_684 = arith.addi %parallel_loop3A_683, %parallel_loop3A_452 : i32
        %parallel_loop3A_685 = vector.broadcast %parallel_loop3A_684 : i32 to vector<16xi32>
        %parallel_loop3A_686 = arith.addi %parallel_loop3A_685, %parallel_loop3A_453 : vector<16xi32>
        %parallel_loop3A_687 = arith.constant 15 : i32
        %parallel_loop3A_688 = vector.broadcast %parallel_loop3A_687 : i32 to vector<16xi32>
        %parallel_loop3A_689 = arith.andi %parallel_loop3A_686, %parallel_loop3A_688 : vector<16xi32>
        %parallel_loop3A_690 = arith.constant 0 : i32
        %parallel_loop3A_691 = vector.broadcast %parallel_loop3A_690 : i32 to vector<16xi32>
        %parallel_loop3A_692 = arith.addi %parallel_loop3A_458, %parallel_loop3A_691 : vector<16xi32>
        %parallel_loop3A_693 = arith.addi %parallel_loop3A_692, %parallel_loop3A_689 : vector<16xi32>
        %parallel_loop3A_694 = tpu.vector_load_idx %arg10[%parallel_loop3A_693] : memref<16384xf32, #tpu.memory_space<vmem>>[vector<16xi32>], vector<16xf32>,
        %parallel_loop3A_695 = arith.constant 14 : i32
        %parallel_loop3A_696 = arith.index_cast %parallel_loop3A_695 : i32 to index
        %parallel_loop3A_697 = arith.index_cast %parallel_loop3A_452 : i32 to index
        %parallel_loop3A_698 = tpu.vector_load %arg12[%parallel_loop3A_696, %parallel_loop3A_697] {strides = array<i32>} : memref<32x512xf32, #tpu.memory_space<vmem>>, vector<16xf32>,
        tpu.vector_store %arg12[%parallel_loop3A_696, %parallel_loop3A_697], %parallel_loop3A_694 {strides = array<i32>} : memref<32x512xf32, #tpu.memory_space<vmem>>, vector<16xf32>,
        %parallel_loop3A_699 = arith.constant 15 : i32
        %parallel_loop3A_700 = arith.addi %parallel_loop3A_699, %parallel_loop3A_452 : i32
        %parallel_loop3A_701 = vector.broadcast %parallel_loop3A_700 : i32 to vector<16xi32>
        %parallel_loop3A_702 = arith.addi %parallel_loop3A_701, %parallel_loop3A_453 : vector<16xi32>
        %parallel_loop3A_703 = arith.constant 15 : i32
        %parallel_loop3A_704 = vector.broadcast %parallel_loop3A_703 : i32 to vector<16xi32>
        %parallel_loop3A_705 = arith.andi %parallel_loop3A_702, %parallel_loop3A_704 : vector<16xi32>
        %parallel_loop3A_706 = arith.constant 0 : i32
        %parallel_loop3A_707 = vector.broadcast %parallel_loop3A_706 : i32 to vector<16xi32>
        %parallel_loop3A_708 = arith.addi %parallel_loop3A_458, %parallel_loop3A_707 : vector<16xi32>
        %parallel_loop3A_709 = arith.addi %parallel_loop3A_708, %parallel_loop3A_705 : vector<16xi32>
        %parallel_loop3A_710 = tpu.vector_load_idx %arg10[%parallel_loop3A_709] : memref<16384xf32, #tpu.memory_space<vmem>>[vector<16xi32>], vector<16xf32>,
        %parallel_loop3A_711 = arith.constant 15 : i32
        %parallel_loop3A_712 = arith.index_cast %parallel_loop3A_711 : i32 to index
        %parallel_loop3A_713 = arith.index_cast %parallel_loop3A_452 : i32 to index
        %parallel_loop3A_714 = tpu.vector_load %arg12[%parallel_loop3A_712, %parallel_loop3A_713] {strides = array<i32>} : memref<32x512xf32, #tpu.memory_space<vmem>>, vector<16xf32>,
        tpu.vector_store %arg12[%parallel_loop3A_712, %parallel_loop3A_713], %parallel_loop3A_710 {strides = array<i32>} : memref<32x512xf32, #tpu.memory_space<vmem>>, vector<16xf32>,
        %parallel_loop3A_715 = arith.constant 16 : i32
        %parallel_loop3A_716 = arith.addi %parallel_loop3A_715, %parallel_loop3A_452 : i32
        %parallel_loop3A_717 = vector.broadcast %parallel_loop3A_716 : i32 to vector<16xi32>
        %parallel_loop3A_718 = arith.addi %parallel_loop3A_717, %parallel_loop3A_453 : vector<16xi32>
        %parallel_loop3A_719 = arith.constant 15 : i32
        %parallel_loop3A_720 = vector.broadcast %parallel_loop3A_719 : i32 to vector<16xi32>
        %parallel_loop3A_721 = arith.andi %parallel_loop3A_718, %parallel_loop3A_720 : vector<16xi32>
        %parallel_loop3A_722 = arith.constant 16 : i32
        %parallel_loop3A_723 = vector.broadcast %parallel_loop3A_722 : i32 to vector<16xi32>
        %parallel_loop3A_724 = arith.addi %parallel_loop3A_458, %parallel_loop3A_723 : vector<16xi32>
        %parallel_loop3A_725 = arith.addi %parallel_loop3A_724, %parallel_loop3A_721 : vector<16xi32>
        %parallel_loop3A_726 = tpu.vector_load_idx %arg10[%parallel_loop3A_725] : memref<16384xf32, #tpu.memory_space<vmem>>[vector<16xi32>], vector<16xf32>,
        %parallel_loop3A_727 = arith.constant 16 : i32
        %parallel_loop3A_728 = arith.index_cast %parallel_loop3A_727 : i32 to index
        %parallel_loop3A_729 = arith.index_cast %parallel_loop3A_452 : i32 to index
        %parallel_loop3A_730 = tpu.vector_load %arg12[%parallel_loop3A_728, %parallel_loop3A_729] {strides = array<i32>} : memref<32x512xf32, #tpu.memory_space<vmem>>, vector<16xf32>,
        tpu.vector_store %arg12[%parallel_loop3A_728, %parallel_loop3A_729], %parallel_loop3A_726 {strides = array<i32>} : memref<32x512xf32, #tpu.memory_space<vmem>>, vector<16xf32>,
        %parallel_loop3A_731 = arith.constant 17 : i32
        %parallel_loop3A_732 = arith.addi %parallel_loop3A_731, %parallel_loop3A_452 : i32
        %parallel_loop3A_733 = vector.broadcast %parallel_loop3A_732 : i32 to vector<16xi32>
        %parallel_loop3A_734 = arith.addi %parallel_loop3A_733, %parallel_loop3A_453 : vector<16xi32>
        %parallel_loop3A_735 = arith.constant 15 : i32
        %parallel_loop3A_736 = vector.broadcast %parallel_loop3A_735 : i32 to vector<16xi32>
        %parallel_loop3A_737 = arith.andi %parallel_loop3A_734, %parallel_loop3A_736 : vector<16xi32>
        %parallel_loop3A_738 = arith.constant 16 : i32
        %parallel_loop3A_739 = vector.broadcast %parallel_loop3A_738 : i32 to vector<16xi32>
        %parallel_loop3A_740 = arith.addi %parallel_loop3A_458, %parallel_loop3A_739 : vector<16xi32>
        %parallel_loop3A_741 = arith.addi %parallel_loop3A_740, %parallel_loop3A_737 : vector<16xi32>
        %parallel_loop3A_742 = tpu.vector_load_idx %arg10[%parallel_loop3A_741] : memref<16384xf32, #tpu.memory_space<vmem>>[vector<16xi32>], vector<16xf32>,
        %parallel_loop3A_743 = arith.constant 17 : i32
        %parallel_loop3A_744 = arith.index_cast %parallel_loop3A_743 : i32 to index
        %parallel_loop3A_745 = arith.index_cast %parallel_loop3A_452 : i32 to index
        %parallel_loop3A_746 = tpu.vector_load %arg12[%parallel_loop3A_744, %parallel_loop3A_745] {strides = array<i32>} : memref<32x512xf32, #tpu.memory_space<vmem>>, vector<16xf32>,
        tpu.vector_store %arg12[%parallel_loop3A_744, %parallel_loop3A_745], %parallel_loop3A_742 {strides = array<i32>} : memref<32x512xf32, #tpu.memory_space<vmem>>, vector<16xf32>,
        %parallel_loop3A_747 = arith.constant 18 : i32
        %parallel_loop3A_748 = arith.addi %parallel_loop3A_747, %parallel_loop3A_452 : i32
        %parallel_loop3A_749 = vector.broadcast %parallel_loop3A_748 : i32 to vector<16xi32>
        %parallel_loop3A_750 = arith.addi %parallel_loop3A_749, %parallel_loop3A_453 : vector<16xi32>
        %parallel_loop3A_751 = arith.constant 15 : i32
        %parallel_loop3A_752 = vector.broadcast %parallel_loop3A_751 : i32 to vector<16xi32>
        %parallel_loop3A_753 = arith.andi %parallel_loop3A_750, %parallel_loop3A_752 : vector<16xi32>
        %parallel_loop3A_754 = arith.constant 16 : i32
        %parallel_loop3A_755 = vector.broadcast %parallel_loop3A_754 : i32 to vector<16xi32>
        %parallel_loop3A_756 = arith.addi %parallel_loop3A_458, %parallel_loop3A_755 : vector<16xi32>
        %parallel_loop3A_757 = arith.addi %parallel_loop3A_756, %parallel_loop3A_753 : vector<16xi32>
        %parallel_loop3A_758 = tpu.vector_load_idx %arg10[%parallel_loop3A_757] : memref<16384xf32, #tpu.memory_space<vmem>>[vector<16xi32>], vector<16xf32>,
        %parallel_loop3A_759 = arith.constant 18 : i32
        %parallel_loop3A_760 = arith.index_cast %parallel_loop3A_759 : i32 to index
        %parallel_loop3A_761 = arith.index_cast %parallel_loop3A_452 : i32 to index
        %parallel_loop3A_762 = tpu.vector_load %arg12[%parallel_loop3A_760, %parallel_loop3A_761] {strides = array<i32>} : memref<32x512xf32, #tpu.memory_space<vmem>>, vector<16xf32>,
        tpu.vector_store %arg12[%parallel_loop3A_760, %parallel_loop3A_761], %parallel_loop3A_758 {strides = array<i32>} : memref<32x512xf32, #tpu.memory_space<vmem>>, vector<16xf32>,
        %parallel_loop3A_763 = arith.constant 19 : i32
        %parallel_loop3A_764 = arith.addi %parallel_loop3A_763, %parallel_loop3A_452 : i32
        %parallel_loop3A_765 = vector.broadcast %parallel_loop3A_764 : i32 to vector<16xi32>
        %parallel_loop3A_766 = arith.addi %parallel_loop3A_765, %parallel_loop3A_453 : vector<16xi32>
        %parallel_loop3A_767 = arith.constant 15 : i32
        %parallel_loop3A_768 = vector.broadcast %parallel_loop3A_767 : i32 to vector<16xi32>
        %parallel_loop3A_769 = arith.andi %parallel_loop3A_766, %parallel_loop3A_768 : vector<16xi32>
        %parallel_loop3A_770 = arith.constant 16 : i32
        %parallel_loop3A_771 = vector.broadcast %parallel_loop3A_770 : i32 to vector<16xi32>
        %parallel_loop3A_772 = arith.addi %parallel_loop3A_458, %parallel_loop3A_771 : vector<16xi32>
        %parallel_loop3A_773 = arith.addi %parallel_loop3A_772, %parallel_loop3A_769 : vector<16xi32>
        %parallel_loop3A_774 = tpu.vector_load_idx %arg10[%parallel_loop3A_773] : memref<16384xf32, #tpu.memory_space<vmem>>[vector<16xi32>], vector<16xf32>,
        %parallel_loop3A_775 = arith.constant 19 : i32
        %parallel_loop3A_776 = arith.index_cast %parallel_loop3A_775 : i32 to index
        %parallel_loop3A_777 = arith.index_cast %parallel_loop3A_452 : i32 to index
        %parallel_loop3A_778 = tpu.vector_load %arg12[%parallel_loop3A_776, %parallel_loop3A_777] {strides = array<i32>} : memref<32x512xf32, #tpu.memory_space<vmem>>, vector<16xf32>,
        tpu.vector_store %arg12[%parallel_loop3A_776, %parallel_loop3A_777], %parallel_loop3A_774 {strides = array<i32>} : memref<32x512xf32, #tpu.memory_space<vmem>>, vector<16xf32>,
        %parallel_loop3A_779 = arith.constant 20 : i32
        %parallel_loop3A_780 = arith.addi %parallel_loop3A_779, %parallel_loop3A_452 : i32
        %parallel_loop3A_781 = vector.broadcast %parallel_loop3A_780 : i32 to vector<16xi32>
        %parallel_loop3A_782 = arith.addi %parallel_loop3A_781, %parallel_loop3A_453 : vector<16xi32>
        %parallel_loop3A_783 = arith.constant 15 : i32
        %parallel_loop3A_784 = vector.broadcast %parallel_loop3A_783 : i32 to vector<16xi32>
        %parallel_loop3A_785 = arith.andi %parallel_loop3A_782, %parallel_loop3A_784 : vector<16xi32>
        %parallel_loop3A_786 = arith.constant 16 : i32
        %parallel_loop3A_787 = vector.broadcast %parallel_loop3A_786 : i32 to vector<16xi32>
        %parallel_loop3A_788 = arith.addi %parallel_loop3A_458, %parallel_loop3A_787 : vector<16xi32>
        %parallel_loop3A_789 = arith.addi %parallel_loop3A_788, %parallel_loop3A_785 : vector<16xi32>
        %parallel_loop3A_790 = tpu.vector_load_idx %arg10[%parallel_loop3A_789] : memref<16384xf32, #tpu.memory_space<vmem>>[vector<16xi32>], vector<16xf32>,
        %parallel_loop3A_791 = arith.constant 20 : i32
        %parallel_loop3A_792 = arith.index_cast %parallel_loop3A_791 : i32 to index
        %parallel_loop3A_793 = arith.index_cast %parallel_loop3A_452 : i32 to index
        %parallel_loop3A_794 = tpu.vector_load %arg12[%parallel_loop3A_792, %parallel_loop3A_793] {strides = array<i32>} : memref<32x512xf32, #tpu.memory_space<vmem>>, vector<16xf32>,
        tpu.vector_store %arg12[%parallel_loop3A_792, %parallel_loop3A_793], %parallel_loop3A_790 {strides = array<i32>} : memref<32x512xf32, #tpu.memory_space<vmem>>, vector<16xf32>,
        %parallel_loop3A_795 = arith.constant 21 : i32
        %parallel_loop3A_796 = arith.addi %parallel_loop3A_795, %parallel_loop3A_452 : i32
        %parallel_loop3A_797 = vector.broadcast %parallel_loop3A_796 : i32 to vector<16xi32>
        %parallel_loop3A_798 = arith.addi %parallel_loop3A_797, %parallel_loop3A_453 : vector<16xi32>
        %parallel_loop3A_799 = arith.constant 15 : i32
        %parallel_loop3A_800 = vector.broadcast %parallel_loop3A_799 : i32 to vector<16xi32>
        %parallel_loop3A_801 = arith.andi %parallel_loop3A_798, %parallel_loop3A_800 : vector<16xi32>
        %parallel_loop3A_802 = arith.constant 16 : i32
        %parallel_loop3A_803 = vector.broadcast %parallel_loop3A_802 : i32 to vector<16xi32>
        %parallel_loop3A_804 = arith.addi %parallel_loop3A_458, %parallel_loop3A_803 : vector<16xi32>
        %parallel_loop3A_805 = arith.addi %parallel_loop3A_804, %parallel_loop3A_801 : vector<16xi32>
        %parallel_loop3A_806 = tpu.vector_load_idx %arg10[%parallel_loop3A_805] : memref<16384xf32, #tpu.memory_space<vmem>>[vector<16xi32>], vector<16xf32>,
        %parallel_loop3A_807 = arith.constant 21 : i32
        %parallel_loop3A_808 = arith.index_cast %parallel_loop3A_807 : i32 to index
        %parallel_loop3A_809 = arith.index_cast %parallel_loop3A_452 : i32 to index
        %parallel_loop3A_810 = tpu.vector_load %arg12[%parallel_loop3A_808, %parallel_loop3A_809] {strides = array<i32>} : memref<32x512xf32, #tpu.memory_space<vmem>>, vector<16xf32>,
        tpu.vector_store %arg12[%parallel_loop3A_808, %parallel_loop3A_809], %parallel_loop3A_806 {strides = array<i32>} : memref<32x512xf32, #tpu.memory_space<vmem>>, vector<16xf32>,
        %parallel_loop3A_811 = arith.constant 22 : i32
        %parallel_loop3A_812 = arith.addi %parallel_loop3A_811, %parallel_loop3A_452 : i32
        %parallel_loop3A_813 = vector.broadcast %parallel_loop3A_812 : i32 to vector<16xi32>
        %parallel_loop3A_814 = arith.addi %parallel_loop3A_813, %parallel_loop3A_453 : vector<16xi32>
        %parallel_loop3A_815 = arith.constant 15 : i32
        %parallel_loop3A_816 = vector.broadcast %parallel_loop3A_815 : i32 to vector<16xi32>
        %parallel_loop3A_817 = arith.andi %parallel_loop3A_814, %parallel_loop3A_816 : vector<16xi32>
        %parallel_loop3A_818 = arith.constant 16 : i32
        %parallel_loop3A_819 = vector.broadcast %parallel_loop3A_818 : i32 to vector<16xi32>
        %parallel_loop3A_820 = arith.addi %parallel_loop3A_458, %parallel_loop3A_819 : vector<16xi32>
        %parallel_loop3A_821 = arith.addi %parallel_loop3A_820, %parallel_loop3A_817 : vector<16xi32>
        %parallel_loop3A_822 = tpu.vector_load_idx %arg10[%parallel_loop3A_821] : memref<16384xf32, #tpu.memory_space<vmem>>[vector<16xi32>], vector<16xf32>,
        %parallel_loop3A_823 = arith.constant 22 : i32
        %parallel_loop3A_824 = arith.index_cast %parallel_loop3A_823 : i32 to index
        %parallel_loop3A_825 = arith.index_cast %parallel_loop3A_452 : i32 to index
        %parallel_loop3A_826 = tpu.vector_load %arg12[%parallel_loop3A_824, %parallel_loop3A_825] {strides = array<i32>} : memref<32x512xf32, #tpu.memory_space<vmem>>, vector<16xf32>,
        tpu.vector_store %arg12[%parallel_loop3A_824, %parallel_loop3A_825], %parallel_loop3A_822 {strides = array<i32>} : memref<32x512xf32, #tpu.memory_space<vmem>>, vector<16xf32>,
        %parallel_loop3A_827 = arith.constant 23 : i32
        %parallel_loop3A_828 = arith.addi %parallel_loop3A_827, %parallel_loop3A_452 : i32
        %parallel_loop3A_829 = vector.broadcast %parallel_loop3A_828 : i32 to vector<16xi32>
        %parallel_loop3A_830 = arith.addi %parallel_loop3A_829, %parallel_loop3A_453 : vector<16xi32>
        %parallel_loop3A_831 = arith.constant 15 : i32
        %parallel_loop3A_832 = vector.broadcast %parallel_loop3A_831 : i32 to vector<16xi32>
        %parallel_loop3A_833 = arith.andi %parallel_loop3A_830, %parallel_loop3A_832 : vector<16xi32>
        %parallel_loop3A_834 = arith.constant 16 : i32
        %parallel_loop3A_835 = vector.broadcast %parallel_loop3A_834 : i32 to vector<16xi32>
        %parallel_loop3A_836 = arith.addi %parallel_loop3A_458, %parallel_loop3A_835 : vector<16xi32>
        %parallel_loop3A_837 = arith.addi %parallel_loop3A_836, %parallel_loop3A_833 : vector<16xi32>
        %parallel_loop3A_838 = tpu.vector_load_idx %arg10[%parallel_loop3A_837] : memref<16384xf32, #tpu.memory_space<vmem>>[vector<16xi32>], vector<16xf32>,
        %parallel_loop3A_839 = arith.constant 23 : i32
        %parallel_loop3A_840 = arith.index_cast %parallel_loop3A_839 : i32 to index
        %parallel_loop3A_841 = arith.index_cast %parallel_loop3A_452 : i32 to index
        %parallel_loop3A_842 = tpu.vector_load %arg12[%parallel_loop3A_840, %parallel_loop3A_841] {strides = array<i32>} : memref<32x512xf32, #tpu.memory_space<vmem>>, vector<16xf32>,
        tpu.vector_store %arg12[%parallel_loop3A_840, %parallel_loop3A_841], %parallel_loop3A_838 {strides = array<i32>} : memref<32x512xf32, #tpu.memory_space<vmem>>, vector<16xf32>,
        %parallel_loop3A_843 = arith.constant 24 : i32
        %parallel_loop3A_844 = arith.addi %parallel_loop3A_843, %parallel_loop3A_452 : i32
        %parallel_loop3A_845 = vector.broadcast %parallel_loop3A_844 : i32 to vector<16xi32>
        %parallel_loop3A_846 = arith.addi %parallel_loop3A_845, %parallel_loop3A_453 : vector<16xi32>
        %parallel_loop3A_847 = arith.constant 15 : i32
        %parallel_loop3A_848 = vector.broadcast %parallel_loop3A_847 : i32 to vector<16xi32>
        %parallel_loop3A_849 = arith.andi %parallel_loop3A_846, %parallel_loop3A_848 : vector<16xi32>
        %parallel_loop3A_850 = arith.constant 16 : i32
        %parallel_loop3A_851 = vector.broadcast %parallel_loop3A_850 : i32 to vector<16xi32>
        %parallel_loop3A_852 = arith.addi %parallel_loop3A_458, %parallel_loop3A_851 : vector<16xi32>
        %parallel_loop3A_853 = arith.addi %parallel_loop3A_852, %parallel_loop3A_849 : vector<16xi32>
        %parallel_loop3A_854 = tpu.vector_load_idx %arg10[%parallel_loop3A_853] : memref<16384xf32, #tpu.memory_space<vmem>>[vector<16xi32>], vector<16xf32>,
        %parallel_loop3A_855 = arith.constant 24 : i32
        %parallel_loop3A_856 = arith.index_cast %parallel_loop3A_855 : i32 to index
        %parallel_loop3A_857 = arith.index_cast %parallel_loop3A_452 : i32 to index
        %parallel_loop3A_858 = tpu.vector_load %arg12[%parallel_loop3A_856, %parallel_loop3A_857] {strides = array<i32>} : memref<32x512xf32, #tpu.memory_space<vmem>>, vector<16xf32>,
        tpu.vector_store %arg12[%parallel_loop3A_856, %parallel_loop3A_857], %parallel_loop3A_854 {strides = array<i32>} : memref<32x512xf32, #tpu.memory_space<vmem>>, vector<16xf32>,
        %parallel_loop3A_859 = arith.constant 25 : i32
        %parallel_loop3A_860 = arith.addi %parallel_loop3A_859, %parallel_loop3A_452 : i32
        %parallel_loop3A_861 = vector.broadcast %parallel_loop3A_860 : i32 to vector<16xi32>
        %parallel_loop3A_862 = arith.addi %parallel_loop3A_861, %parallel_loop3A_453 : vector<16xi32>
        %parallel_loop3A_863 = arith.constant 15 : i32
        %parallel_loop3A_864 = vector.broadcast %parallel_loop3A_863 : i32 to vector<16xi32>
        %parallel_loop3A_865 = arith.andi %parallel_loop3A_862, %parallel_loop3A_864 : vector<16xi32>
        %parallel_loop3A_866 = arith.constant 16 : i32
        %parallel_loop3A_867 = vector.broadcast %parallel_loop3A_866 : i32 to vector<16xi32>
        %parallel_loop3A_868 = arith.addi %parallel_loop3A_458, %parallel_loop3A_867 : vector<16xi32>
        %parallel_loop3A_869 = arith.addi %parallel_loop3A_868, %parallel_loop3A_865 : vector<16xi32>
        %parallel_loop3A_870 = tpu.vector_load_idx %arg10[%parallel_loop3A_869] : memref<16384xf32, #tpu.memory_space<vmem>>[vector<16xi32>], vector<16xf32>,
        %parallel_loop3A_871 = arith.constant 25 : i32
        %parallel_loop3A_872 = arith.index_cast %parallel_loop3A_871 : i32 to index
        %parallel_loop3A_873 = arith.index_cast %parallel_loop3A_452 : i32 to index
        %parallel_loop3A_874 = tpu.vector_load %arg12[%parallel_loop3A_872, %parallel_loop3A_873] {strides = array<i32>} : memref<32x512xf32, #tpu.memory_space<vmem>>, vector<16xf32>,
        tpu.vector_store %arg12[%parallel_loop3A_872, %parallel_loop3A_873], %parallel_loop3A_870 {strides = array<i32>} : memref<32x512xf32, #tpu.memory_space<vmem>>, vector<16xf32>,
        %parallel_loop3A_875 = arith.constant 26 : i32
        %parallel_loop3A_876 = arith.addi %parallel_loop3A_875, %parallel_loop3A_452 : i32
        %parallel_loop3A_877 = vector.broadcast %parallel_loop3A_876 : i32 to vector<16xi32>
        %parallel_loop3A_878 = arith.addi %parallel_loop3A_877, %parallel_loop3A_453 : vector<16xi32>
        %parallel_loop3A_879 = arith.constant 15 : i32
        %parallel_loop3A_880 = vector.broadcast %parallel_loop3A_879 : i32 to vector<16xi32>
        %parallel_loop3A_881 = arith.andi %parallel_loop3A_878, %parallel_loop3A_880 : vector<16xi32>
        %parallel_loop3A_882 = arith.constant 16 : i32
        %parallel_loop3A_883 = vector.broadcast %parallel_loop3A_882 : i32 to vector<16xi32>
        %parallel_loop3A_884 = arith.addi %parallel_loop3A_458, %parallel_loop3A_883 : vector<16xi32>
        %parallel_loop3A_885 = arith.addi %parallel_loop3A_884, %parallel_loop3A_881 : vector<16xi32>
        %parallel_loop3A_886 = tpu.vector_load_idx %arg10[%parallel_loop3A_885] : memref<16384xf32, #tpu.memory_space<vmem>>[vector<16xi32>], vector<16xf32>,
        %parallel_loop3A_887 = arith.constant 26 : i32
        %parallel_loop3A_888 = arith.index_cast %parallel_loop3A_887 : i32 to index
        %parallel_loop3A_889 = arith.index_cast %parallel_loop3A_452 : i32 to index
        %parallel_loop3A_890 = tpu.vector_load %arg12[%parallel_loop3A_888, %parallel_loop3A_889] {strides = array<i32>} : memref<32x512xf32, #tpu.memory_space<vmem>>, vector<16xf32>,
        tpu.vector_store %arg12[%parallel_loop3A_888, %parallel_loop3A_889], %parallel_loop3A_886 {strides = array<i32>} : memref<32x512xf32, #tpu.memory_space<vmem>>, vector<16xf32>,
        %parallel_loop3A_891 = arith.constant 27 : i32
        %parallel_loop3A_892 = arith.addi %parallel_loop3A_891, %parallel_loop3A_452 : i32
        %parallel_loop3A_893 = vector.broadcast %parallel_loop3A_892 : i32 to vector<16xi32>
        %parallel_loop3A_894 = arith.addi %parallel_loop3A_893, %parallel_loop3A_453 : vector<16xi32>
        %parallel_loop3A_895 = arith.constant 15 : i32
        %parallel_loop3A_896 = vector.broadcast %parallel_loop3A_895 : i32 to vector<16xi32>
        %parallel_loop3A_897 = arith.andi %parallel_loop3A_894, %parallel_loop3A_896 : vector<16xi32>
        %parallel_loop3A_898 = arith.constant 16 : i32
        %parallel_loop3A_899 = vector.broadcast %parallel_loop3A_898 : i32 to vector<16xi32>
        %parallel_loop3A_900 = arith.addi %parallel_loop3A_458, %parallel_loop3A_899 : vector<16xi32>
        %parallel_loop3A_901 = arith.addi %parallel_loop3A_900, %parallel_loop3A_897 : vector<16xi32>
        %parallel_loop3A_902 = tpu.vector_load_idx %arg10[%parallel_loop3A_901] : memref<16384xf32, #tpu.memory_space<vmem>>[vector<16xi32>], vector<16xf32>,
        %parallel_loop3A_903 = arith.constant 27 : i32
        %parallel_loop3A_904 = arith.index_cast %parallel_loop3A_903 : i32 to index
        %parallel_loop3A_905 = arith.index_cast %parallel_loop3A_452 : i32 to index
        %parallel_loop3A_906 = tpu.vector_load %arg12[%parallel_loop3A_904, %parallel_loop3A_905] {strides = array<i32>} : memref<32x512xf32, #tpu.memory_space<vmem>>, vector<16xf32>,
        tpu.vector_store %arg12[%parallel_loop3A_904, %parallel_loop3A_905], %parallel_loop3A_902 {strides = array<i32>} : memref<32x512xf32, #tpu.memory_space<vmem>>, vector<16xf32>,
        %parallel_loop3A_907 = arith.constant 28 : i32
        %parallel_loop3A_908 = arith.addi %parallel_loop3A_907, %parallel_loop3A_452 : i32
        %parallel_loop3A_909 = vector.broadcast %parallel_loop3A_908 : i32 to vector<16xi32>
        %parallel_loop3A_910 = arith.addi %parallel_loop3A_909, %parallel_loop3A_453 : vector<16xi32>
        %parallel_loop3A_911 = arith.constant 15 : i32
        %parallel_loop3A_912 = vector.broadcast %parallel_loop3A_911 : i32 to vector<16xi32>
        %parallel_loop3A_913 = arith.andi %parallel_loop3A_910, %parallel_loop3A_912 : vector<16xi32>
        %parallel_loop3A_914 = arith.constant 16 : i32
        %parallel_loop3A_915 = vector.broadcast %parallel_loop3A_914 : i32 to vector<16xi32>
        %parallel_loop3A_916 = arith.addi %parallel_loop3A_458, %parallel_loop3A_915 : vector<16xi32>
        %parallel_loop3A_917 = arith.addi %parallel_loop3A_916, %parallel_loop3A_913 : vector<16xi32>
        %parallel_loop3A_918 = tpu.vector_load_idx %arg10[%parallel_loop3A_917] : memref<16384xf32, #tpu.memory_space<vmem>>[vector<16xi32>], vector<16xf32>,
        %parallel_loop3A_919 = arith.constant 28 : i32
        %parallel_loop3A_920 = arith.index_cast %parallel_loop3A_919 : i32 to index
        %parallel_loop3A_921 = arith.index_cast %parallel_loop3A_452 : i32 to index
        %parallel_loop3A_922 = tpu.vector_load %arg12[%parallel_loop3A_920, %parallel_loop3A_921] {strides = array<i32>} : memref<32x512xf32, #tpu.memory_space<vmem>>, vector<16xf32>,
        tpu.vector_store %arg12[%parallel_loop3A_920, %parallel_loop3A_921], %parallel_loop3A_918 {strides = array<i32>} : memref<32x512xf32, #tpu.memory_space<vmem>>, vector<16xf32>,
        %parallel_loop3A_923 = arith.constant 29 : i32
        %parallel_loop3A_924 = arith.addi %parallel_loop3A_923, %parallel_loop3A_452 : i32
        %parallel_loop3A_925 = vector.broadcast %parallel_loop3A_924 : i32 to vector<16xi32>
        %parallel_loop3A_926 = arith.addi %parallel_loop3A_925, %parallel_loop3A_453 : vector<16xi32>
        %parallel_loop3A_927 = arith.constant 15 : i32
        %parallel_loop3A_928 = vector.broadcast %parallel_loop3A_927 : i32 to vector<16xi32>
        %parallel_loop3A_929 = arith.andi %parallel_loop3A_926, %parallel_loop3A_928 : vector<16xi32>
        %parallel_loop3A_930 = arith.constant 16 : i32
        %parallel_loop3A_931 = vector.broadcast %parallel_loop3A_930 : i32 to vector<16xi32>
        %parallel_loop3A_932 = arith.addi %parallel_loop3A_458, %parallel_loop3A_931 : vector<16xi32>
        %parallel_loop3A_933 = arith.addi %parallel_loop3A_932, %parallel_loop3A_929 : vector<16xi32>
        %parallel_loop3A_934 = tpu.vector_load_idx %arg10[%parallel_loop3A_933] : memref<16384xf32, #tpu.memory_space<vmem>>[vector<16xi32>], vector<16xf32>,
        %parallel_loop3A_935 = arith.constant 29 : i32
        %parallel_loop3A_936 = arith.index_cast %parallel_loop3A_935 : i32 to index
        %parallel_loop3A_937 = arith.index_cast %parallel_loop3A_452 : i32 to index
        %parallel_loop3A_938 = tpu.vector_load %arg12[%parallel_loop3A_936, %parallel_loop3A_937] {strides = array<i32>} : memref<32x512xf32, #tpu.memory_space<vmem>>, vector<16xf32>,
        tpu.vector_store %arg12[%parallel_loop3A_936, %parallel_loop3A_937], %parallel_loop3A_934 {strides = array<i32>} : memref<32x512xf32, #tpu.memory_space<vmem>>, vector<16xf32>,
        %parallel_loop3A_939 = arith.constant 30 : i32
        %parallel_loop3A_940 = arith.addi %parallel_loop3A_939, %parallel_loop3A_452 : i32
        %parallel_loop3A_941 = vector.broadcast %parallel_loop3A_940 : i32 to vector<16xi32>
        %parallel_loop3A_942 = arith.addi %parallel_loop3A_941, %parallel_loop3A_453 : vector<16xi32>
        %parallel_loop3A_943 = arith.constant 15 : i32
        %parallel_loop3A_944 = vector.broadcast %parallel_loop3A_943 : i32 to vector<16xi32>
        %parallel_loop3A_945 = arith.andi %parallel_loop3A_942, %parallel_loop3A_944 : vector<16xi32>
        %parallel_loop3A_946 = arith.constant 16 : i32
        %parallel_loop3A_947 = vector.broadcast %parallel_loop3A_946 : i32 to vector<16xi32>
        %parallel_loop3A_948 = arith.addi %parallel_loop3A_458, %parallel_loop3A_947 : vector<16xi32>
        %parallel_loop3A_949 = arith.addi %parallel_loop3A_948, %parallel_loop3A_945 : vector<16xi32>
        %parallel_loop3A_950 = tpu.vector_load_idx %arg10[%parallel_loop3A_949] : memref<16384xf32, #tpu.memory_space<vmem>>[vector<16xi32>], vector<16xf32>,
        %parallel_loop3A_951 = arith.constant 30 : i32
        %parallel_loop3A_952 = arith.index_cast %parallel_loop3A_951 : i32 to index
        %parallel_loop3A_953 = arith.index_cast %parallel_loop3A_452 : i32 to index
        %parallel_loop3A_954 = tpu.vector_load %arg12[%parallel_loop3A_952, %parallel_loop3A_953] {strides = array<i32>} : memref<32x512xf32, #tpu.memory_space<vmem>>, vector<16xf32>,
        tpu.vector_store %arg12[%parallel_loop3A_952, %parallel_loop3A_953], %parallel_loop3A_950 {strides = array<i32>} : memref<32x512xf32, #tpu.memory_space<vmem>>, vector<16xf32>,
        %parallel_loop3A_955 = arith.constant 31 : i32
        %parallel_loop3A_956 = arith.addi %parallel_loop3A_955, %parallel_loop3A_452 : i32
        %parallel_loop3A_957 = vector.broadcast %parallel_loop3A_956 : i32 to vector<16xi32>
        %parallel_loop3A_958 = arith.addi %parallel_loop3A_957, %parallel_loop3A_453 : vector<16xi32>
        %parallel_loop3A_959 = arith.constant 15 : i32
        %parallel_loop3A_960 = vector.broadcast %parallel_loop3A_959 : i32 to vector<16xi32>
        %parallel_loop3A_961 = arith.andi %parallel_loop3A_958, %parallel_loop3A_960 : vector<16xi32>
        %parallel_loop3A_962 = arith.constant 16 : i32
        %parallel_loop3A_963 = vector.broadcast %parallel_loop3A_962 : i32 to vector<16xi32>
        %parallel_loop3A_964 = arith.addi %parallel_loop3A_458, %parallel_loop3A_963 : vector<16xi32>
        %parallel_loop3A_965 = arith.addi %parallel_loop3A_964, %parallel_loop3A_961 : vector<16xi32>
        %parallel_loop3A_966 = tpu.vector_load_idx %arg10[%parallel_loop3A_965] : memref<16384xf32, #tpu.memory_space<vmem>>[vector<16xi32>], vector<16xf32>,
        %parallel_loop3A_967 = arith.constant 31 : i32
        %parallel_loop3A_968 = arith.index_cast %parallel_loop3A_967 : i32 to index
        %parallel_loop3A_969 = arith.index_cast %parallel_loop3A_452 : i32 to index
        %parallel_loop3A_970 = tpu.vector_load %arg12[%parallel_loop3A_968, %parallel_loop3A_969] {strides = array<i32>} : memref<32x512xf32, #tpu.memory_space<vmem>>, vector<16xf32>,
        tpu.vector_store %arg12[%parallel_loop3A_968, %parallel_loop3A_969], %parallel_loop3A_966 {strides = array<i32>} : memref<32x512xf32, #tpu.memory_space<vmem>>, vector<16xf32>,
      } {sc.loop_unroll_factor = 1 : i64, sc.parallel_access}
      %add3A_395 = arith.constant 1 : i32
      %add3A_396 = arith.addi %scan3A_242, %add3A_395 : i32
      %lt3A_397 = arith.constant 25 : i32
      %lt3A_398 = arith.cmpi slt, %add3A_396, %lt3A_397 : i32
      %convert_element_type3A_399 = arith.extui %lt3A_398 : i1 to i32
      %cond3A_400 = arith.constant 0 : i32
      %cond3A_401 = arith.cmpi ne, %convert_element_type3A_399, %cond3A_400 : i32
      scf.if %cond3A_401 {
        %add3A_450 = arith.constant 2 : i32
        %add3A_451 = arith.addi %add3A_250, %add3A_450 : i32
        %jit3A_452 = arith.constant 8 : i32
        %div3A_453 = arith.divsi %add3A_451, %jit3A_452 : i32
        %sign3A_454 = arith.constant 0 : i32
        %sign3A_455 = arith.cmpi sgt, %add3A_451, %sign3A_454 : i32
        %sign3A_456 = arith.extui %sign3A_455 : i1 to i32
        %sign3A_457 = arith.constant 0 : i32
        %sign3A_458 = arith.cmpi slt, %add3A_451, %sign3A_457 : i32
        %sign3A_459 = arith.extui %sign3A_458 : i1 to i32
        %sign3A_460 = arith.subi %sign3A_456, %sign3A_459 : i32
        %sign3A_461 = arith.constant 0 : i32
        %sign3A_462 = arith.cmpi sgt, %jit3A_452, %sign3A_461 : i32
        %sign3A_463 = arith.extui %sign3A_462 : i1 to i32
        %sign3A_464 = arith.constant 0 : i32
        %sign3A_465 = arith.cmpi slt, %jit3A_452, %sign3A_464 : i32
        %sign3A_466 = arith.extui %sign3A_465 : i1 to i32
        %sign3A_467 = arith.subi %sign3A_463, %sign3A_466 : i32
        %ne3A_468 = arith.cmpi ne, %sign3A_460, %sign3A_467 : i32
        %rem3A_469 = arith.remsi %add3A_451, %jit3A_452 : i32
        %ne3A_470 = arith.constant 0 : i32
        %ne3A_471 = arith.cmpi ne, %rem3A_469, %ne3A_470 : i32
        %and3A_472 = arith.andi %ne3A_468, %ne3A_471 : i1
        %sub3A_473 = arith.constant 1 : i32
        %sub3A_474 = arith.subi %div3A_453, %sub3A_473 : i32
        %select_n3A_475 = arith.select %and3A_472, %sub3A_474, %div3A_453 : i32
        %jit3A_476 = arith.constant 8 : i32
        %eq3A_477 = arith.constant 0 : i32
        %eq3A_478 = arith.cmpi eq, %jit3A_476, %eq3A_477 : i32
        %jit3A_479 = arith.constant 1 : i32
        %select_n3A_480 = arith.select %eq3A_478, %jit3A_479, %jit3A_476 : i32
        %rem3A_481 = arith.remsi %add3A_451, %select_n3A_480 : i32
        %ne3A_482 = arith.constant 0 : i32
        %ne3A_483 = arith.cmpi ne, %rem3A_481, %ne3A_482 : i32
        %lt3A_484 = arith.constant 0 : i32
        %lt3A_485 = arith.cmpi slt, %rem3A_481, %lt3A_484 : i32
        %lt3A_486 = arith.constant 0 : i32
        %lt3A_487 = arith.cmpi slt, %select_n3A_480, %lt3A_486 : i32
        %ne3A_488 = arith.xori %lt3A_485, %lt3A_487 : i1
        %and3A_489 = arith.andi %ne3A_488, %ne3A_483 : i1
        %add3A_490 = arith.addi %rem3A_481, %select_n3A_480 : i32
        %select_n3A_491 = arith.select %and3A_489, %add3A_490, %rem3A_481 : i32
        %mul3A_492 = arith.constant 512 : i32
        %mul3A_493 = arith.muli %select_n3A_491, %mul3A_492 : i32
        "tpu.region"() ({
          %run_scoped3A = tpu.sem_alloc : memref<!tpu.dma_semaphore, #tpu.memory_space<semaphore_mem>>
          %dma_start3A_526 = tpu.memref_slice %arg2[%select_n3A_475, %mul3A_493] : memref<200x4096xi32, #tpu.memory_space<hbm>> -> memref<1x512xi32, #tpu.memory_space<hbm>>
          %dma_start3A_527 = tpu.memref_squeeze %dma_start3A_526 : memref<1x512xi32, #tpu.memory_space<hbm>> -> memref<512xi32, #tpu.memory_space<hbm>>
          %dma_start3A_528 = tpu.memref_slice %arg2[%select_n3A_475, %mul3A_493] : memref<200x4096xi32, #tpu.memory_space<hbm>> -> memref<1x512xi32, #tpu.memory_space<hbm>>
          %dma_start3A_529 = tpu.memref_squeeze %dma_start3A_528 : memref<1x512xi32, #tpu.memory_space<hbm>> -> memref<512xi32, #tpu.memory_space<hbm>>
          tpu.enqueue_dma source(%dma_start3A_529 : memref<512xi32, #tpu.memory_space<hbm>>) target(%arg7 : memref<512xi32, #tpu.memory_space<vmem>>) target_semaphore(%run_scoped3A : memref<!tpu.dma_semaphore, #tpu.memory_space<semaphore_mem>>)
          %dma_wait3A_530 = tpu.memref_slice %arg2[%select_n3A_475, %mul3A_493] : memref<200x4096xi32, #tpu.memory_space<hbm>> -> memref<1x512xi32, #tpu.memory_space<hbm>>
          %dma_wait3A_531 = tpu.memref_squeeze %dma_wait3A_530 : memref<1x512xi32, #tpu.memory_space<hbm>> -> memref<512xi32, #tpu.memory_space<hbm>>
          %dma_wait3A_532 = tpu.memref_slice %arg2[%select_n3A_475, %mul3A_493] : memref<200x4096xi32, #tpu.memory_space<hbm>> -> memref<1x512xi32, #tpu.memory_space<hbm>>
          %dma_wait3A_533 = tpu.memref_squeeze %dma_wait3A_532 : memref<1x512xi32, #tpu.memory_space<hbm>> -> memref<512xi32, #tpu.memory_space<hbm>>
          tpu.wait_dma2 semaphore(%run_scoped3A : memref<!tpu.dma_semaphore, #tpu.memory_space<semaphore_mem>>) src(%dma_wait3A_533 : memref<512xi32, #tpu.memory_space<hbm>>) dst(%arg7 : memref<512xi32, #tpu.memory_space<vmem>>)
          tpu.yield
        }) : () -> ()
        %dma_start3A_494 = arith.constant 0 : i32
        %dma_start3A_495 = arith.constant 0 : i32
        %dma_start3A_496 = tpu.memref_slice %arg9[%dma_start3A_494, %dma_start3A_495] : memref<512x32xf32, #tpu.memory_space<vmem>> -> memref<128x32xf32, #tpu.memory_space<vmem>>
        %dma_start3A_497 = arith.constant 0 : i32
        %dma_start3A_498 = tpu.memref_slice %arg7[%dma_start3A_497] : memref<512xi32, #tpu.memory_space<vmem>> -> memref<128xi32, #tpu.memory_space<vmem>>
        %dma_start3A_499 = arith.constant 0 : i32
        %dma_start3A_500 = arith.constant 0 : i32
        %dma_start3A_501 = tpu.memref_slice %arg3[%dma_start3A_499, %dma_start3A_500] : memref<1000000x32xf32, #tpu.memory_space<hbm>> -> memref<1000000x32xf32, #tpu.memory_space<hbm>>
        tpu.enqueue_indirect_dma source(%dma_start3A_501 : memref<1000000x32xf32, #tpu.memory_space<hbm>>) target(%dma_start3A_496 : memref<128x32xf32, #tpu.memory_space<vmem>>) offsets(%dma_start3A_498 : memref<128xi32, #tpu.memory_space<vmem>>) semaphore(%arg15 : memref<!tpu.dma_semaphore, #tpu.memory_space<semaphore_mem>>)
        %dma_start3A_502 = arith.constant 128 : i32
        %dma_start3A_503 = arith.constant 0 : i32
        %dma_start3A_504 = tpu.memref_slice %arg9[%dma_start3A_502, %dma_start3A_503] : memref<512x32xf32, #tpu.memory_space<vmem>> -> memref<128x32xf32, #tpu.memory_space<vmem>>
        %dma_start3A_505 = arith.constant 128 : i32
        %dma_start3A_506 = tpu.memref_slice %arg7[%dma_start3A_505] : memref<512xi32, #tpu.memory_space<vmem>> -> memref<128xi32, #tpu.memory_space<vmem>>
        %dma_start3A_507 = arith.constant 0 : i32
        %dma_start3A_508 = arith.constant 0 : i32
        %dma_start3A_509 = tpu.memref_slice %arg3[%dma_start3A_507, %dma_start3A_508] : memref<1000000x32xf32, #tpu.memory_space<hbm>> -> memref<1000000x32xf32, #tpu.memory_space<hbm>>
        tpu.enqueue_indirect_dma source(%dma_start3A_509 : memref<1000000x32xf32, #tpu.memory_space<hbm>>) target(%dma_start3A_504 : memref<128x32xf32, #tpu.memory_space<vmem>>) offsets(%dma_start3A_506 : memref<128xi32, #tpu.memory_space<vmem>>) semaphore(%arg15 : memref<!tpu.dma_semaphore, #tpu.memory_space<semaphore_mem>>)
        %dma_start3A_510 = arith.constant 256 : i32
        %dma_start3A_511 = arith.constant 0 : i32
        %dma_start3A_512 = tpu.memref_slice %arg9[%dma_start3A_510, %dma_start3A_511] : memref<512x32xf32, #tpu.memory_space<vmem>> -> memref<128x32xf32, #tpu.memory_space<vmem>>
        %dma_start3A_513 = arith.constant 256 : i32
        %dma_start3A_514 = tpu.memref_slice %arg7[%dma_start3A_513] : memref<512xi32, #tpu.memory_space<vmem>> -> memref<128xi32, #tpu.memory_space<vmem>>
        %dma_start3A_515 = arith.constant 0 : i32
        %dma_start3A_516 = arith.constant 0 : i32
        %dma_start3A_517 = tpu.memref_slice %arg3[%dma_start3A_515, %dma_start3A_516] : memref<1000000x32xf32, #tpu.memory_space<hbm>> -> memref<1000000x32xf32, #tpu.memory_space<hbm>>
        tpu.enqueue_indirect_dma source(%dma_start3A_517 : memref<1000000x32xf32, #tpu.memory_space<hbm>>) target(%dma_start3A_512 : memref<128x32xf32, #tpu.memory_space<vmem>>) offsets(%dma_start3A_514 : memref<128xi32, #tpu.memory_space<vmem>>) semaphore(%arg15 : memref<!tpu.dma_semaphore, #tpu.memory_space<semaphore_mem>>)
        %dma_start3A_518 = arith.constant 384 : i32
        %dma_start3A_519 = arith.constant 0 : i32
        %dma_start3A_520 = tpu.memref_slice %arg9[%dma_start3A_518, %dma_start3A_519] : memref<512x32xf32, #tpu.memory_space<vmem>> -> memref<128x32xf32, #tpu.memory_space<vmem>>
        %dma_start3A_521 = arith.constant 384 : i32
        %dma_start3A_522 = tpu.memref_slice %arg7[%dma_start3A_521] : memref<512xi32, #tpu.memory_space<vmem>> -> memref<128xi32, #tpu.memory_space<vmem>>
        %dma_start3A_523 = arith.constant 0 : i32
        %dma_start3A_524 = arith.constant 0 : i32
        %dma_start3A_525 = tpu.memref_slice %arg3[%dma_start3A_523, %dma_start3A_524] : memref<1000000x32xf32, #tpu.memory_space<hbm>> -> memref<1000000x32xf32, #tpu.memory_space<hbm>>
        tpu.enqueue_indirect_dma source(%dma_start3A_525 : memref<1000000x32xf32, #tpu.memory_space<hbm>>) target(%dma_start3A_520 : memref<128x32xf32, #tpu.memory_space<vmem>>) offsets(%dma_start3A_522 : memref<128xi32, #tpu.memory_space<vmem>>) semaphore(%arg15 : memref<!tpu.dma_semaphore, #tpu.memory_space<semaphore_mem>>)
      } else {
      }
      %jit3A_402 = arith.constant 8 : i32
      %div3A_403 = arith.divsi %add3A_250, %jit3A_402 : i32
      %sign3A_404 = arith.constant 0 : i32
      %sign3A_405 = arith.cmpi sgt, %add3A_250, %sign3A_404 : i32
      %sign3A_406 = arith.extui %sign3A_405 : i1 to i32
      %sign3A_407 = arith.constant 0 : i32
      %sign3A_408 = arith.cmpi slt, %add3A_250, %sign3A_407 : i32
      %sign3A_409 = arith.extui %sign3A_408 : i1 to i32
      %sign3A_410 = arith.subi %sign3A_406, %sign3A_409 : i32
      %sign3A_411 = arith.constant 0 : i32
      %sign3A_412 = arith.cmpi sgt, %jit3A_402, %sign3A_411 : i32
      %sign3A_413 = arith.extui %sign3A_412 : i1 to i32
      %sign3A_414 = arith.constant 0 : i32
      %sign3A_415 = arith.cmpi slt, %jit3A_402, %sign3A_414 : i32
      %sign3A_416 = arith.extui %sign3A_415 : i1 to i32
      %sign3A_417 = arith.subi %sign3A_413, %sign3A_416 : i32
      %ne3A_418 = arith.cmpi ne, %sign3A_410, %sign3A_417 : i32
      %rem3A_419 = arith.remsi %add3A_250, %jit3A_402 : i32
      %ne3A_420 = arith.constant 0 : i32
      %ne3A_421 = arith.cmpi ne, %rem3A_419, %ne3A_420 : i32
      %and3A_422 = arith.andi %ne3A_418, %ne3A_421 : i1
      %sub3A_423 = arith.constant 1 : i32
      %sub3A_424 = arith.subi %div3A_403, %sub3A_423 : i32
      %select_n3A_425 = arith.select %and3A_422, %sub3A_424, %div3A_403 : i32
      %jit3A_426 = arith.constant 8 : i32
      %eq3A_427 = arith.constant 0 : i32
      %eq3A_428 = arith.cmpi eq, %jit3A_426, %eq3A_427 : i32
      %jit3A_429 = arith.constant 1 : i32
      %select_n3A_430 = arith.select %eq3A_428, %jit3A_429, %jit3A_426 : i32
      %rem3A_431 = arith.remsi %add3A_250, %select_n3A_430 : i32
      %ne3A_432 = arith.constant 0 : i32
      %ne3A_433 = arith.cmpi ne, %rem3A_431, %ne3A_432 : i32
      %lt3A_434 = arith.constant 0 : i32
      %lt3A_435 = arith.cmpi slt, %rem3A_431, %lt3A_434 : i32
      %lt3A_436 = arith.constant 0 : i32
      %lt3A_437 = arith.cmpi slt, %select_n3A_430, %lt3A_436 : i32
      %ne3A_438 = arith.xori %lt3A_435, %lt3A_437 : i1
      %and3A_439 = arith.andi %ne3A_438, %ne3A_433 : i1
      %add3A_440 = arith.addi %rem3A_431, %select_n3A_430 : i32
      %select_n3A_441 = arith.select %and3A_439, %add3A_440, %rem3A_431 : i32
      %mul3A_442 = arith.constant 512 : i32
      %mul3A_443 = arith.muli %select_n3A_441, %mul3A_442 : i32
      %dma_start3A_444 = arith.constant 0 : i32
      %dma_start3A_445 = tpu.memref_slice %arg5[%select_n3A_425, %dma_start3A_444, %mul3A_443] : memref<200x32x4096xf32, #tpu.memory_space<hbm>> -> memref<1x32x512xf32, #tpu.memory_space<hbm>>
      %dma_start3A_446 = tpu.memref_squeeze %dma_start3A_445 : memref<1x32x512xf32, #tpu.memory_space<hbm>> -> memref<32x512xf32, #tpu.memory_space<hbm>>
      %dma_start3A_447 = arith.constant 0 : i32
      %dma_start3A_448 = tpu.memref_slice %arg5[%select_n3A_425, %dma_start3A_447, %mul3A_443] : memref<200x32x4096xf32, #tpu.memory_space<hbm>> -> memref<1x32x512xf32, #tpu.memory_space<hbm>>
      %dma_start3A_449 = tpu.memref_squeeze %dma_start3A_448 : memref<1x32x512xf32, #tpu.memory_space<hbm>> -> memref<32x512xf32, #tpu.memory_space<hbm>>
      tpu.enqueue_dma source(%arg12 : memref<32x512xf32, #tpu.memory_space<vmem>>) target(%dma_start3A_449 : memref<32x512xf32, #tpu.memory_space<hbm>>) target_semaphore(%arg17 : memref<!tpu.dma_semaphore, #tpu.memory_space<semaphore_mem>>)
    }
    %scan3A_146 = arith.constant 25 : i32
    %jit3A_147 = arith.constant 8 : i32
    %div3A_148 = arith.divsi %mul3A_2, %jit3A_147 : i32
    %sign3A_149 = arith.constant 0 : i32
    %sign3A_150 = arith.cmpi sgt, %mul3A_2, %sign3A_149 : i32
    %sign3A_151 = arith.extui %sign3A_150 : i1 to i32
    %sign3A_152 = arith.constant 0 : i32
    %sign3A_153 = arith.cmpi slt, %mul3A_2, %sign3A_152 : i32
    %sign3A_154 = arith.extui %sign3A_153 : i1 to i32
    %sign3A_155 = arith.subi %sign3A_151, %sign3A_154 : i32
    %sign3A_156 = arith.constant 0 : i32
    %sign3A_157 = arith.cmpi sgt, %jit3A_147, %sign3A_156 : i32
    %sign3A_158 = arith.extui %sign3A_157 : i1 to i32
    %sign3A_159 = arith.constant 0 : i32
    %sign3A_160 = arith.cmpi slt, %jit3A_147, %sign3A_159 : i32
    %sign3A_161 = arith.extui %sign3A_160 : i1 to i32
    %sign3A_162 = arith.subi %sign3A_158, %sign3A_161 : i32
    %ne3A_163 = arith.cmpi ne, %sign3A_155, %sign3A_162 : i32
    %rem3A_164 = arith.remsi %mul3A_2, %jit3A_147 : i32
    %ne3A_165 = arith.constant 0 : i32
    %ne3A_166 = arith.cmpi ne, %rem3A_164, %ne3A_165 : i32
    %and3A_167 = arith.andi %ne3A_163, %ne3A_166 : i1
    %sub3A_168 = arith.constant 1 : i32
    %sub3A_169 = arith.subi %div3A_148, %sub3A_168 : i32
    %select_n3A_170 = arith.select %and3A_167, %sub3A_169, %div3A_148 : i32
    %jit3A_171 = arith.constant 8 : i32
    %eq3A_172 = arith.constant 0 : i32
    %eq3A_173 = arith.cmpi eq, %jit3A_171, %eq3A_172 : i32
    %jit3A_174 = arith.constant 1 : i32
    %select_n3A_175 = arith.select %eq3A_173, %jit3A_174, %jit3A_171 : i32
    %rem3A_176 = arith.remsi %mul3A_2, %select_n3A_175 : i32
    %ne3A_177 = arith.constant 0 : i32
    %ne3A_178 = arith.cmpi ne, %rem3A_176, %ne3A_177 : i32
    %lt3A_179 = arith.constant 0 : i32
    %lt3A_180 = arith.cmpi slt, %rem3A_176, %lt3A_179 : i32
    %lt3A_181 = arith.constant 0 : i32
    %lt3A_182 = arith.cmpi slt, %select_n3A_175, %lt3A_181 : i32
    %ne3A_183 = arith.xori %lt3A_180, %lt3A_182 : i1
    %and3A_184 = arith.andi %ne3A_183, %ne3A_178 : i1
    %add3A_185 = arith.addi %rem3A_176, %select_n3A_175 : i32
    %select_n3A_186 = arith.select %and3A_184, %add3A_185, %rem3A_176 : i32
    %mul3A_187 = arith.constant 512 : i32
    %mul3A_188 = arith.muli %select_n3A_186, %mul3A_187 : i32
    %dma_wait3A = arith.constant 0 : i32
    %dma_wait3A_189 = tpu.memref_slice %arg5[%select_n3A_170, %dma_wait3A, %mul3A_188] : memref<200x32x4096xf32, #tpu.memory_space<hbm>> -> memref<1x32x512xf32, #tpu.memory_space<hbm>>
    %dma_wait3A_190 = tpu.memref_squeeze %dma_wait3A_189 : memref<1x32x512xf32, #tpu.memory_space<hbm>> -> memref<32x512xf32, #tpu.memory_space<hbm>>
    %dma_wait3A_191 = arith.constant 0 : i32
    %dma_wait3A_192 = tpu.memref_slice %arg5[%select_n3A_170, %dma_wait3A_191, %mul3A_188] : memref<200x32x4096xf32, #tpu.memory_space<hbm>> -> memref<1x32x512xf32, #tpu.memory_space<hbm>>
    %dma_wait3A_193 = tpu.memref_squeeze %dma_wait3A_192 : memref<1x32x512xf32, #tpu.memory_space<hbm>> -> memref<32x512xf32, #tpu.memory_space<hbm>>
    tpu.wait_dma2 semaphore(%arg16 : memref<!tpu.dma_semaphore, #tpu.memory_space<semaphore_mem>>) src(%arg11 : memref<32x512xf32, #tpu.memory_space<vmem>>) dst(%dma_wait3A_193 : memref<32x512xf32, #tpu.memory_space<hbm>>)
    %jit3A_194 = arith.constant 8 : i32
    %div3A_195 = arith.divsi %mul3A_2, %jit3A_194 : i32
    %sign3A_196 = arith.constant 0 : i32
    %sign3A_197 = arith.cmpi sgt, %mul3A_2, %sign3A_196 : i32
    %sign3A_198 = arith.extui %sign3A_197 : i1 to i32
    %sign3A_199 = arith.constant 0 : i32
    %sign3A_200 = arith.cmpi slt, %mul3A_2, %sign3A_199 : i32
    %sign3A_201 = arith.extui %sign3A_200 : i1 to i32
    %sign3A_202 = arith.subi %sign3A_198, %sign3A_201 : i32
    %sign3A_203 = arith.constant 0 : i32
    %sign3A_204 = arith.cmpi sgt, %jit3A_194, %sign3A_203 : i32
    %sign3A_205 = arith.extui %sign3A_204 : i1 to i32
    %sign3A_206 = arith.constant 0 : i32
    %sign3A_207 = arith.cmpi slt, %jit3A_194, %sign3A_206 : i32
    %sign3A_208 = arith.extui %sign3A_207 : i1 to i32
    %sign3A_209 = arith.subi %sign3A_205, %sign3A_208 : i32
    %ne3A_210 = arith.cmpi ne, %sign3A_202, %sign3A_209 : i32
    %rem3A_211 = arith.remsi %mul3A_2, %jit3A_194 : i32
    %ne3A_212 = arith.constant 0 : i32
    %ne3A_213 = arith.cmpi ne, %rem3A_211, %ne3A_212 : i32
    %and3A_214 = arith.andi %ne3A_210, %ne3A_213 : i1
    %sub3A_215 = arith.constant 1 : i32
    %sub3A_216 = arith.subi %div3A_195, %sub3A_215 : i32
    %select_n3A_217 = arith.select %and3A_214, %sub3A_216, %div3A_195 : i32
    %jit3A_218 = arith.constant 8 : i32
    %eq3A_219 = arith.constant 0 : i32
    %eq3A_220 = arith.cmpi eq, %jit3A_218, %eq3A_219 : i32
    %jit3A_221 = arith.constant 1 : i32
    %select_n3A_222 = arith.select %eq3A_220, %jit3A_221, %jit3A_218 : i32
    %rem3A_223 = arith.remsi %mul3A_2, %select_n3A_222 : i32
    %ne3A_224 = arith.constant 0 : i32
    %ne3A_225 = arith.cmpi ne, %rem3A_223, %ne3A_224 : i32
    %lt3A_226 = arith.constant 0 : i32
    %lt3A_227 = arith.cmpi slt, %rem3A_223, %lt3A_226 : i32
    %lt3A_228 = arith.constant 0 : i32
    %lt3A_229 = arith.cmpi slt, %select_n3A_222, %lt3A_228 : i32
    %ne3A_230 = arith.xori %lt3A_227, %lt3A_229 : i1
    %and3A_231 = arith.andi %ne3A_230, %ne3A_225 : i1
    %add3A_232 = arith.addi %rem3A_223, %select_n3A_222 : i32
    %select_n3A_233 = arith.select %and3A_231, %add3A_232, %rem3A_223 : i32
    %mul3A_234 = arith.constant 512 : i32
    %mul3A_235 = arith.muli %select_n3A_233, %mul3A_234 : i32
    %dma_wait3A_236 = arith.constant 0 : i32
    %dma_wait3A_237 = tpu.memref_slice %arg5[%select_n3A_217, %dma_wait3A_236, %mul3A_235] : memref<200x32x4096xf32, #tpu.memory_space<hbm>> -> memref<1x32x512xf32, #tpu.memory_space<hbm>>
    %dma_wait3A_238 = tpu.memref_squeeze %dma_wait3A_237 : memref<1x32x512xf32, #tpu.memory_space<hbm>> -> memref<32x512xf32, #tpu.memory_space<hbm>>
    %dma_wait3A_239 = arith.constant 0 : i32
    %dma_wait3A_240 = tpu.memref_slice %arg5[%select_n3A_217, %dma_wait3A_239, %mul3A_235] : memref<200x32x4096xf32, #tpu.memory_space<hbm>> -> memref<1x32x512xf32, #tpu.memory_space<hbm>>
    %dma_wait3A_241 = tpu.memref_squeeze %dma_wait3A_240 : memref<1x32x512xf32, #tpu.memory_space<hbm>> -> memref<32x512xf32, #tpu.memory_space<hbm>>
    tpu.wait_dma2 semaphore(%arg17 : memref<!tpu.dma_semaphore, #tpu.memory_space<semaphore_mem>>) src(%arg12 : memref<32x512xf32, #tpu.memory_space<vmem>>) dst(%dma_wait3A_241 : memref<32x512xf32, #tpu.memory_space<hbm>>)
    return
  }
}

</mosaic_0001>

<sc_bundles>
// kernel: kernel.3.cloned.1.call-start
scs
__scs_entry_jumppad:
0x0: {  	(pc) =	sbr.rel $0x88, $3  }
0x1: {  	(tag) =	ssettag $0x0;
	lr =	simm.s32 $0x1  }
0x2: {  	[smem:$0x3F9E] =	sst lr;
	_ =	strace $0xD0000000  }
0x3: {  	_ = 	snop  }
0x4: {  	_ = 	snop  }
0x5: {  	_ = 	snop  }
0x6: {  	_ = 	snop  }
0x7: {  	_ = 	snop  }
__scs_overlays_trampoline_lowered:
0x8: {  	[smem:$0x3FAD] =	sst s0  }
0x9: {  	[smem:$0x3FAE] =	sst s1  }
0xa: {  	[smem:$0x3FAF] =	sst s2  }
0xb: {  	[smem:$0x3FB0] =	sst s3  }
0xc: {  	[smem:$0x3FB1] =	sst s4  }
0xd: {  	[smem:$0x3FB2] =	sst s5  }
0xe: {  	[smem:$0x3FB3] =	sst s6  }
0xf: {  	[smem:$0x3FB4] =	sst s7  }
0x10: {  	[smem:$0x3FB5] =	sst s8  }
0x11: {  	[smem:$0x3FB6] =	sst s9;
	s0 =	simm.s32 @!p0 $0x0  }
0x12: {  	s1 =	sld [smem:$0x3F9C];
	s0 =	simm.s32 @p0 $0x1  }
0x13: {  	[smem:$0x3FB7] =	sst s0;
	s0 =	simm.s32 @!p1 $0x0  }
0x14: {  	s2 =	sld [smem:$0x3F9B];
	s0 =	simm.s32 @p1 $0x1  }
0x15: {  	[smem:$0x3FB8] =	sst s0;
	s0 =	simm.s32 @!p2 $0x0  }
0x16: {  	s3 =	sld [smem:$0x3FDB];
	s0 =	simm.s32 @p2 $0x1  }
0x17: {  	s4 =	simm.s32 $0x1BF5;
	[smem:$0x3FBA] =	sst s0  }
0x18: {  	s0 =	sld [smem:$0x3F9D];
	_ =	swait.ge [sflag:s4], $0x0  }
0x19: {  	s7 =	sld [smem:$0x3F9E]  }
0x1a: {  	s8 =	sadd.s32 $0xFFFFE003, lr  }
0x1b: {  	s9 =	sadd.s32 $0xFFFFFEF7, lr;
	s5 =	simm.s32 $0xFFFFFFFF;
	p2 =	slt.u32 s8, $0xFFFFF086  }
0x1c: {  	p1 =	slt.u32 s9, $0xF7A;
	s5 =	simm.s32 @!p2 $0x0  }
0x1d: {  	s5 =	simm.s32 @p1 $0x1;
	p0 =	seq.s32 s7, s2  }
0x1e: {  	s7 =	smul.u32 @!p0 $0xF7A, s2;
	p2 =	seq.s32 @!p0 s5, $0x0  }
0x1f: {  	s9 =	smul.u32 $0xF7A, s1;
	s8 =	simm.s32 @!p0 $0x1BF5;
	p2 =	por !p2, p0  }
0x20: {  	[sflag:s8] =	ssyncset.s32 @!p0 $0xFFFFF086;
	s6 =	sadd.s32 @!p0 s3, s7;
	s7 =	simm.s32 @!p0 $0x108  }
0x21: {  	s3 =	sadd.s32 s3, s9;
	s6 =	sadd.s32 @!p0 $0x88, s6;
	s7 =	simm.s32 @p2 $0x1082  }
0x22: {  	[simem:s7], [sflag:s8] =	dma.local @!p0 [hbm:s6], $0xF7A  }
0x23: {  	s9 =	sor.u32 $0xD0000000, s2;
	s6 =	simm.s32 $0x108;
	_ =	swait.ge @!p0 [sflag:s8], $0x0  }
0x24: {  	s3 =	sadd.s32 $0x88, s3;
	s6 =	simm.s32 @!p1 $0x1082;
	[sflag:s4] =	ssyncset.s32 $0xFFFFF086  }
0x25: {  	[simem:s6], [sflag:s4] =	dma.local [hbm:s3], $0xF7A  }
0x26: {  	[smem:$0x3F9E] =	sst s1;
	(tag) =	ssettag s2;
	_ =	strace s9  }
0x27: {  	s1 =	sld [smem:$0x3FAE]  }
0x28: {  	s2 =	sld [smem:$0x3FAF]  }
0x29: {  	s4 =	sld [smem:$0x3FB1]  }
0x2a: {  	p0 =	seq.s32 s5, $0x0;
	s5 =	sld [smem:$0x3FB2]  }
0x2b: {  	s6 =	sld [smem:$0x3FB3]  }
0x2c: {  	s7 =	sld [smem:$0x3FB4]  }
0x2d: {  	s3 =	simm.s32 $0x108;
	s8 =	sld [smem:$0x3FB5]  }
0x2e: {  	s3 =	simm.s32 @!p0 $0x1082;
	s9 =	sld [smem:$0x3FB6]  }
0x2f: {  	lr =	sadd.s32 s0, s3;
	s0 =	sld [smem:$0x3FAD]  }
0x30: {  	s3 =	sld [smem:$0x3FB0]  }
0x31: {  	[smem:$0x3FB9] =	sst s10  }
0x32: {  	s10 =	sld [smem:$0x3FB7];
	_ =	sdelay $0x3  }
0x33: {  	p0 =	seq.s32 s10, $0x1;
	s10 =	sld [smem:$0x3FB9];
	_ =	sdelay $0x3  }
0x34: {  	[smem:$0x3FB9] =	sst s10  }
0x35: {  	s10 =	sld [smem:$0x3FB8];
	_ =	sdelay $0x3  }
0x36: {  	p1 =	seq.s32 s10, $0x1;
	s10 =	sld [smem:$0x3FB9];
	_ =	sdelay $0x3  }
0x37: {  	[smem:$0x3FB9] =	sst s10  }
0x38: {  	s10 =	sld [smem:$0x3FBA]  }
0x39: {  	_ = 	snop;
	(pc) =	sbr.ind lr, $3  }
0x3a: {  	_ = 	snop  }
0x3b: {  	_ = 	snop  }
0x3c: {  	p2 =	seq.s32 s10, $0x1;
	s10 =	sld [smem:$0x3FB9]  }
0x3d: {  	_ =	shalt  }
0x3e: {  	_ =	shalt  }
0x3f: {  	_ =	shalt  }
0x40: {  	_ =	shalt  }
0x41: {  	_ =	shalt  }
0x42: {  	_ =	shalt  }
0x43: {  	_ =	shalt  }
0x44: {  	_ =	shalt  }
0x45: {  	_ =	shalt  }
0x46: {  	_ =	shalt  }
0x47: {  	_ =	shalt  }
0x48: {  	_ =	shalt  }
0x49: {  	_ =	shalt  }
0x4a: {  	_ =	shalt  }
0x4b: {  	_ =	shalt  }
0x4c: {  	_ =	shalt  }
0x4d: {  	_ =	shalt  }
0x4e: {  	_ =	shalt  }
0x4f: {  	_ =	shalt  }
0x50: {  	_ =	shalt  }
0x51: {  	_ =	shalt  }
0x52: {  	_ =	shalt  }
0x53: {  	_ =	shalt  }
0x54: {  	_ =	shalt  }
0x55: {  	_ =	shalt  }
0x56: {  	_ =	shalt  }
0x57: {  	_ =	shalt  }
0x58: {  	_ =	shalt  }
0x59: {  	_ =	shalt  }
0x5a: {  	_ =	shalt  }
0x5b: {  	_ =	shalt  }
0x5c: {  	_ =	shalt  }
0x5d: {  	_ =	shalt  }
0x5e: {  	_ =	shalt  }
0x5f: {  	_ =	shalt  }
0x60: {  	_ =	shalt  }
0x61: {  	_ =	shalt  }
0x62: {  	_ =	shalt  }
0x63: {  	_ =	shalt  }
0x64: {  	_ =	shalt  }
0x65: {  	_ =	shalt  }
0x66: {  	_ =	shalt  }
0x67: {  	_ =	shalt  }
0x68: {  	_ =	shalt  }
0x69: {  	_ =	shalt  }
0x6a: {  	_ =	shalt  }
0x6b: {  	_ =	shalt  }
0x6c: {  	_ =	shalt  }
0x6d: {  	_ =	shalt  }
0x6e: {  	_ =	shalt  }
0x6f: {  	_ =	shalt  }
0x70: {  	_ =	shalt  }
0x71: {  	_ =	shalt  }
0x72: {  	_ =	shalt  }
0x73: {  	_ =	shalt  }
0x74: {  	_ =	shalt  }
0x75: {  	_ =	shalt  }
0x76: {  	_ =	shalt  }
0x77: {  	_ =	shalt  }
0x78: {  	_ =	shalt  }
0x79: {  	_ =	shalt  }
0x7a: {  	_ =	shalt  }
0x7b: {  	_ =	shalt  }
0x7c: {  	_ =	shalt  }
0x7d: {  	_ =	shalt  }
0x7e: {  	_ =	shalt  }
0x7f: {  	_ =	shalt  }
0x80: {  	_ =	shalt  }
0x81: {  	_ =	shalt  }
0x82: {  	_ =	shalt  }
0x83: {  	_ =	shalt  }
0x84: {  	_ =	shalt  }
0x85: {  	_ =	shalt  }
0x86: {  	_ =	shalt  }
0x87: {  	_ =	shalt  }
.Lfunc_end0:
.L_simem_size_0:
called_computation_lowered:
.L_overlay_start_0:
0x88: {  	s2 =	sld [smem:$0x3FD9]  }
0x89: {  	s3 =	sld [smem:$0x3FFE];
	_ =	sdelay $0x1  }
0x8a: {  	s1 =	srdreg.scid  }
0x8b: {  	s0 =	sand.u32 $0x1, s1  }
0x8c: {  	s17 =	sshll.u32 s0, $0xA;
	s2 =	sadd.s32 s3, s2  }
0x8d: {  	s2 =	sadd.s32 s2, s17  }
0x8e: {  	[smem:$0x3FC5] =	sst s2  }
0x8f: {  	_ = 	snop  }
0x90: {  	s2 =	sld [smem:$0x3FD0];
	(tm) =	ssettm $0x1  }
0x91: {  	s18 =	sld [smem:$0x3FFB];
	_ =	sdelay $0x3  }
0x92: {  	_ =	strace s18  }
0x93: {  	s3 =	sld [smem:$0x3FFC];
	_ =	sdelay $0x3  }
0x94: {  	_ =	strace s3  }
0x95: {  	s3 =	sld [smem:$0x3FFD];
	_ =	sdelay $0x3  }
0x96: {  	_ =	strace s3  }
0x97: {  	_ =	strace $0x8FFFFFFF  }
0x98: {  	s19 =	sld [smem:$0x3FDB];
	_ =	sdelay $0x1  }
0x99: {  	s4 =	simm.s32 $_scs_section_size  }
0x9a: {  	s5 =	simm.s32 $_size__tile_overlayer_lowered;
	s6 =	simm.s32 $_tile_overlayer_lowered  }
0x9b: {  	s22 =	simm.s32 $0x1BFF;
	s21 =	sshll.u32 s6, $0x1;
	s3 =	sadd.s32 s4, s19  }
0x9c: {  	s7 =	simm.s32 $0x0;
	s20 =	sshll.u32 s5, $0x1;
	s5 =	sadd.s32 s21, s3  }
0x9d: {  	[timem:s7], [sflag:s22] =	dma.local [hbm:s5], s20  }
0x9e: {  	_ =	swait.ge [sflag:s22], s20  }
0x9f: {  	s4 =	ssub.s32 $0x0, s20;
	[sflag:s22] =	ssyncset.done $0x0  }
0xa0: {  	[sflag:s22] =	ssyncadd.s32 s4;
	_ =	sdelay $0x1  }
0xa1: {  	s23 =	simm.s32 $0x1B8B  }
0xa2: {  	_ =	swait.ge [sflag:s23], $0x1  }
0xa3: {  	[sflag:s23] =	ssyncset.done $0x0  }
0xa4: {  	s25 =	simm.s32 $0x1B8E;
	s24 =	sld [smem:$0x3FFE];
	[sflag:s23] =	ssyncadd.s32 $0xFFFFFFFF  }
0xa5: {  	s26 =	simm.s32 $execute0_lowered;
	[smem:$0x3FD2] =	sst s25  }
0xa6: {  	s5 =	sshll.u32 s26, $0x1;
	_ =	strace $0x80000046;
	[dreg:$0x1] =	wrdreg $0xFFFFFFFF  }
0xa7: {  	s28 =	simm.s32 $_size_execute0_lowered;
	s3 =	sadd.s32 s3, s5;
	[dreg:$0x0] =	wrdreg $0x0  }
0xa8: {  	s5 =	sshll.u32 s28, $0x1;
	[dreg:$0x2] =	wrdreg s3  }
0xa9: {  	[dreg:$0x3] =	wrdreg s5  }
0xaa: {  	[dreg:$0x4] =	wrdreg $0xC0  }
0xab: {  	_ =	task [dreg:s7], $0x5FFFF  }
0xac: {  	[dreg:$0x1] =	wrdreg $0xFFFFFFFF  }
0xad: {  	[dreg:$0x0] =	wrdreg $0x60  }
0xae: {  	[dreg:$0x2] =	wrdreg s2  }
0xaf: {  	[dreg:$0x3] =	wrdreg s24  }
0xb0: {  	[dreg:$0x4] =	wrdreg $0x9  }
0xb1: {  	_ =	task.clear_ibuf [dreg:s7], $0x5FFFF;
	_ =	strace $0x90000046  }
0xb2: {  	s29 =	simm.s32 $0x9;
	_ =	strace $0x80000048  }
0xb3: {  	_ =	swait.ge [sflag:s29], $0x1  }
0xb4: {  	[sflag:s29] =	ssyncadd.s32 $0xFFFFFFFF  }
0xb5: {  	_ =	strace $0x90000048  }
0xb6: {  	_ =	sfence  }
0xb7: {  	s30 =	sld [smem:$0x0];
	_ =	sdelay $0x2  }
0xb8: {  	s31 =	sshll.u32 s1, $0xD;
	s1 =	sshrl.u32 s1, $0x2  }
0xb9: {  	s3 =	sand.u32 $0x4000, s31;
	s1 =	sadd.s32 s1, s30  }
0xba: {  	s0 =	sor.u32 s3, s0;
	s1 =	sshll.u32 s1, $0x11  }
0xbb: {  	s0 =	sor.u32 s1, s0  }
0xbc: {  	s0 =	sadd.s32 $0x8F2B, s0  }
0xbd: {  	[sflag:s0] =	ssyncadd.remote.s32 $0x1  }
0xbe: {  	_ =	sfence.sel $0xFFFF  }
0xbf: {  	[dreg:$0x0] =	wrdreg $0xFFFFFFFF;
	(pc) =	sbr.abs _section_cstart, $3  }
0xc0: {  	[dreg:$0x1] =	wrdreg $0xFFFFFFFF  }
0xc1: {  	_ =	task.clear_ibuf [dreg:s7], $0x2FFFF;
	_ =	strace $0x9FFFFFFF  }
0xc2: {  	(tm) =	ssettm $0x7FFFFFFF  }
0xc3: {  	_ =	shalt  }
tec
execute0_lowered:
.L_overlay_start_1:
0x0: {  	(tag) =	ssettag $0x1  }
0x1: {  	v0 =	vimm.s32 $0xFEDCBA9;
	v1 =	vimm.s32 $0x87654321  }
0x2: {  	v2 =	vimm.s32 $0x98765432;
	v5 =	vimm.s32 $0xA9876543;
	v6 =	vimm.s32 $0x43210FED  }
0x3: {  	v7 =	vimm.s32 $0xCBA98765;
	v19 =	vimm.s32 $0x6543210F;
	v20 =	vimm.s32 $0xEDCBA987  }
0x4: {  	v21 =	vimm.s32 $0xFEDCBA98;
	vm0 =	vcmask $0x1F10;
	v53 =	vimm.s32 $0x19181716  }
0x5: {  	v56 =	vimm.s32 $0x1211101F;
	v58 =	vimm.s32 $0x1A191817;
	v59 =	vimm.s32 $0x1F1E1D1C  }
0x6: {  	v60 =	vimm.s32 $0x17161514;
	v61 =	vimm.s32 $0x1B1A1918;
	v0 =	vunpack.c.l.s4.s8 v0  }
0x7: {  	v1 =	vunpack.c.l.s4.s8 v1;
	v2 =	vunpack.c.l.s4.s8 v2;
	v6 =	vunpack.c.l.s4.s8 v6  }
0x8: {  	v7 =	vunpack.c.l.s4.s8 v7;
	v19 =	vunpack.c.l.s4.s8 v19;
	v20 =	vunpack.c.l.s4.s8 v20  }
0x9: {  	v21 =	vunpack.c.l.s4.s8 v21;
	v55 =	vunpack.c.0.s8.s32 v53;
	v29 =	vunpack.c.0.s8.s32 v56  }
0xa: {  	v31 =	vunpack.c.0.s8.s32 v58;
	v8 =	vunpack.c.0.s8.s32 v0;
	v0 =	vimm.s32 $0x10FEDCBA  }
0xb: {  	v32 =	vunpack.c.0.s8.s32 v59;
	v9 =	vunpack.c.0.s8.s32 v1;
	v1 =	vunpack.c.l.s4.s8 v0  }
0xc: {  	v11 =	vunpack.c.0.s8.s32 v2;
	v17 =	vunpack.c.0.s8.s32 v6;
	v18 =	vunpack.c.0.s8.s32 v7  }
0xd: {  	v3 =	vcombine.low v9, v8;
	v10 =	vunpack.c.0.s8.s32 v1;
	v1 =	vimm.s32 $0x210FEDCB  }
0xe: {  	v19 =	vunpack.c.0.s8.s32 v19;
	v20 =	vunpack.c.0.s8.s32 v20;
	v4 =	vunpack.c.l.s4.s8 v1  }
0xf: {  	v21 =	vunpack.c.0.s8.s32 v21;
	v2 =	vand.u32 $0xF, v3;
	v3 =	vunpack.c.l.s4.s8 v5  }
0x10: {  	v7 =	vcombine.low v18, v17;
	v12 =	vunpack.c.0.s8.s32 v4;
	v4 =	vimm.s32 $0x3210FEDC  }
0x11: {  	v25 =	vcombine.low v20, v19;
	v13 =	vunpack.c.0.s8.s32 v3;
	v3 =	vunpack.c.l.s4.s8 v4  }
0x12: {  	v21 =	vand.u32 $0xF, v21;
	v51 =	vcombine.low v8, v9;
	v4 =	vimm.s32 $0xBA987654  }
0x13: {  	v4 =	vunpack.c.l.s4.s8 v4;
	v15 =	vunpack.c.0.s8.s32 v3;
	v3 =	vimm.s32 $0x543210FE  }
0x14: {  	v8 =	vand.u32 $0xF, v25;
	v14 =	vcombine.low v13, v12;
	v6 =	vunpack.c.l.s4.s8 v3  }
0x15: {  	v5 =	vcombine.low v11, v10;
	v12 =	vcombine.low v12, v13;
	v16 =	vunpack.c.0.s8.s32 v4  }
0x16: {  	v4 =	vand.u32 $0xF, v14;
	v14 =	vunpack.c.0.s8.s32 v6;
	v6 =	vimm.s32 $0xDCBA9876  }
0x17: {  	s0 =	rddreg [dreg:$0x0];
	s1 =	simm.s32 $0x0;
	v3 =	vand.u32 $0xF, v5;
	v5 =	vcombine.low v16, v15;
	v6 =	vunpack.c.l.s4.s8 v6  }
0x18: {  	[smem:$0x7FF] =	sst s1;
	v25 =	vunpack.c.0.s8.s32 v61;
	v13 =	vcombine.low v15, v16;
	v15 =	vcombine.low v17, v18  }
0x19: {  	s2 =	rddreg [dreg:$0x1];
	_ =	strace $0x80000047;
	v17 =	vcombine.low v19, v20;
	v18 =	vimm.s32 $0x1C1B1A19;
	v22 =	vunpack.c.0.s8.s32 v6  }
0x1a: {  	[tilespmem:$0x1FF20] =	vst v55;
	v20 =	vimm.s32 $0x18171615;
	v18 =	vunpack.c.0.s8.s32 v18;
	v6 =	vimm.s32 $0x76543210  }
0x1b: {  	[tilespmem:$0x1FF60] =	vst v29;
	v23 =	vunpack.c.l.s4.s8 v6;
	v6 =	vand.u32 $0xF, v7;
	v24 =	vcombine.low v22, v14  }
0x1c: {  	[tilespmem:$0x1FF80] =	vst v31;
	v16 =	vcombine.low v14, v22;
	v14 =	vand.u32 $0xF, v15;
	v22 =	vimm.s32 $0x1D1C1B1A  }
0x1d: {  	[tilespmem:$0x1FFB0] =	vst v32;
	v23 =	vunpack.c.0.s8.s32 v23;
	v27 =	vunpack.c.0.s8.s32 v22;
	v22 =	vimm.s32 $0x11101F1E  }
0x1e: {  	[tilespmem:$0x1FFE0] =	vst v25;
	v7 =	vand.u32 $0xF, v24;
	v15 =	vand.u32 $0xF, v16;
	v28 =	vunpack.c.0.s8.s32 v22  }
0x1f: {  	v16 =	vand.u32 $0xF, v17;
	v17 =	vimm.s32 $0x101F1E1D;
	v24 =	vunpack.c.0.s8.s32 v60;
	[tilespmem:$0x1FEF0] =	vst v27  }
0x20: {  	s3 =	srdreg.scid;
	s15 =	simm.s32 $0x200;
	v20 =	vunpack.c.0.s8.s32 v20;
	v9 =	vcombine.low v21, v23;
	v19 =	vunpack.c.0.s8.s32 v17;
	[tilespmem:$0x1FF00] =	vst v28  }
0x21: {  	s5 =	stileid.u32;
	s23 =	simm.s32 $0x5;
	s24 =	simm.s32 $0x80;
	v17 =	vimm.s32 $0x14131211;
	v23 =	vimm.s32 $0x15141312;
	v27 =	vsel vm0, v28, v27;
	[tilespmem:$0x1FFD0] =	vst v24  }
0x22: {  	s30 =	simm.s32 $0x1;
	s31 =	simm.s32 $0x8400;
	s10 =	simm.s32 $0x3;
	v21 =	vunpack.c.0.s8.s32 v17;
	v54 =	vunpack.c.0.s8.s32 v23;
	v52 =	vsel vm0, v19, v18;
	[tilespmem:$0x1FF30] =	vst v27  }
0x23: {  	s12 =	simm.s32 $0x4;
	s4 =	sand.u32 $0x1, s3;
	s5 =	sshll.u32 s5, $0x1;
	v23 =	vimm.s32 $0x1E1D1C1B;
	[tilespmem:$0x1FED0] =	vst v52  }
0x24: {  	s13 =	simm.s32 $0x0;
	s3 =	sadd.s32 $0xF42C00, s2;
	s6 =	sor.u32 s4, s5;
	v57 =	vunpack.c.0.s8.s32 v23;
	v26 =	vsel vm0, v20, v21;
	[tilespmem:$0x1FF10] =	vst v54  }
0x25: {  	s7 =	sadd.s32 $0x800, s2;
	s19 =	sadd.s32 $0x80, s0;
	s5 =	smul.u32 $0x6400, s6;
	v0 =	vlaneseq.u32;
	v11 =	vcombine.low v10, v11;
	v23 =	vimm.s32 $0x16151413;
	[tilespmem:$0x1FEE0] =	vst v26  }
0x26: {  	[dreg:$0x3] =	wrdreg s7;
	s4 =	ssub.s32 $0x2, s4;
	s26 =	sshll.u32 s6, $0xA;
	v30 =	vunpack.c.0.s8.s32 v23;
	v22 =	vcombine.low v26, v52;
	v26 =	vsel vm0, v55, v54;
	[tilespmem:$0x1FF50] =	vst v57  }
0x27: {  	s8 =	sshrl.u32 s4, $0x1;
	s7 =	sand.u32 $0xC00, s26;
	s9 =	sand.u32 $0xFF000, s5;
	v1 =	vmul.u32 $0x20, v0;
	v10 =	vand.u32 $0xF, v51;
	v11 =	vand.u32 $0xF, v11;
	[tilespmem:$0x1FF40] =	vst v26  }
0x28: {  	s6 =	smul.u32 $0x32, s6;
	s28 =	ssub.s32 s4, s8;
	s29 =	sor.u32 s7, s9;
	v12 =	vand.u32 $0xF, v12;
	v23 =	vimm.s32 $0x13121110;
	v62 =	vsel vm0, v29, v57;
	[tilespmem:$0x1FF70] =	vst v30  }
0x29: {  	s8 =	simm.s32 $0x2;
	s5 =	sadd.s32 $0xC00, s2;
	s4 =	sshrl.u32 s29, $0x3;
	v5 =	vand.u32 $0xF, v5;
	v23 =	vunpack.c.0.s8.s32 v23;
	v63 =	vsel vm0, v31, v30;
	[tilespmem:$0x1FF90] =	vst v62  }
0x2a: {  	s2 =	smax.u32 s28, $0x1;
	s7 =	sadd.s32 $0xC0, s0;
	s11 =	sadd.s32 s0, s4;
	v13 =	vand.u32 $0xF, v13;
	v43 =	vsel vm0, v18, v20;
	v24 =	vsel vm0, v25, v24;
	[tilespmem:$0x1FFA0] =	vst v63  }
0x2b: {  	[dreg:$0x5] =	wrdreg s2;
	s2 =	simm.s32 $0xC400;
	s4 =	sadd.s32 $0x40, s11;
	v17 =	vor.u32 $0x10, v0;
	v40 =	vmovc v24;
	v35 =	vcombine.low v26, v27;
	[tilespmem:$0x1FFC0] =	vst v23;
	v23 =	vsel vm0, v23, v32  }
0x2c: {  	s9 =	simm.s32 $0x10400;
	s0 =	simm.s32 $0x1000;
	[dreg:$0x4] =	wrdreg s4;
	v42 =	vsel vm0, v21, v19;
	v38 =	vcombine.low v63, v62;
	[tilespmem:$0x1FFF0] =	vst v23;
	v41 =	vcombine.low v24, v23  }
.LBB2_1:
0x2d: {  	s4 =	rddreg [dreg:$0x3];
	s14 =	simm.s32 $0x14400  }
0x2e: {  	[tilespmem:s14], [sflag:$0x5] =	stream.linear.gather [hbm4b:s4+s1], $0x1900, $0x38;
	[tilespmem:$0x15D00] =	vst v63  }
0x2f: {  	_ =	swait.ge [sflag:s23], $0x1900  }
0x30: {  	[sflag:s23] =	ssyncset.done $0x0  }
0x31: {  	[sflag:s23] =	ssyncadd.s32 $0xFFFFE700  }
0x32: {  	[tilespmem:s1], [sflag:$0x5] =	stream.linear.gather [hbm4b:s11+s1], $0x200, $0x38;
	[tilespmem:$0x15D00] =	vst v63  }
0x33: {  	_ =	swait.ge [sflag:s23], $0x200  }
0x34: {  	[sflag:s23] =	ssyncset.done $0x0  }
0x35: {  	s25 =	simm.s32 $0x400;
	[sflag:s23] =	ssyncadd.s32 $0xFFFFFE00  }
0x36: {  	[tilespmem:s25], [sflag:$0x1] =	stream.indirect.gather [hbm4b:s3+s24], $0x20, s1, s24, $0xb8;
	[tilespmem:$0x15D00] =	vst v63  }
0x37: {  	s26 =	simm.s32 $0x1400  }
0x38: {  	[tilespmem:s26], [sflag:$0x1] =	stream.indirect.gather [hbm4b:s3+s24], $0x20, s24, s24, $0xb8;
	[tilespmem:$0x15D00] =	vst v63  }
0x39: {  	s28 =	simm.s32 $0x2400;
	s29 =	simm.s32 $0x100  }
0x3a: {  	[tilespmem:s28], [sflag:$0x1] =	stream.indirect.gather [hbm4b:s3+s24], $0x20, s29, s24, $0xb8;
	[tilespmem:$0x15D00] =	vst v63  }
0x3b: {  	s16 =	simm.s32 $0x180;
	s17 =	simm.s32 $0x3400  }
0x3c: {  	[tilespmem:s17], [sflag:$0x1] =	stream.indirect.gather [hbm4b:s3+s24], $0x20, s16, s24, $0xb8;
	[tilespmem:$0x15D00] =	vst v63  }
0x3d: {  	s18 =	rddreg [dreg:$0x4]  }
0x3e: {  	[tilespmem:s15], [sflag:$0x5] =	stream.linear.gather [hbm4b:s18+s1], $0x200, $0x38;
	[tilespmem:$0x15D00] =	vst v63  }
0x3f: {  	_ =	swait.ge [sflag:s23], $0x200  }
0x40: {  	[sflag:s23] =	ssyncset.done $0x0  }
0x41: {  	s20 =	simm.s32 $0x4400;
	[sflag:s23] =	ssyncadd.s32 $0xFFFFFE00  }
0x42: {  	[tilespmem:s20], [sflag:$0x2] =	stream.indirect.gather [hbm4b:s3+s24], $0x20, s15, s24, $0xb8;
	[tilespmem:$0x15D00] =	vst v63  }
0x43: {  	s21 =	simm.s32 $0x280;
	s22 =	simm.s32 $0x5400  }
0x44: {  	[tilespmem:s22], [sflag:$0x2] =	stream.indirect.gather [hbm4b:s3+s24], $0x20, s21, s24, $0xb8;
	[tilespmem:$0x15D00] =	vst v63  }
0x45: {  	s25 =	simm.s32 $0x300;
	s26 =	simm.s32 $0x6400  }
0x46: {  	[tilespmem:s26], [sflag:$0x2] =	stream.indirect.gather [hbm4b:s3+s24], $0x20, s25, s24, $0xb8;
	[tilespmem:$0x15D00] =	vst v63  }
0x47: {  	s14 =	simm.s32 $0x0;
	s28 =	simm.s32 $0x380;
	s29 =	simm.s32 $0x7400  }
0x48: {  	[tilespmem:s29], [sflag:$0x2] =	stream.indirect.gather [hbm4b:s3+s24], $0x20, s28, s24, $0xb8;
	[tilespmem:$0x15D00] =	vst v63  }
.LBB2_2:
0x49: {  	_ =	swait.ge [sflag:s30], $0x4000  }
0x4a: {  	p0 =	seq.s32 s14, $0x0;
	[sflag:s30] =	ssyncset.done $0x0  }
0x4b: {  	s4 =	sshll.u32 s14, $0x1;
	s16 =	simm.s32 @!p0 $0x3;
	[sflag:s30] =	ssyncadd.s32 $0xFFFFC000  }
0x4c: {  	s21 =	sadd.s32 s6, s4;
	_ =	swait.ge @!p0 [sflag:s16], $0x4000  }
0x4d: {  	s4 =	sshll.u32 s21, $0x2;
	[sflag:s16] =	ssyncset.done @!p0 $0x0  }
0x4e: {  	[sflag:s16] =	ssyncadd.s32 @!p0 $0xFFFFC000;
	s16 =	sand.u32 $0x3FFFFFE0, s4  }
0x4f: {  	s25 =	simm.s32 $0x410;
	s4 =	simm.s32 $0x0;
	v18 =	vld [tilespmem:s16+$0x14400]  }
0x50: {  	v19 =	vadd.s32 s4, v0;
	v20 =	vld [tilespmem:s25+$0xFFFFFFF0]  }
0x51: {  	v21 =	vand.u32 $0xF, v19  }
0x52: {  	v23 =	vor.u32 s4, v21;
	_ =	sdelay $0x2  }
0x53: {  	s17 =	simm.s32 $0x430;
	s18 =	simm.s32 $0x1;
	v24 =	vadd.f32 v20, v18  }
0x54: {  	v25 =	vld [tilespmem:s17+$0xFFFFFFF0];
	v20 =	vadd.s32 s18, v0  }
0x55: {  	v19 =	vld [tilespmem:s16+$0x14410];
	s18 =	simm.s32 $0x20;
	v20 =	vand.u32 $0xF, v20;
	[tilespmem:v23+s31+$0x0] =	vst.idx.msk $0xffff, v24  }
0x56: {  	v24 =	vor.u32 s18, v20;
	v23 =	vld [tilespmem:s25+$0x0]  }
0x57: {  	s26 =	simm.s32 $0x10  }
0x58: {  	s22 =	simm.s32 $0x2;
	v21 =	vor.u32 s26, v21  }
0x59: {  	s20 =	sshrl.u32 s21, $0x3;
	s26 =	simm.s32 $0x450;
	v25 =	vadd.f32 v25, v18;
	s25 =	simm.s32 $0x20  }
.LBB2_3:
0x5a: {  	v26 =	vadd.s32 s22, v0;
	v27 =	vld [tilespmem:s26+$0xFFFFFFF0];
	p1 =	sne.s32 s22, $0x1FF;
	s22 =	sadd.s32 $0x1, s22  }
.Ltmp0:
0x5b: {  	s18 =	sadd.s32 $0x20, s18;
	v26 =	vand.u32 $0xF, v26;
	[tilespmem:v24+s31+$0x0] =	vst.idx.msk $0xffff, v25;
	v25 =	vadd.f32 v23, v19;
	(pc) =	sbr.rel @p1 .LBB2_3-.Ltmp0, $4  }
0x5c: {  	v24 =	vor.u32 s18, v26;
	v23 =	vld [tilespmem:s17+$0x0];
	s17 =	smov.u32 s26  }
0x5d: {  	s28 =	sadd.s32 $0x10, s25;
	s25 =	smov.u32 s18;
	[tilespmem:v21+s31+$0x0] =	vst.idx.msk $0xffff, v25  }
0x5e: {  	v21 =	vor.u32 s28, v20;
	v20 =	vmov v26  }
0x5f: {  	s26 =	sadd.s32 $0x20, s26;
	v25 =	vadd.f32 v27, v18  }
0x60: {  	_ =	sdelay $0x3  }
0x61: {  	[tilespmem:v24+s31+$0x0] =	vst.idx.msk $0xffff, v25  }
0x62: {  	v24 =	vmov s4;
	v18 =	vld [tilespmem:s17+$0x0]  }
0x63: {  	s17 =	sadd.s32 $0x10, s25;
	v24 =	vshll.u32 v24, $0x5  }
0x64: {  	v20 =	vor.u32 s17, v20;
	v61 =	vor.u32 v1, v24  }
0x65: {  	v24 =	vor.u32 v0, v61  }
0x66: {  	v23 =	vadd.f32 v23, v19  }
0x67: {  	v18 =	vadd.f32 v18, v19  }
0x68: {  	[tilespmem:v21+s31+$0x0] =	vst.idx.msk $0xffff, v23  }
0x69: {  	[tilespmem:v20+s31+$0x0] =	vst.idx.msk $0xffff, v18  }
0x6a: {  	v18 =	vld.idx.msk [tilespmem:v24+s31+$0x0], $0xffff  }
0x6b: {  	v19 =	vor.u32 v2, v61;
	_ =	sdelay $0x2  }
0x6c: {  	s4 =	simm.s32 $0xE400  }
0x6d: {  	[tilespmem:s4+$0xFFFFE000] =	vst v18  }
0x6e: {  	v18 =	vld.idx.msk [tilespmem:v19+s31+$0x0], $0xffff  }
0x6f: {  	v19 =	vor.u32 v3, v61;
	_ =	sdelay $0x3  }
0x70: {  	[tilespmem:s4+$0xFFFFE200] =	vst v18  }
0x71: {  	v18 =	vld.idx.msk [tilespmem:v19+s31+$0x0], $0xffff  }
0x72: {  	v19 =	vor.u32 v4, v61;
	_ =	sdelay $0x3  }
0x73: {  	[tilespmem:s4+$0xFFFFE400] =	vst v18  }
0x74: {  	s18 =	simm.s32 $0x10;
	v18 =	vld.idx.msk [tilespmem:v19+s31+$0x0], $0xffff  }
0x75: {  	v20 =	vmov s18;
	v19 =	vor.u32 v5, v61  }
0x76: {  	v20 =	vshll.u32 v20, $0x5  }
0x77: {  	v53 =	vor.u32 v1, v20  }
0x78: {  	v20 =	vor.u32 v0, v53  }
0x79: {  	[tilespmem:s4+$0xFFFFE600] =	vst v18  }
0x7a: {  	v18 =	vld.idx.msk [tilespmem:v19+s31+$0x0], $0xffff  }
0x7b: {  	v19 =	vor.u32 v6, v61;
	_ =	sdelay $0x1  }
0x7c: {  	v20 =	vld.idx.msk [tilespmem:v20+s31+$0x0], $0xffff  }
0x7d: {  	v21 =	vor.u32 v2, v53  }
0x7e: {  	[tilespmem:s4+$0xFFFFE800] =	vst v18  }
0x7f: {  	v18 =	vld.idx.msk [tilespmem:v19+s31+$0x0], $0xffff  }
0x80: {  	s26 =	simm.s32 $0xE410;
	v19 =	vor.u32 v7, v61  }
0x81: {  	[tilespmem:s26+$0xFFFFE000] =	vst v20  }
0x82: {  	v20 =	vld.idx.msk [tilespmem:v21+s31+$0x0], $0xffff  }
0x83: {  	v21 =	vor.u32 v3, v53  }
0x84: {  	[tilespmem:s4+$0xFFFFEA00] =	vst v18  }
0x85: {  	v18 =	vld.idx.msk [tilespmem:v19+s31+$0x0], $0xffff  }
0x86: {  	v19 =	vor.u32 v8, v61  }
0x87: {  	[tilespmem:s26+$0xFFFFE200] =	vst v20  }
0x88: {  	v20 =	vld.idx.msk [tilespmem:v21+s31+$0x0], $0xffff  }
0x89: {  	v21 =	vor.u32 v4, v53  }
0x8a: {  	[tilespmem:s4+$0xFFFFEC00] =	vst v18  }
0x8b: {  	v18 =	vld.idx.msk [tilespmem:v19+s31+$0x0], $0xffff  }
0x8c: {  	v19 =	vor.u32 v9, v61  }
0x8d: {  	[tilespmem:s26+$0xFFFFE400] =	vst v20  }
0x8e: {  	v20 =	vld.idx.msk [tilespmem:v21+s31+$0x0], $0xffff  }
0x8f: {  	s22 =	simm.s32 $0x20;
	v21 =	vor.u32 v5, v53  }
0x90: {  	[tilespmem:s4+$0xFFFFEE00] =	vst v18;
	v18 =	vmov s22  }
0x91: {  	v19 =	vld.idx.msk [tilespmem:v19+s31+$0x0], $0xffff;
	v18 =	vshll.u32 v18, $0x5  }
0x92: {  	v55 =	vor.u32 v1, v18;
	v18 =	vor.u32 v10, v61  }
0x93: {  	[tilespmem:s26+$0xFFFFE600] =	vst v20;
	v23 =	vor.u32 v0, v55  }
0x94: {  	v20 =	vld.idx.msk [tilespmem:v21+s31+$0x0], $0xffff  }
0x95: {  	v21 =	vor.u32 v6, v53  }
0x96: {  	[tilespmem:s4+$0xFFFFF000] =	vst v19  }
0x97: {  	v18 =	vld.idx.msk [tilespmem:v18+s31+$0x0], $0xffff  }
0x98: {  	v19 =	vld.idx.msk [tilespmem:v23+s31+$0x0], $0xffff;
	v23 =	vor.u32 v11, v61  }
0x99: {  	[tilespmem:s26+$0xFFFFE800] =	vst v20;
	v24 =	vor.u32 v2, v55  }
0x9a: {  	v20 =	vld.idx.msk [tilespmem:v21+s31+$0x0], $0xffff  }
0x9b: {  	v21 =	vor.u32 v7, v53  }
0x9c: {  	s22 =	simm.s32 $0xE420;
	[tilespmem:s4+$0xFFFFF200] =	vst v18  }
0x9d: {  	[tilespmem:s22+$0xFFFFE000] =	vst v19;
	v18 =	vld.idx.msk [tilespmem:v23+s31+$0x0], $0xffff  }
0x9e: {  	v23 =	vor.u32 v12, v61;
	v19 =	vld.idx.msk [tilespmem:v24+s31+$0x0], $0xffff  }
0x9f: {  	[tilespmem:s26+$0xFFFFEA00] =	vst v20;
	v24 =	vor.u32 v3, v55  }
0xa0: {  	v20 =	vld.idx.msk [tilespmem:v21+s31+$0x0], $0xffff  }
0xa1: {  	v21 =	vor.u32 v8, v53  }
0xa2: {  	[tilespmem:s4+$0xFFFFF400] =	vst v18  }
0xa3: {  	[tilespmem:s22+$0xFFFFE200] =	vst v19;
	v18 =	vld.idx.msk [tilespmem:v23+s31+$0x0], $0xffff  }
0xa4: {  	v23 =	vor.u32 v13, v61;
	v19 =	vld.idx.msk [tilespmem:v24+s31+$0x0], $0xffff  }
0xa5: {  	[tilespmem:s26+$0xFFFFEC00] =	vst v20;
	v24 =	vor.u32 v4, v55  }
0xa6: {  	v20 =	vld.idx.msk [tilespmem:v21+s31+$0x0], $0xffff  }
0xa7: {  	v21 =	vor.u32 v9, v53  }
0xa8: {  	[tilespmem:s4+$0xFFFFF600] =	vst v18  }
0xa9: {  	[tilespmem:s22+$0xFFFFE400] =	vst v19;
	v18 =	vld.idx.msk [tilespmem:v23+s31+$0x0], $0xffff  }
0xaa: {  	s25 =	simm.s32 $0x30;
	v23 =	vor.u32 v14, v61;
	v19 =	vld.idx.msk [tilespmem:v24+s31+$0x0], $0xffff  }
0xab: {  	[tilespmem:s26+$0xFFFFEE00] =	vst v20;
	v20 =	vmov s25;
	v24 =	vor.u32 v5, v55  }
0xac: {  	v21 =	vld.idx.msk [tilespmem:v21+s31+$0x0], $0xffff;
	v20 =	vshll.u32 v20, $0x5  }
0xad: {  	v56 =	vor.u32 v1, v20;
	v20 =	vor.u32 v10, v53  }
0xae: {  	[tilespmem:s4+$0xFFFFF800] =	vst v18;
	v18 =	vor.u32 v0, v56  }
0xaf: {  	[tilespmem:s22+$0xFFFFE600] =	vst v19;
	v19 =	vld.idx.msk [tilespmem:v23+s31+$0x0], $0xffff  }
0xb0: {  	v23 =	vld.idx.msk [tilespmem:v24+s31+$0x0], $0xffff;
	v24 =	vor.u32 v15, v61  }
0xb1: {  	v25 =	vor.u32 v6, v55;
	[tilespmem:s26+$0xFFFFF000] =	vst v21  }
0xb2: {  	v20 =	vld.idx.msk [tilespmem:v20+s31+$0x0], $0xffff  }
0xb3: {  	v21 =	vor.u32 v11, v53;
	v18 =	vld.idx.msk [tilespmem:v18+s31+$0x0], $0xffff  }
0xb4: {  	[tilespmem:s4+$0xFFFFFA00] =	vst v19;
	v19 =	vor.u32 v2, v56  }
0xb5: {  	[tilespmem:s22+$0xFFFFE800] =	vst v23;
	v23 =	vld.idx.msk [tilespmem:v24+s31+$0x0], $0xffff  }
0xb6: {  	v24 =	vld.idx.msk [tilespmem:v25+s31+$0x0], $0xffff;
	v25 =	vor.u32 v16, v61  }
0xb7: {  	v26 =	vor.u32 v7, v55;
	s25 =	simm.s32 $0xE430;
	[tilespmem:s26+$0xFFFFF200] =	vst v20  }
0xb8: {  	[tilespmem:s25+$0xFFFFE000] =	vst v18;
	v18 =	vld.idx.msk [tilespmem:v21+s31+$0x0], $0xffff  }
0xb9: {  	v20 =	vor.u32 v12, v53;
	v19 =	vld.idx.msk [tilespmem:v19+s31+$0x0], $0xffff  }
0xba: {  	v21 =	vor.u32 v3, v56;
	[tilespmem:s4+$0xFFFFFC00] =	vst v23  }
0xbb: {  	[tilespmem:s22+$0xFFFFEA00] =	vst v24;
	v23 =	vld.idx.msk [tilespmem:v25+s31+$0x0], $0xffff  }
0xbc: {  	v25 =	vor.u32 v17, v61;
	v24 =	vld.idx.msk [tilespmem:v26+s31+$0x0], $0xffff  }
0xbd: {  	v26 =	vor.u32 v8, v55;
	[tilespmem:s26+$0xFFFFF400] =	vst v18  }
0xbe: {  	[tilespmem:s25+$0xFFFFE200] =	vst v19;
	v18 =	vld.idx.msk [tilespmem:v20+s31+$0x0], $0xffff  }
0xbf: {  	v20 =	vor.u32 v13, v53;
	v19 =	vld.idx.msk [tilespmem:v21+s31+$0x0], $0xffff  }
0xc0: {  	v21 =	vor.u32 v4, v56;
	[tilespmem:s4+$0xFFFFFE00] =	vst v23  }
0xc1: {  	[tilespmem:s22+$0xFFFFEC00] =	vst v24;
	v23 =	vld.idx.msk [tilespmem:v25+s31+$0x0], $0xffff  }
0xc2: {  	v25 =	vor.u32 v22, v61;
	v24 =	vld.idx.msk [tilespmem:v26+s31+$0x0], $0xffff  }
0xc3: {  	v26 =	vor.u32 v9, v55;
	[tilespmem:s26+$0xFFFFF600] =	vst v18  }
0xc4: {  	[tilespmem:s25+$0xFFFFE400] =	vst v19;
	v18 =	vld.idx.msk [tilespmem:v20+s31+$0x0], $0xffff  }
0xc5: {  	v20 =	vor.u32 v14, v53;
	v19 =	vld.idx.msk [tilespmem:v21+s31+$0x0], $0xffff  }
0xc6: {  	s18 =	simm.s32 $0x40;
	v21 =	vor.u32 v5, v56;
	[tilespmem:s4+$0x0] =	vst v23  }
0xc7: {  	[tilespmem:s22+$0xFFFFEE00] =	vst v24;
	v23 =	vld.idx.msk [tilespmem:v25+s31+$0x0], $0xffff;
	v24 =	vmov s18  }
0xc8: {  	v25 =	vld.idx.msk [tilespmem:v26+s31+$0x0], $0xffff;
	v24 =	vshll.u32 v24, $0x5;
	v26 =	vor.u32 v35, v61  }
0xc9: {  	v57 =	vor.u32 v1, v24;
	v24 =	vor.u32 v10, v55;
	[tilespmem:s26+$0xFFFFF800] =	vst v18  }
0xca: {  	v18 =	vor.u32 v0, v57;
	[tilespmem:s25+$0xFFFFE600] =	vst v19;
	v19 =	vld.idx.msk [tilespmem:v20+s31+$0x0], $0xffff  }
0xcb: {  	v20 =	vld.idx.msk [tilespmem:v21+s31+$0x0], $0xffff;
	v21 =	vor.u32 v15, v53  }
0xcc: {  	[tilespmem:s4+$0x200] =	vst v23;
	v23 =	vor.u32 v6, v56  }
0xcd: {  	[tilespmem:s22+$0xFFFFF000] =	vst v25;
	v25 =	vld.idx.msk [tilespmem:v26+s31+$0x0], $0xffff  }
0xce: {  	v26 =	vor.u32 v38, v61;
	v24 =	vld.idx.msk [tilespmem:v24+s31+$0x0], $0xffff  }
0xcf: {  	v27 =	vor.u32 v11, v55;
	v18 =	vld.idx.msk [tilespmem:v18+s31+$0x0], $0xffff;
	[tilespmem:s26+$0xFFFFFA00] =	vst v19  }
0xd0: {  	v19 =	vor.u32 v2, v57;
	[tilespmem:s25+$0xFFFFE800] =	vst v20;
	v20 =	vld.idx.msk [tilespmem:v21+s31+$0x0], $0xffff  }
0xd1: {  	v21 =	vld.idx.msk [tilespmem:v23+s31+$0x0], $0xffff;
	v23 =	vor.u32 v16, v53  }
0xd2: {  	[tilespmem:s4+$0x400] =	vst v25;
	v25 =	vor.u32 v7, v56  }
0xd3: {  	s28 =	simm.s32 $0xE440;
	[tilespmem:s22+$0xFFFFF200] =	vst v24;
	v24 =	vld.idx.msk [tilespmem:v26+s31+$0x0], $0xffff  }
0xd4: {  	[tilespmem:s28+$0xFFFFE000] =	vst v18;
	v18 =	vld.idx.msk [tilespmem:v27+s31+$0x0], $0xffff  }
0xd5: {  	v19 =	vld.idx.msk [tilespmem:v19+s31+$0x0], $0xffff;
	[tilespmem:s26+$0xFFFFFC00] =	vst v20  }
0xd6: {  	[tilespmem:s25+$0xFFFFEA00] =	vst v21;
	v21 =	vld.idx.msk [tilespmem:v23+s31+$0x0], $0xffff  }
0xd7: {  	v20 =	vor.u32 v3, v57;
	v23 =	vld.idx.msk [tilespmem:v25+s31+$0x0], $0xffff  }
0xd8: {  	[tilespmem:s4+$0x600] =	vst v24  }
0xd9: {  	[tilespmem:s22+$0xFFFFF400] =	vst v18  }
0xda: {  	v26 =	vor.u32 v41, v61;
	[tilespmem:s28+$0xFFFFE200] =	vst v19  }
0xdb: {  	v27 =	vor.u32 v12, v55;
	[tilespmem:s26+$0xFFFFFE00] =	vst v21  }
0xdc: {  	v25 =	vor.u32 v17, v53;
	v28 =	vld.idx.msk [tilespmem:v20+s31+$0x0], $0xffff;
	[tilespmem:s25+$0xFFFFEC00] =	vst v23  }
0xdd: {  	v19 =	vld [tilespmem:$0x1FF00]  }
0xde: {  	v20 =	vld [tilespmem:$0x1FF10]  }
0xdf: {  	v18 =	vld.idx.msk [tilespmem:v26+s31+$0x0], $0xffff  }
0xe0: {  	v26 =	vld.idx.msk [tilespmem:v27+s31+$0x0], $0xffff  }
0xe1: {  	v24 =	vor.u32 v8, v56;
	v23 =	vld.idx.msk [tilespmem:v25+s31+$0x0], $0xffff  }
0xe2: {  	v25 =	vld [tilespmem:$0x1FF20]  }
0xe3: {  	v19 =	vsel vm0, v20, v19;
	v20 =	vld [tilespmem:$0x1FEF0];
	_ =	sdelay $0x2  }
0xe4: {  	v24 =	vld.idx.msk [tilespmem:v24+s31+$0x0], $0xffff  }
0xe5: {  	[tilespmem:s4+$0x800] =	vst v18  }
0xe6: {  	v44 =	vcombine.low v43, v42;
	[tilespmem:s22+$0xFFFFF600] =	vst v26;
	v20 =	vsel vm0, v20, v25;
	v25 =	vor.u32 v22, v53  }
0xe7: {  	[tilespmem:s28+$0xFFFFE400] =	vst v28  }
0xe8: {  	v27 =	vor.u32 v44, v61;
	[tilespmem:s26+$0x0] =	vst v23  }
0xe9: {  	v29 =	vor.u32 v13, v55;
	[tilespmem:s25+$0xFFFFEE00] =	vst v24  }
0xea: {  	v21 =	vor.u32 v4, v57;
	v30 =	vld [tilespmem:$0x1FF70]  }
0xeb: {  	v24 =	vld.idx.msk [tilespmem:v25+s31+$0x0], $0xffff  }
0xec: {  	v18 =	vor.u32 v9, v56;
	v25 =	vld [tilespmem:$0x1FF60]  }
0xed: {  	v26 =	vld.idx.msk [tilespmem:v27+s31+$0x0], $0xffff  }
0xee: {  	v27 =	vld.idx.msk [tilespmem:v29+s31+$0x0], $0xffff  }
0xef: {  	v21 =	vld.idx.msk [tilespmem:v21+s31+$0x0], $0xffff;
	v45 =	vcombine.low v20, v19  }
0xf0: {  	v31 =	vld [tilespmem:$0x1FF80]  }
0xf1: {  	v28 =	vor.u32 v45, v61;
	v54 =	vsel vm0, v30, v25;
	v30 =	vld.idx.msk [tilespmem:v18+s31+$0x0], $0xffff  }
0xf2: {  	v29 =	vor.u32 v14, v55;
	v18 =	vld [tilespmem:$0x1FF50]  }
0xf3: {  	v23 =	vor.u32 v5, v57  }
0xf4: {  	[tilespmem:s4+$0xA00] =	vst v26  }
0xf5: {  	[tilespmem:s22+$0xFFFFF800] =	vst v27  }
0xf6: {  	s18 =	simm.s32 $0x50;
	[tilespmem:s28+$0xFFFFE600] =	vst v21;
	v26 =	vld.idx.msk [tilespmem:v28+s31+$0x0], $0xffff  }
0xf7: {  	v25 =	vmov s18;
	[tilespmem:s26+$0x200] =	vst v24;
	v21 =	vld.idx.msk [tilespmem:v29+s31+$0x0], $0xffff;
	v18 =	vsel vm0, v18, v31;
	v31 =	vor.u32 v35, v53  }
0xf8: {  	v25 =	vshll.u32 v25, $0x5;
	v23 =	vld.idx.msk [tilespmem:v23+s31+$0x0], $0xffff;
	[tilespmem:s25+$0xFFFFF000] =	vst v30  }
0xf9: {  	v58 =	vor.u32 v1, v25;
	v25 =	vor.u32 v10, v56;
	v32 =	vld [tilespmem:$0x1FFD0]  }
0xfa: {  	v27 =	vor.u32 v0, v58;
	v46 =	vcombine.low v18, v54;
	v33 =	vld [tilespmem:$0x1FFB0]  }
0xfb: {  	v34 =	vld [tilespmem:$0x1FFE0]  }
0xfc: {  	v28 =	vor.u32 v46, v61;
	v30 =	vld.idx.msk [tilespmem:v31+s31+$0x0], $0xffff  }
0xfd: {  	v31 =	vld [tilespmem:$0x1FFC0]  }
0xfe: {  	v29 =	vor.u32 v15, v55;
	v25 =	vld.idx.msk [tilespmem:v25+s31+$0x0], $0xffff  }
0xff: {  	v24 =	vor.u32 v6, v57;
	v27 =	vld.idx.msk [tilespmem:v27+s31+$0x0], $0xffff  }
0x100: {  	[tilespmem:s4+$0xC00] =	vst v26;
	v26 =	vor.u32 v11, v56  }
0x101: {  	v60 =	vor.u32 v38, v53;
	[tilespmem:s22+$0xFFFFFA00] =	vst v21;
	v21 =	vld.idx.msk [tilespmem:v28+s31+$0x0], $0xffff  }
0x102: {  	[tilespmem:s28+$0xFFFFE800] =	vst v23;
	v33 =	vsel vm0, v33, v34;
	v31 =	vsel vm0, v32, v31  }
0x103: {  	s29 =	simm.s32 $0xE450;
	v23 =	vld.idx.msk [tilespmem:v29+s31+$0x0], $0xffff;
	[tilespmem:s25+$0xFFFFF200] =	vst v25;
	v47 =	vcombine.low v33, v31  }
0x104: {  	v24 =	vld.idx.msk [tilespmem:v24+s31+$0x0], $0xffff;
	v28 =	vor.u32 v2, v58;
	[tilespmem:s29+$0xFFFFE000] =	vst v27  }
0x105: {  	[tilespmem:s26+$0x400] =	vst v30;
	v26 =	vld.idx.msk [tilespmem:v26+s31+$0x0], $0xffff;
	v29 =	vor.u32 v47, v61  }
0x106: {  	v25 =	vld.idx.msk [tilespmem:v60+s31+$0x0], $0xffff;
	[tilespmem:s4+$0xE00] =	vst v21  }
0x107: {  	v30 =	vor.u32 v7, v57;
	v62 =	vld [tilespmem:$0x1FED0]  }
0x108: {  	v31 =	vor.u32 v16, v55;
	v63 =	vld [tilespmem:$0x1FEE0]  }
0x109: {  	v27 =	vor.u32 v41, v53;
	v28 =	vld.idx.msk [tilespmem:v28+s31+$0x0], $0xffff  }
0x10a: {  	[tilespmem:s22+$0xFFFFFC00] =	vst v23;
	v23 =	vld.idx.msk [tilespmem:v29+s31+$0x0], $0xffff;
	v29 =	vor.u32 v3, v58  }
0x10b: {  	[tilespmem:s28+$0xFFFFEA00] =	vst v24  }
0x10c: {  	v30 =	vld.idx.msk [tilespmem:v30+s31+$0x0], $0xffff;
	[tilespmem:s25+$0xFFFFF400] =	vst v26  }
0x10d: {  	v21 =	vor.u32 v12, v56;
	v24 =	vld.idx.msk [tilespmem:v31+s31+$0x0], $0xffff;
	[tilespmem:s26+$0x600] =	vst v25;
	v48 =	vcombine.low v62, v63  }
0x10e: {  	v26 =	vld.idx.msk [tilespmem:v27+s31+$0x0], $0xffff;
	[tilespmem:s29+$0xFFFFE200] =	vst v28  }
0x10f: {  	v31 =	vor.u32 v48, v61;
	v28 =	vld.idx.msk [tilespmem:v29+s31+$0x0], $0xffff;
	[tilespmem:s4+$0x1000] =	vst v23  }
0x110: {  	v29 =	vld [tilespmem:$0x1FF30]  }
0x111: {  	v37 =	vld [tilespmem:$0x1FF40]  }
0x112: {  	v21 =	vld.idx.msk [tilespmem:v21+s31+$0x0], $0xffff  }
0x113: {  	v36 =	vor.u32 v17, v55  }
0x114: {  	v25 =	vor.u32 v8, v57;
	[tilespmem:s22+$0xFFFFFE00] =	vst v24;
	v24 =	vld.idx.msk [tilespmem:v31+s31+$0x0], $0xffff  }
0x115: {  	[tilespmem:s28+$0xFFFFEC00] =	vst v30  }
0x116: {  	[tilespmem:s26+$0x800] =	vst v26;
	v49 =	vcombine.low v29, v37;
	v29 =	vor.u32 v4, v58  }
0x117: {  	[tilespmem:s25+$0xFFFFF600] =	vst v21  }
0x118: {  	v27 =	vor.u32 v44, v53;
	v30 =	vld.idx.msk [tilespmem:v36+s31+$0x0], $0xffff;
	[tilespmem:s29+$0xFFFFE400] =	vst v28  }
0x119: {  	v23 =	vor.u32 v13, v56;
	v25 =	vld.idx.msk [tilespmem:v25+s31+$0x0], $0xffff;
	[tilespmem:s4+$0x1200] =	vst v24  }
0x11a: {  	v52 =	vld [tilespmem:$0x1FFA0]  }
0x11b: {  	v39 =	vor.u32 v22, v55;
	v28 =	vld.idx.msk [tilespmem:v29+s31+$0x0], $0xffff  }
0x11c: {  	v31 =	vor.u32 v49, v61;
	v29 =	vld [tilespmem:$0x1FF90]  }
0x11d: {  	v21 =	vld.idx.msk [tilespmem:v27+s31+$0x0], $0xffff  }
0x11e: {  	v23 =	vld.idx.msk [tilespmem:v23+s31+$0x0], $0xffff  }
0x11f: {  	v26 =	vor.u32 v9, v57;
	[tilespmem:s22+$0x0] =	vst v30  }
0x120: {  	v27 =	vor.u32 v45, v53;
	[tilespmem:s28+$0xFFFFEE00] =	vst v25;
	v25 =	vld.idx.msk [tilespmem:v39+s31+$0x0], $0xffff  }
0x121: {  	v24 =	vor.u32 v14, v56;
	v50 =	vcombine.low v29, v52;
	v29 =	vld.idx.msk [tilespmem:v31+s31+$0x0], $0xffff  }
0x122: {  	[tilespmem:s26+$0xA00] =	vst v21  }
0x123: {  	v30 =	vor.u32 v5, v58;
	[tilespmem:s25+$0xFFFFF800] =	vst v23  }
0x124: {  	s18 =	simm.s32 $0x60;
	v36 =	vor.u32 v35, v55;
	v26 =	vld.idx.msk [tilespmem:v26+s31+$0x0], $0xffff;
	[tilespmem:s29+$0xFFFFE600] =	vst v28  }
0x125: {  	v23 =	vld.idx.msk [tilespmem:v27+s31+$0x0], $0xffff;
	v31 =	vmov s18;
	[tilespmem:s22+$0x200] =	vst v25;
	v59 =	vor.u32 v50, v61  }
0x126: {  	v21 =	vor.u32 v10, v57;
	v24 =	vld.idx.msk [tilespmem:v24+s31+$0x0], $0xffff;
	v31 =	vshll.u32 v31, $0x5;
	[tilespmem:s4+$0x1400] =	vst v29  }
0x127: {  	v62 =	vor.u32 v1, v31;
	v31 =	vld [tilespmem:$0x1FFF0]  }
0x128: {  	v28 =	vld.idx.msk [tilespmem:v30+s31+$0x0], $0xffff;
	v30 =	vor.u32 v46, v53  }
0x129: {  	v27 =	vor.u32 v0, v62;
	[tilespmem:s28+$0xFFFFF000] =	vst v26;
	v26 =	vld.idx.msk [tilespmem:v36+s31+$0x0], $0xffff  }
0x12a: {  	v29 =	vor.u32 v15, v56;
	v25 =	vld.idx.msk [tilespmem:v59+s31+$0x0], $0xffff  }
0x12b: {  	v39 =	vor.u32 v38, v55;
	[tilespmem:s26+$0xC00] =	vst v23;
	v21 =	vld.idx.msk [tilespmem:v21+s31+$0x0], $0xffff  }
0x12c: {  	v23 =	vor.u32 v11, v57;
	[tilespmem:s25+$0xFFFFFA00] =	vst v24;
	v51 =	vcombine.low v31, v40  }
0x12d: {  	[tilespmem:s29+$0xFFFFE800] =	vst v28;
	v24 =	vld.idx.msk [tilespmem:v30+s31+$0x0], $0xffff;
	v31 =	vor.u32 v6, v58  }
0x12e: {  	v27 =	vld.idx.msk [tilespmem:v27+s31+$0x0], $0xffff;
	[tilespmem:s22+$0x400] =	vst v26;
	v37 =	vor.u32 v51, v61  }
0x12f: {  	v30 =	vor.u32 v2, v62;
	v28 =	vld.idx.msk [tilespmem:v29+s31+$0x0], $0xffff;
	[tilespmem:s4+$0x1600] =	vst v25  }
0x130: {  	v25 =	vor.u32 v16, v56;
	[tilespmem:s28+$0xFFFFF200] =	vst v21;
	v21 =	vld.idx.msk [tilespmem:v39+s31+$0x0], $0xffff  }
0x131: {  	v60 =	vor.u32 v41, v55;
	v23 =	vld.idx.msk [tilespmem:v23+s31+$0x0], $0xffff  }
0x132: {  	s17 =	simm.s32 $0xE460;
	v52 =	vcombine.low v42, v43;
	[tilespmem:s26+$0xE00] =	vst v24;
	v29 =	vld.idx.msk [tilespmem:v31+s31+$0x0], $0xffff;
	v31 =	vor.u32 v47, v53  }
0x133: {  	v59 =	vor.u32 v7, v58;
	[tilespmem:s17+$0xFFFFE000] =	vst v27;
	v26 =	vld.idx.msk [tilespmem:v37+s31+$0x0], $0xffff  }
0x134: {  	v27 =	vor.u32 v52, v61;
	v30 =	vld.idx.msk [tilespmem:v30+s31+$0x0], $0xffff;
	[tilespmem:s25+$0xFFFFFC00] =	vst v28  }
0x135: {  	v25 =	vld.idx.msk [tilespmem:v25+s31+$0x0], $0xffff;
	[tilespmem:s22+$0x600] =	vst v21  }
0x136: {  	v24 =	vor.u32 v12, v57;
	[tilespmem:s28+$0xFFFFF400] =	vst v23;
	v23 =	vld.idx.msk [tilespmem:v60+s31+$0x0], $0xffff  }
0x137: {  	v28 =	vld.idx.msk [tilespmem:v31+s31+$0x0], $0xffff;
	v31 =	vor.u32 v3, v62;
	[tilespmem:s29+$0xFFFFEA00] =	vst v29  }
0x138: {  	v63 =	vor.u32 v48, v53;
	v29 =	vld.idx.msk [tilespmem:v59+s31+$0x0], $0xffff;
	[tilespmem:s4+$0x1800] =	vst v26  }
0x139: {  	v26 =	vor.u32 v17, v56;
	v21 =	vld.idx.msk [tilespmem:v27+s31+$0x0], $0xffff;
	v27 =	vcombine.low v19, v20  }
0x13a: {  	[tilespmem:s17+$0xFFFFE200] =	vst v30;
	v59 =	vor.u32 v8, v58  }
0x13b: {  	v24 =	vld.idx.msk [tilespmem:v24+s31+$0x0], $0xffff;
	[tilespmem:s25+$0xFFFFFE00] =	vst v25;
	v27 =	vor.u32 v27, v61  }
0x13c: {  	v30 =	vld.idx.msk [tilespmem:v31+s31+$0x0], $0xffff;
	v31 =	vor.u32 v44, v55;
	[tilespmem:s26+$0x1000] =	vst v28  }
0x13d: {  	[tilespmem:s22+$0x800] =	vst v23;
	v28 =	vor.u32 v13, v57;
	v25 =	vld.idx.msk [tilespmem:v63+s31+$0x0], $0xffff  }
0x13e: {  	v36 =	vor.u32 v4, v62;
	[tilespmem:s29+$0xFFFFEC00] =	vst v29;
	v26 =	vld.idx.msk [tilespmem:v26+s31+$0x0], $0xffff  }
0x13f: {  	v39 =	vor.u32 v49, v53;
	v37 =	vld.idx.msk [tilespmem:v59+s31+$0x0], $0xffff;
	[tilespmem:s4+$0x1A00] =	vst v21  }
0x140: {  	[tilespmem:s28+$0xFFFFF600] =	vst v24;
	v24 =	vcombine.low v54, v18;
	v21 =	vor.u32 v22, v56;
	v60 =	vld.idx.msk [tilespmem:v27+s31+$0x0], $0xffff  }
0x141: {  	v63 =	vor.u32 v9, v58;
	v23 =	vld.idx.msk [tilespmem:v31+s31+$0x0], $0xffff;
	[tilespmem:s17+$0xFFFFE400] =	vst v30  }
0x142: {  	v29 =	vld.idx.msk [tilespmem:v28+s31+$0x0], $0xffff;
	v28 =	vor.u32 v24, v61;
	[tilespmem:s26+$0x1200] =	vst v25  }
0x143: {  	v32 =	vld.idx.msk [tilespmem:v36+s31+$0x0], $0xffff;
	[tilespmem:s25+$0x0] =	vst v26;
	v26 =	vor.u32 v45, v55  }
0x144: {  	v30 =	vor.u32 v14, v57;
	v27 =	vld.idx.msk [tilespmem:v39+s31+$0x0], $0xffff  }
0x145: {  	s18 =	simm.s32 $0x70;
	v33 =	vor.u32 v5, v62;
	v59 =	vmov v19;
	[tilespmem:s29+$0xFFFFEE00] =	vst v37;
	v24 =	vld.idx.msk [tilespmem:v21+s31+$0x0], $0xffff  }
0x146: {  	v61 =	vmovc v18;
	v25 =	vor.u32 v50, v53;
	v21 =	vmov s18;
	s18 =	simm.s32 $0x80;
	v31 =	vld.idx.msk [tilespmem:v63+s31+$0x0], $0xffff;
	v63 =	vmovc v54;
	[tilespmem:s4+$0x1C00] =	vst v60;
	v60 =	vmov v20  }
.LBB2_5:
0x147: {  	p1 =	sne.s32 s18, $0x1F0;
	v21 =	vshll.u32 v21, $0x5;
	v34 =	vor.u32 v35, v56;
	[tilespmem:s22+$0xA00] =	vst v23;
	v23 =	vcombine.low v18, v54;
	v28 =	vld.idx.msk [tilespmem:v28+s31+$0x0], $0xffff  }
0x148: {  	v36 =	vor.u32 v10, v58;
	v21 =	vor.u32 v1, v21;
	[tilespmem:s28+$0xFFFFF800] =	vst v29;
	v26 =	vld.idx.msk [tilespmem:v26+s31+$0x0], $0xffff  }
0x149: {  	v29 =	vor.u32 v0, v21;
	[tilespmem:s17+$0xFFFFE600] =	vst v32;
	v30 =	vld.idx.msk [tilespmem:v30+s31+$0x0], $0xffff  }
0x14a: {  	v23 =	vor.u32 v23, v55;
	v32 =	vld.idx.msk [tilespmem:v33+s31+$0x0], $0xffff;
	[tilespmem:s26+$0x1400] =	vst v27  }
0x14b: {  	v27 =	vor.u32 v15, v57;
	[tilespmem:s25+$0x200] =	vst v24;
	v24 =	vld.idx.msk [tilespmem:v25+s31+$0x0], $0xffff  }
0x14c: {  	v25 =	vor.u32 v6, v62;
	[tilespmem:s29+$0xFFFFF000] =	vst v31;
	v31 =	vld.idx.msk [tilespmem:v34+s31+$0x0], $0xffff  }
0x14d: {  	v34 =	vor.u32 v51, v53;
	v33 =	vld.idx.msk [tilespmem:v36+s31+$0x0], $0xffff;
	[tilespmem:s4+$0x1E00] =	vst v28;
	s4 =	smov.u32 s26;
	s26 =	smov.u32 s22;
	s22 =	smov.u32 s25  }
0x14e: {  	s25 =	smov.u32 s28;
	s28 =	smov.u32 s29;
	s29 =	smov.u32 s17;
	v28 =	vld.idx.msk [tilespmem:v29+s31+$0x0], $0xffff;
	v29 =	vor.u32 v38, v56;
	[tilespmem:s26+$0xC00] =	vst v26  }
0x14f: {  	v26 =	vor.u32 v11, v58;
	[tilespmem:s25+$0xFFFFFA00] =	vst v30;
	v23 =	vld.idx.msk [tilespmem:v23+s31+$0x0], $0xffff  }
0x150: {  	v30 =	vor.u32 v2, v21;
	[tilespmem:s17+$0xFFFFE800] =	vst v32;
	v27 =	vld.idx.msk [tilespmem:v27+s31+$0x0], $0xffff  }
0x151: {  	v32 =	vor.u32 v47, v55;
	v25 =	vld.idx.msk [tilespmem:v25+s31+$0x0], $0xffff;
	[tilespmem:s4+$0x1600] =	vst v24  }
0x152: {  	v24 =	vor.u32 v16, v57;
	[tilespmem:s22+$0x400] =	vst v31;
	v31 =	vld.idx.msk [tilespmem:v34+s31+$0x0], $0xffff  }
0x153: {  	s17 =	sadd.s32 $0x10, s17;
	v34 =	vor.u32 v7, v62;
	[tilespmem:s28+$0xFFFFF200] =	vst v33;
	v29 =	vld.idx.msk [tilespmem:v29+s31+$0x0], $0xffff  }
0x154: {  	[tilespmem:s17+$0xFFFFE000] =	vst v28;
	v26 =	vld.idx.msk [tilespmem:v26+s31+$0x0], $0xffff;
	v28 =	vor.u32 v52, v53  }
0x155: {  	v33 =	vor.u32 v41, v56;
	v30 =	vld.idx.msk [tilespmem:v30+s31+$0x0], $0xffff;
	[tilespmem:s26+$0xE00] =	vst v23  }
0x156: {  	v23 =	vor.u32 v12, v58;
	[tilespmem:s25+$0xFFFFFC00] =	vst v27;
	v27 =	vld.idx.msk [tilespmem:v32+s31+$0x0], $0xffff  }
0x157: {  	v32 =	vor.u32 v3, v21;
	[tilespmem:s29+$0xFFFFEA00] =	vst v25;
	v24 =	vld.idx.msk [tilespmem:v24+s31+$0x0], $0xffff  }
0x158: {  	v25 =	vld.idx.msk [tilespmem:v34+s31+$0x0], $0xffff;
	v34 =	vor.u32 v48, v55;
	[tilespmem:s4+$0x1800] =	vst v31  }
0x159: {  	v31 =	vor.u32 v17, v57;
	[tilespmem:s22+$0x600] =	vst v29;
	v28 =	vld.idx.msk [tilespmem:v28+s31+$0x0], $0xffff;
	v29 =	vcombine.low v59, v60;
	v59 =	vmov v19  }
0x15a: {  	v36 =	vor.u32 v8, v62;
	v60 =	vmov v20;
	[tilespmem:s28+$0xFFFFF400] =	vst v26;
	v26 =	vld.idx.msk [tilespmem:v33+s31+$0x0], $0xffff  }
0x15b: {  	[tilespmem:s17+$0xFFFFE200] =	vst v30;
	v23 =	vld.idx.msk [tilespmem:v23+s31+$0x0], $0xffff;
	v29 =	vor.u32 v29, v53  }
0x15c: {  	v30 =	vld.idx.msk [tilespmem:v32+s31+$0x0], $0xffff;
	v32 =	vor.u32 v44, v56;
	[tilespmem:s26+$0x1000] =	vst v27  }
0x15d: {  	v27 =	vor.u32 v13, v58;
	[tilespmem:s25+$0xFFFFFE00] =	vst v24;
	v24 =	vld.idx.msk [tilespmem:v34+s31+$0x0], $0xffff  }
0x15e: {  	v33 =	vor.u32 v4, v21;
	[tilespmem:s29+$0xFFFFEC00] =	vst v25;
	v25 =	vld.idx.msk [tilespmem:v31+s31+$0x0], $0xffff  }
0x15f: {  	v34 =	vor.u32 v49, v55;
	v31 =	vld.idx.msk [tilespmem:v36+s31+$0x0], $0xffff;
	[tilespmem:s4+$0x1A00] =	vst v28  }
0x160: {  	v36 =	vor.u32 v22, v57;
	[tilespmem:s22+$0x800] =	vst v26;
	v37 =	vld.idx.msk [tilespmem:v29+s31+$0x0], $0xffff;
	v26 =	vcombine.low v63, v61;
	v63 =	vmov v54  }
0x161: {  	v39 =	vor.u32 v9, v62;
	v61 =	vmov v18;
	[tilespmem:s28+$0xFFFFF600] =	vst v23;
	v23 =	vld.idx.msk [tilespmem:v32+s31+$0x0], $0xffff  }
.Ltmp1:
0x162: {  	[tilespmem:s17+$0xFFFFE400] =	vst v30;
	v29 =	vld.idx.msk [tilespmem:v27+s31+$0x0], $0xffff;
	v28 =	vor.u32 v26, v53;
	v53 =	vmovc v55;
	v55 =	vmov v56;
	v56 =	vmov v57;
	(pc) =	sbr.rel @p1 .LBB2_5-.Ltmp1, $4  }
0x163: {  	v57 =	vmovc v58;
	v58 =	vmov v62;
	v62 =	vmov v21;
	v32 =	vld.idx.msk [tilespmem:v33+s31+$0x0], $0xffff;
	v26 =	vor.u32 v45, v55;
	[tilespmem:s26+$0x1200] =	vst v24  }
0x164: {  	v30 =	vor.u32 v14, v57;
	[tilespmem:s25+$0x0] =	vst v25;
	v27 =	vld.idx.msk [tilespmem:v34+s31+$0x0], $0xffff  }
0x165: {  	v33 =	vor.u32 v5, v62;
	[tilespmem:s29+$0xFFFFEE00] =	vst v31;
	v24 =	vld.idx.msk [tilespmem:v36+s31+$0x0], $0xffff  }
0x166: {  	v21 =	vmov s18;
	s18 =	sadd.s32 $0x10, s18;
	v25 =	vor.u32 v50, v53;
	v31 =	vld.idx.msk [tilespmem:v39+s31+$0x0], $0xffff;
	[tilespmem:s4+$0x1C00] =	vst v37  }
0x167: {  	v21 =	vshll.u32 v21, $0x5  }
0x168: {  	v21 =	vor.u32 v1, v21  }
0x169: {  	v34 =	vor.u32 v0, v21;
	_ =	sdelay $0x4  }
0x16a: {  	v34 =	vld.idx.msk [tilespmem:v34+s31+$0x0], $0xffff  }
0x16b: {  	v36 =	vor.u32 v2, v21;
	_ =	sdelay $0x2  }
0x16c: {  	s18 =	sadd.s32 $0x10, s17  }
0x16d: {  	[tilespmem:s18+$0xFFFFE000] =	vst v34  }
0x16e: {  	v34 =	vld.idx.msk [tilespmem:v36+s31+$0x0], $0xffff  }
0x16f: {  	v36 =	vor.u32 v3, v21;
	_ =	sdelay $0x3  }
0x170: {  	[tilespmem:s18+$0xFFFFE200] =	vst v34  }
0x171: {  	v34 =	vld.idx.msk [tilespmem:v36+s31+$0x0], $0xffff  }
0x172: {  	v36 =	vor.u32 v4, v21;
	_ =	sdelay $0x3  }
0x173: {  	[tilespmem:s18+$0xFFFFE400] =	vst v34  }
0x174: {  	v34 =	vld.idx.msk [tilespmem:v36+s31+$0x0], $0xffff  }
0x175: {  	v36 =	vor.u32 v5, v21;
	_ =	sdelay $0x1  }
0x176: {  	[tilespmem:s17+$0xFFFFE600] =	vst v32  }
0x177: {  	v32 =	vld.idx.msk [tilespmem:v33+s31+$0x0], $0xffff  }
0x178: {  	v33 =	vor.u32 v6, v62;
	[tilespmem:s18+$0xFFFFE600] =	vst v34  }
0x179: {  	v34 =	vld.idx.msk [tilespmem:v36+s31+$0x0], $0xffff  }
0x17a: {  	v36 =	vor.u32 v6, v21;
	_ =	sdelay $0x1  }
0x17b: {  	[tilespmem:s17+$0xFFFFE800] =	vst v32  }
0x17c: {  	v32 =	vld.idx.msk [tilespmem:v33+s31+$0x0], $0xffff  }
0x17d: {  	v33 =	vor.u32 v7, v62;
	[tilespmem:s18+$0xFFFFE800] =	vst v34  }
0x17e: {  	v34 =	vld.idx.msk [tilespmem:v36+s31+$0x0], $0xffff  }
0x17f: {  	v36 =	vor.u32 v7, v21;
	_ =	sdelay $0x1  }
0x180: {  	[tilespmem:s17+$0xFFFFEA00] =	vst v32  }
0x181: {  	v32 =	vld.idx.msk [tilespmem:v33+s31+$0x0], $0xffff  }
0x182: {  	v33 =	vor.u32 v8, v62;
	[tilespmem:s18+$0xFFFFEA00] =	vst v34  }
0x183: {  	v34 =	vld.idx.msk [tilespmem:v36+s31+$0x0], $0xffff  }
0x184: {  	v36 =	vor.u32 v8, v21;
	_ =	sdelay $0x1  }
0x185: {  	[tilespmem:s17+$0xFFFFEC00] =	vst v32  }
0x186: {  	v32 =	vld.idx.msk [tilespmem:v33+s31+$0x0], $0xffff  }
0x187: {  	v33 =	vor.u32 v9, v62;
	[tilespmem:s18+$0xFFFFEC00] =	vst v34  }
0x188: {  	v34 =	vld.idx.msk [tilespmem:v36+s31+$0x0], $0xffff;
	_ =	sdelay $0x1  }
0x189: {  	v36 =	vor.u32 v9, v21  }
0x18a: {  	[tilespmem:s17+$0xFFFFEE00] =	vst v32  }
0x18b: {  	v32 =	vor.u32 v10, v58;
	v33 =	vld.idx.msk [tilespmem:v33+s31+$0x0], $0xffff  }
0x18c: {  	[tilespmem:s18+$0xFFFFEE00] =	vst v34;
	v34 =	vor.u32 v10, v62;
	_ =	sdelay $0x1  }
0x18d: {  	v36 =	vld.idx.msk [tilespmem:v36+s31+$0x0], $0xffff  }
0x18e: {  	v37 =	vor.u32 v10, v21;
	[tilespmem:s29+$0xFFFFF000] =	vst v31  }
0x18f: {  	v31 =	vld.idx.msk [tilespmem:v32+s31+$0x0], $0xffff;
	[tilespmem:s17+$0xFFFFF000] =	vst v33  }
0x190: {  	v32 =	vor.u32 v11, v58;
	v33 =	vld.idx.msk [tilespmem:v34+s31+$0x0], $0xffff  }
0x191: {  	v34 =	vor.u32 v11, v62  }
0x192: {  	[tilespmem:s18+$0xFFFFF000] =	vst v36  }
0x193: {  	v36 =	vld.idx.msk [tilespmem:v37+s31+$0x0], $0xffff  }
0x194: {  	[tilespmem:s29+$0xFFFFF200] =	vst v31;
	v37 =	vor.u32 v11, v21  }
0x195: {  	v31 =	vld.idx.msk [tilespmem:v32+s31+$0x0], $0xffff;
	[tilespmem:s17+$0xFFFFF200] =	vst v33  }
0x196: {  	v32 =	vor.u32 v12, v58;
	v33 =	vld.idx.msk [tilespmem:v34+s31+$0x0], $0xffff  }
0x197: {  	v34 =	vor.u32 v12, v62  }
0x198: {  	[tilespmem:s18+$0xFFFFF200] =	vst v36  }
0x199: {  	v36 =	vld.idx.msk [tilespmem:v37+s31+$0x0], $0xffff  }
0x19a: {  	[tilespmem:s29+$0xFFFFF400] =	vst v31;
	v37 =	vor.u32 v12, v21  }
0x19b: {  	v31 =	vld.idx.msk [tilespmem:v32+s31+$0x0], $0xffff;
	[tilespmem:s17+$0xFFFFF400] =	vst v33  }
0x19c: {  	v32 =	vor.u32 v13, v58;
	v33 =	vld.idx.msk [tilespmem:v34+s31+$0x0], $0xffff  }
0x19d: {  	v34 =	vor.u32 v13, v62  }
0x19e: {  	[tilespmem:s18+$0xFFFFF400] =	vst v36  }
0x19f: {  	v36 =	vld.idx.msk [tilespmem:v37+s31+$0x0], $0xffff  }
0x1a0: {  	[tilespmem:s29+$0xFFFFF600] =	vst v31;
	v37 =	vor.u32 v13, v21  }
0x1a1: {  	v31 =	vld.idx.msk [tilespmem:v32+s31+$0x0], $0xffff;
	[tilespmem:s17+$0xFFFFF600] =	vst v33  }
0x1a2: {  	v32 =	vor.u32 v14, v58;
	v33 =	vld.idx.msk [tilespmem:v34+s31+$0x0], $0xffff  }
0x1a3: {  	[tilespmem:s28+$0xFFFFF800] =	vst v29;
	v34 =	vor.u32 v14, v62  }
0x1a4: {  	v29 =	vld.idx.msk [tilespmem:v30+s31+$0x0], $0xffff;
	[tilespmem:s18+$0xFFFFF600] =	vst v36  }
0x1a5: {  	v30 =	vor.u32 v15, v57;
	v36 =	vld.idx.msk [tilespmem:v37+s31+$0x0], $0xffff  }
0x1a6: {  	[tilespmem:s29+$0xFFFFF800] =	vst v31;
	v37 =	vor.u32 v14, v21  }
0x1a7: {  	v31 =	vld.idx.msk [tilespmem:v32+s31+$0x0], $0xffff;
	[tilespmem:s17+$0xFFFFF800] =	vst v33  }
0x1a8: {  	v32 =	vor.u32 v15, v58;
	v33 =	vld.idx.msk [tilespmem:v34+s31+$0x0], $0xffff  }
0x1a9: {  	[tilespmem:s28+$0xFFFFFA00] =	vst v29;
	v34 =	vor.u32 v15, v62  }
0x1aa: {  	v29 =	vld.idx.msk [tilespmem:v30+s31+$0x0], $0xffff;
	[tilespmem:s18+$0xFFFFF800] =	vst v36  }
0x1ab: {  	v30 =	vor.u32 v16, v57;
	v36 =	vld.idx.msk [tilespmem:v37+s31+$0x0], $0xffff  }
0x1ac: {  	[tilespmem:s29+$0xFFFFFA00] =	vst v31;
	v37 =	vor.u32 v15, v21  }
0x1ad: {  	v31 =	vld.idx.msk [tilespmem:v32+s31+$0x0], $0xffff;
	[tilespmem:s17+$0xFFFFFA00] =	vst v33  }
0x1ae: {  	v32 =	vor.u32 v16, v58;
	v33 =	vld.idx.msk [tilespmem:v34+s31+$0x0], $0xffff  }
0x1af: {  	[tilespmem:s28+$0xFFFFFC00] =	vst v29;
	v34 =	vor.u32 v16, v62  }
0x1b0: {  	v29 =	vld.idx.msk [tilespmem:v30+s31+$0x0], $0xffff;
	[tilespmem:s18+$0xFFFFFA00] =	vst v36  }
0x1b1: {  	v30 =	vor.u32 v17, v57;
	v36 =	vld.idx.msk [tilespmem:v37+s31+$0x0], $0xffff  }
0x1b2: {  	v28 =	vld.idx.msk [tilespmem:v28+s31+$0x0], $0xffff;
	[tilespmem:s29+$0xFFFFFC00] =	vst v31;
	v37 =	vor.u32 v16, v21  }
0x1b3: {  	v31 =	vld.idx.msk [tilespmem:v32+s31+$0x0], $0xffff;
	[tilespmem:s17+$0xFFFFFC00] =	vst v33  }
0x1b4: {  	v32 =	vor.u32 v17, v58;
	v33 =	vld.idx.msk [tilespmem:v34+s31+$0x0], $0xffff  }
0x1b5: {  	[tilespmem:s28+$0xFFFFFE00] =	vst v29;
	v34 =	vor.u32 v17, v62  }
0x1b6: {  	v29 =	vld.idx.msk [tilespmem:v30+s31+$0x0], $0xffff;
	[tilespmem:s18+$0xFFFFFC00] =	vst v36  }
0x1b7: {  	[tilespmem:s4+$0x1E00] =	vst v28;
	v36 =	vld.idx.msk [tilespmem:v37+s31+$0x0], $0xffff;
	v37 =	vor.u32 v22, v57  }
0x1b8: {  	v28 =	vor.u32 v17, v21;
	[tilespmem:s29+$0xFFFFFE00] =	vst v31  }
0x1b9: {  	v31 =	vld.idx.msk [tilespmem:v32+s31+$0x0], $0xffff;
	[tilespmem:s17+$0xFFFFFE00] =	vst v33  }
0x1ba: {  	v39 =	vor.u32 v22, v58;
	[tilespmem:s22+$0xA00] =	vst v23;
	v33 =	vld.idx.msk [tilespmem:v34+s31+$0x0], $0xffff  }
0x1bb: {  	v23 =	vor.u32 v22, v62;
	[tilespmem:s28+$0x0] =	vst v29  }
0x1bc: {  	v29 =	vor.u32 v35, v56;
	[tilespmem:s18+$0xFFFFFE00] =	vst v36;
	v30 =	vld.idx.msk [tilespmem:v37+s31+$0x0], $0xffff  }
0x1bd: {  	[tilespmem:s26+$0x1400] =	vst v27;
	v28 =	vld.idx.msk [tilespmem:v28+s31+$0x0], $0xffff  }
0x1be: {  	v26 =	vld.idx.msk [tilespmem:v26+s31+$0x0], $0xffff;
	v27 =	vor.u32 v22, v21;
	[tilespmem:s29+$0x0] =	vst v31  }
0x1bf: {  	v32 =	vld.idx.msk [tilespmem:v39+s31+$0x0], $0xffff;
	v36 =	vor.u32 v35, v57;
	[tilespmem:s17+$0x0] =	vst v33  }
0x1c0: {  	[tilespmem:s25+$0x200] =	vst v24;
	v37 =	vor.u32 v35, v58;
	v23 =	vld.idx.msk [tilespmem:v23+s31+$0x0], $0xffff  }
0x1c1: {  	v24 =	vor.u32 v35, v62;
	v29 =	vld.idx.msk [tilespmem:v29+s31+$0x0], $0xffff;
	[tilespmem:s28+$0x200] =	vst v30  }
0x1c2: {  	v25 =	vld.idx.msk [tilespmem:v25+s31+$0x0], $0xffff;
	v30 =	vor.u32 v38, v56;
	[tilespmem:s18+$0x0] =	vst v28  }
0x1c3: {  	[tilespmem:s22+$0xC00] =	vst v26;
	v39 =	vor.u32 v46, v55;
	v27 =	vld.idx.msk [tilespmem:v27+s31+$0x0], $0xffff  }
0x1c4: {  	v26 =	vor.u32 v35, v21;
	[tilespmem:s29+$0x200] =	vst v32;
	v31 =	vld.idx.msk [tilespmem:v36+s31+$0x0], $0xffff  }
0x1c5: {  	v33 =	vld.idx.msk [tilespmem:v37+s31+$0x0], $0xffff;
	v36 =	vor.u32 v38, v57;
	[tilespmem:s17+$0x200] =	vst v23  }
0x1c6: {  	[tilespmem:s25+$0x400] =	vst v29;
	v23 =	vor.u32 v38, v58;
	v24 =	vld.idx.msk [tilespmem:v24+s31+$0x0], $0xffff  }
0x1c7: {  	[tilespmem:s26+$0x1600] =	vst v25;
	v25 =	vor.u32 v38, v62;
	v30 =	vld.idx.msk [tilespmem:v30+s31+$0x0], $0xffff  }
0x1c8: {  	[tilespmem:s18+$0x200] =	vst v27;
	v27 =	vld.idx.msk [tilespmem:v39+s31+$0x0], $0xffff;
	v39 =	vor.u32 v51, v53  }
0x1c9: {  	[tilespmem:s28+$0x400] =	vst v31;
	v31 =	vor.u32 v41, v56;
	v26 =	vld.idx.msk [tilespmem:v26+s31+$0x0], $0xffff  }
0x1ca: {  	v37 =	vor.u32 v38, v21;
	[tilespmem:s29+$0x400] =	vst v33;
	v32 =	vld.idx.msk [tilespmem:v36+s31+$0x0], $0xffff  }
0x1cb: {  	v33 =	vor.u32 v41, v57;
	v23 =	vld.idx.msk [tilespmem:v23+s31+$0x0], $0xffff;
	[tilespmem:s17+$0x400] =	vst v24  }
0x1cc: {  	[tilespmem:s25+$0x600] =	vst v30;
	v24 =	vor.u32 v41, v58;
	v25 =	vld.idx.msk [tilespmem:v25+s31+$0x0], $0xffff  }
0x1cd: {  	[tilespmem:s22+$0xE00] =	vst v27;
	v36 =	vld.idx.msk [tilespmem:v39+s31+$0x0], $0xffff;
	v39 =	vor.u32 v47, v55  }
0x1ce: {  	v31 =	vld.idx.msk [tilespmem:v31+s31+$0x0], $0xffff;
	[tilespmem:s18+$0x400] =	vst v26;
	v26 =	vor.u32 v41, v62  }
0x1cf: {  	[tilespmem:s28+$0x600] =	vst v32;
	v32 =	vor.u32 v44, v56;
	v27 =	vld.idx.msk [tilespmem:v37+s31+$0x0], $0xffff  }
0x1d0: {  	v33 =	vld.idx.msk [tilespmem:v33+s31+$0x0], $0xffff;
	v37 =	vor.u32 v41, v21;
	[tilespmem:s29+$0x600] =	vst v23  }
0x1d1: {  	v23 =	vor.u32 v44, v57;
	v24 =	vld.idx.msk [tilespmem:v24+s31+$0x0], $0xffff;
	[tilespmem:s17+$0x600] =	vst v25  }
0x1d2: {  	[tilespmem:s26+$0x1800] =	vst v36;
	v36 =	vld.idx.msk [tilespmem:v39+s31+$0x0], $0xffff  }
0x1d3: {  	[tilespmem:s25+$0x800] =	vst v31;
	v25 =	vor.u32 v44, v58;
	v26 =	vld.idx.msk [tilespmem:v26+s31+$0x0], $0xffff  }
0x1d4: {  	v32 =	vld.idx.msk [tilespmem:v32+s31+$0x0], $0xffff;
	[tilespmem:s18+$0x600] =	vst v27;
	v27 =	vor.u32 v44, v62  }
0x1d5: {  	[tilespmem:s28+$0x800] =	vst v33;
	v33 =	vor.u32 v45, v56;
	v28 =	vld.idx.msk [tilespmem:v37+s31+$0x0], $0xffff  }
0x1d6: {  	v37 =	vor.u32 v44, v21;
	v23 =	vld.idx.msk [tilespmem:v23+s31+$0x0], $0xffff;
	[tilespmem:s29+$0x800] =	vst v24  }
0x1d7: {  	v39 =	vor.u32 v52, v53;
	[tilespmem:s22+$0x1000] =	vst v36  }
0x1d8: {  	v24 =	vor.u32 v45, v57;
	v25 =	vld.idx.msk [tilespmem:v25+s31+$0x0], $0xffff;
	[tilespmem:s17+$0x800] =	vst v26  }
0x1d9: {  	[tilespmem:s25+$0xA00] =	vst v32;
	v26 =	vor.u32 v45, v58;
	v27 =	vld.idx.msk [tilespmem:v27+s31+$0x0], $0xffff  }
0x1da: {  	v33 =	vld.idx.msk [tilespmem:v33+s31+$0x0], $0xffff;
	[tilespmem:s18+$0x800] =	vst v28;
	v28 =	vor.u32 v45, v62  }
0x1db: {  	[tilespmem:s28+$0xA00] =	vst v23;
	v23 =	vor.u32 v46, v56;
	v36 =	vld.idx.msk [tilespmem:v37+s31+$0x0], $0xffff  }
0x1dc: {  	v37 =	vld.idx.msk [tilespmem:v39+s31+$0x0], $0xffff;
	v39 =	vor.u32 v48, v55  }
0x1dd: {  	v31 =	vor.u32 v45, v21;
	v24 =	vld.idx.msk [tilespmem:v24+s31+$0x0], $0xffff;
	[tilespmem:s29+$0xA00] =	vst v25  }
0x1de: {  	v25 =	vor.u32 v46, v57;
	v26 =	vld.idx.msk [tilespmem:v26+s31+$0x0], $0xffff;
	[tilespmem:s17+$0xA00] =	vst v27  }
0x1df: {  	[tilespmem:s25+$0xC00] =	vst v33;
	v28 =	vld.idx.msk [tilespmem:v28+s31+$0x0], $0xffff  }
0x1e0: {  	v27 =	vor.u32 v46, v58;
	v23 =	vld.idx.msk [tilespmem:v23+s31+$0x0], $0xffff;
	[tilespmem:s18+$0xA00] =	vst v36  }
0x1e1: {  	[tilespmem:s26+$0x1A00] =	vst v37;
	v37 =	vor.u32 v46, v62;
	v32 =	vld.idx.msk [tilespmem:v39+s31+$0x0], $0xffff  }
0x1e2: {  	[tilespmem:s28+$0xC00] =	vst v24;
	v24 =	vor.u32 v47, v56;
	v31 =	vld.idx.msk [tilespmem:v31+s31+$0x0], $0xffff  }
0x1e3: {  	v36 =	vcombine.low v59, v60;
	v39 =	vor.u32 v46, v21;
	v25 =	vld.idx.msk [tilespmem:v25+s31+$0x0], $0xffff  }
0x1e4: {  	[tilespmem:s29+$0xC00] =	vst v26;
	v26 =	vor.u32 v47, v57  }
0x1e5: {  	v29 =	vor.u32 v36, v53;
	v27 =	vld.idx.msk [tilespmem:v27+s31+$0x0], $0xffff;
	[tilespmem:s17+$0xC00] =	vst v28  }
0x1e6: {  	v59 =	vor.u32 v47, v58;
	[tilespmem:s25+$0xE00] =	vst v23;
	v30 =	vld.idx.msk [tilespmem:v37+s31+$0x0], $0xffff  }
0x1e7: {  	v60 =	vor.u32 v47, v62;
	v24 =	vld.idx.msk [tilespmem:v24+s31+$0x0], $0xffff;
	[tilespmem:s18+$0xC00] =	vst v31  }
0x1e8: {  	[tilespmem:s28+$0xE00] =	vst v25;
	v25 =	vor.u32 v48, v56;
	v36 =	vld.idx.msk [tilespmem:v39+s31+$0x0], $0xffff  }
0x1e9: {  	v23 =	vor.u32 v47, v21;
	[tilespmem:s22+$0x1200] =	vst v32;
	v26 =	vld.idx.msk [tilespmem:v26+s31+$0x0], $0xffff  }
0x1ea: {  	v29 =	vld.idx.msk [tilespmem:v29+s31+$0x0], $0xffff;
	[tilespmem:s29+$0xE00] =	vst v27;
	v27 =	vor.u32 v48, v57  }
0x1eb: {  	v37 =	vor.u32 v49, v55;
	v28 =	vld.idx.msk [tilespmem:v59+s31+$0x0], $0xffff;
	[tilespmem:s17+$0xE00] =	vst v30  }
0x1ec: {  	v39 =	vor.u32 v48, v58;
	[tilespmem:s25+$0x1000] =	vst v24;
	v31 =	vld.idx.msk [tilespmem:v60+s31+$0x0], $0xffff  }
0x1ed: {  	v60 =	vor.u32 v48, v62;
	v25 =	vld.idx.msk [tilespmem:v25+s31+$0x0], $0xffff;
	[tilespmem:s18+$0xE00] =	vst v36  }
0x1ee: {  	v59 =	vcombine.low v63, v61;
	[tilespmem:s28+$0x1000] =	vst v26;
	v26 =	vor.u32 v49, v56;
	v23 =	vld.idx.msk [tilespmem:v23+s31+$0x0], $0xffff  }
0x1ef: {  	v24 =	vor.u32 v48, v21;
	[tilespmem:s26+$0x1C00] =	vst v29;
	v27 =	vld.idx.msk [tilespmem:v27+s31+$0x0], $0xffff  }
0x1f0: {  	v33 =	vld.idx.msk [tilespmem:v37+s31+$0x0], $0xffff;
	v32 =	vor.u32 v59, v53;
	[tilespmem:s29+$0x1000] =	vst v28  }
0x1f1: {  	v61 =	vor.u32 v49, v57;
	v30 =	vld.idx.msk [tilespmem:v39+s31+$0x0], $0xffff;
	[tilespmem:s17+$0x1000] =	vst v31  }
0x1f2: {  	v63 =	vor.u32 v49, v58;
	[tilespmem:s25+$0x1200] =	vst v25;
	v29 =	vld.idx.msk [tilespmem:v60+s31+$0x0], $0xffff  }
0x1f3: {  	v26 =	vld.idx.msk [tilespmem:v26+s31+$0x0], $0xffff;
	[tilespmem:s18+$0x1000] =	vst v23;
	v23 =	vor.u32 v49, v62  }
0x1f4: {  	[tilespmem:s28+$0x1200] =	vst v27;
	v27 =	vor.u32 v50, v56;
	v24 =	vld.idx.msk [tilespmem:v24+s31+$0x0], $0xffff  }
0x1f5: {  	[tilespmem:s22+$0x1400] =	vst v33;
	v32 =	vld.idx.msk [tilespmem:v32+s31+$0x0], $0xffff;
	v25 =	vor.u32 v49, v21  }
0x1f6: {  	v36 =	vor.u32 v50, v55;
	v28 =	vld.idx.msk [tilespmem:v61+s31+$0x0], $0xffff;
	[tilespmem:s29+$0x1200] =	vst v30  }
0x1f7: {  	v37 =	vor.u32 v50, v57;
	v31 =	vld.idx.msk [tilespmem:v63+s31+$0x0], $0xffff;
	[tilespmem:s17+$0x1200] =	vst v29  }
0x1f8: {  	v39 =	vor.u32 v50, v58;
	[tilespmem:s25+$0x1400] =	vst v26;
	v23 =	vld.idx.msk [tilespmem:v23+s31+$0x0], $0xffff  }
0x1f9: {  	v27 =	vld.idx.msk [tilespmem:v27+s31+$0x0], $0xffff;
	[tilespmem:s18+$0x1200] =	vst v24;
	v24 =	vor.u32 v50, v62  }
0x1fa: {  	v60 =	vor.u32 v51, v56;
	[tilespmem:s26+$0x1E00] =	vst v32;
	v25 =	vld.idx.msk [tilespmem:v25+s31+$0x0], $0xffff  }
0x1fb: {  	v53 =	vld.idx.msk [tilespmem:v36+s31+$0x0], $0xffff;
	v26 =	vor.u32 v50, v21;
	[tilespmem:s28+$0x1400] =	vst v28  }
0x1fc: {  	v59 =	vor.u32 v51, v55;
	v30 =	vld.idx.msk [tilespmem:v37+s31+$0x0], $0xffff;
	[tilespmem:s29+$0x1400] =	vst v31  }
0x1fd: {  	v61 =	vor.u32 v51, v57;
	v29 =	vld.idx.msk [tilespmem:v39+s31+$0x0], $0xffff;
	[tilespmem:s17+$0x1400] =	vst v23  }
0x1fe: {  	v23 =	vor.u32 v51, v58;
	[tilespmem:s25+$0x1600] =	vst v27;
	v24 =	vld.idx.msk [tilespmem:v24+s31+$0x0], $0xffff  }
0x1ff: {  	v28 =	vld.idx.msk [tilespmem:v60+s31+$0x0], $0xffff;
	[tilespmem:s18+$0x1400] =	vst v25;
	v25 =	vor.u32 v51, v62  }
0x200: {  	v36 =	vor.u32 v52, v56;
	[tilespmem:s22+$0x1600] =	vst v53;
	v26 =	vld.idx.msk [tilespmem:v26+s31+$0x0], $0xffff  }
0x201: {  	v32 =	vld.idx.msk [tilespmem:v59+s31+$0x0], $0xffff;
	v27 =	vor.u32 v51, v21;
	[tilespmem:s28+$0x1600] =	vst v30  }
0x202: {  	v63 =	vor.u32 v52, v55;
	v31 =	vld.idx.msk [tilespmem:v61+s31+$0x0], $0xffff;
	[tilespmem:s29+$0x1600] =	vst v29  }
0x203: {  	v37 =	vor.u32 v52, v57;
	v23 =	vld.idx.msk [tilespmem:v23+s31+$0x0], $0xffff;
	[tilespmem:s17+$0x1600] =	vst v24  }
0x204: {  	v53 =	vcombine.low v19, v20;
	v24 =	vor.u32 v52, v58;
	[tilespmem:s25+$0x1800] =	vst v28;
	v25 =	vld.idx.msk [tilespmem:v25+s31+$0x0], $0xffff  }
0x205: {  	v19 =	vor.u32 v52, v62;
	v30 =	vld.idx.msk [tilespmem:v36+s31+$0x0], $0xffff;
	[tilespmem:s18+$0x1600] =	vst v26  }
0x206: {  	v59 =	vor.u32 v53, v56;
	[tilespmem:s22+$0x1800] =	vst v32;
	v20 =	vld.idx.msk [tilespmem:v27+s31+$0x0], $0xffff  }
0x207: {  	v26 =	vld.idx.msk [tilespmem:v63+s31+$0x0], $0xffff;
	[tilespmem:s28+$0x1800] =	vst v31;
	v27 =	vor.u32 v52, v21  }
0x208: {  	v39 =	vor.u32 v53, v55;
	v29 =	vld.idx.msk [tilespmem:v37+s31+$0x0], $0xffff;
	[tilespmem:s29+$0x1800] =	vst v23  }
0x209: {  	v24 =	vld.idx.msk [tilespmem:v24+s31+$0x0], $0xffff;
	[tilespmem:s17+$0x1800] =	vst v25  }
0x20a: {  	v23 =	vor.u32 v53, v57;
	[tilespmem:s25+$0x1A00] =	vst v30;
	v19 =	vld.idx.msk [tilespmem:v19+s31+$0x0], $0xffff  }
0x20b: {  	v25 =	vor.u32 v53, v58;
	v30 =	vld.idx.msk [tilespmem:v59+s31+$0x0], $0xffff;
	[tilespmem:s18+$0x1800] =	vst v20  }
0x20c: {  	v54 =	vcombine.low v54, v18;
	v18 =	vor.u32 v53, v62;
	[tilespmem:s22+$0x1A00] =	vst v26;
	v20 =	vld.idx.msk [tilespmem:v27+s31+$0x0], $0xffff  }
0x20d: {  	v26 =	vld.idx.msk [tilespmem:v39+s31+$0x0], $0xffff;
	[tilespmem:s28+$0x1A00] =	vst v29;
	v27 =	vor.u32 v53, v21  }
0x20e: {  	v61 =	vor.u32 v54, v56;
	[tilespmem:s29+$0x1A00] =	vst v24  }
0x20f: {  	v60 =	vor.u32 v54, v55;
	v23 =	vld.idx.msk [tilespmem:v23+s31+$0x0], $0xffff;
	[tilespmem:s17+$0x1A00] =	vst v19  }
0x210: {  	v24 =	vor.u32 v54, v57;
	v25 =	vld.idx.msk [tilespmem:v25+s31+$0x0], $0xffff;
	[tilespmem:s25+$0x1C00] =	vst v30  }
0x211: {  	v19 =	vor.u32 v54, v58;
	v18 =	vld.idx.msk [tilespmem:v18+s31+$0x0], $0xffff;
	[tilespmem:s18+$0x1A00] =	vst v20  }
0x212: {  	[tilespmem:s22+$0x1C00] =	vst v26;
	v20 =	vor.u32 v54, v62;
	v26 =	vld.idx.msk [tilespmem:v27+s31+$0x0], $0xffff  }
0x213: {  	v21 =	vor.u32 v54, v21;
	v63 =	vld.idx.msk [tilespmem:v61+s31+$0x0], $0xffff  }
0x214: {  	[tilespmem:s28+$0x1C00] =	vst v23;
	v27 =	vld.idx.msk [tilespmem:v60+s31+$0x0], $0xffff  }
0x215: {  	v23 =	vld.idx.msk [tilespmem:v24+s31+$0x0], $0xffff;
	[tilespmem:s29+$0x1C00] =	vst v25  }
0x216: {  	v19 =	vld.idx.msk [tilespmem:v19+s31+$0x0], $0xffff;
	[tilespmem:s17+$0x1C00] =	vst v18  }
0x217: {  	v18 =	vld.idx.msk [tilespmem:v20+s31+$0x0], $0xffff;
	[tilespmem:s18+$0x1C00] =	vst v26  }
0x218: {  	[tilespmem:s25+$0x1E00] =	vst v63;
	v20 =	vld.idx.msk [tilespmem:v21+s31+$0x0], $0xffff  }
0x219: {  	[tilespmem:s22+$0x1E00] =	vst v27  }
0x21a: {  	[tilespmem:s28+$0x1E00] =	vst v23  }
0x21b: {  	[tilespmem:s29+$0x1E00] =	vst v19  }
0x21c: {  	p1 =	seq.s32 s14, $0x18;
	s22 =	sshll.u32 s21, $0x6;
	[tilespmem:s17+$0x1E00] =	vst v18  }
0x21d: {  	s4 =	sadd.s32 @!p1 s19, s22;
	s17 =	simm.s32 @!p1 $0x0;
	[tilespmem:s18+$0x1E00] =	vst v20  }
0x21e: {  	[tilespmem:s17], [sflag:$0x5] =	stream.linear.gather @!p1 [hbm4b:s4+s17], $0x200, $0x38;
	[tilespmem:$0x15D00] =	vst v63  }
0x21f: {  	s4 =	simm.s32 @!p1 $0x5  }
0x220: {  	_ =	swait.ge @!p1 [sflag:s4], $0x200  }
0x221: {  	[sflag:s4] =	ssyncset.done @!p1 $0x0  }
0x222: {  	s18 =	simm.s32 @!p1 $0x400;
	[sflag:s4] =	ssyncadd.s32 @!p1 $0xFFFFFE00;
	s4 =	simm.s32 @!p1 $0x80  }
0x223: {  	[tilespmem:s18], [sflag:$0x1] =	stream.indirect.gather @!p1 [hbm4b:s3+s4], $0x20, s17, s4, $0xb8;
	[tilespmem:$0x15D00] =	vst v63  }
0x224: {  	s20 =	sshll.u32 s20, $0xE;
	s17 =	simm.s32 @!p1 $0x1400  }
0x225: {  	[tilespmem:s17], [sflag:$0x1] =	stream.indirect.gather @!p1 [hbm4b:s3+s4], $0x20, s4, s4, $0xb8;
	[tilespmem:$0x15D00] =	vst v63  }
0x226: {  	s21 =	sand.u32 $0x180, s22;
	s18 =	simm.s32 @!p1 $0x2400;
	s17 =	simm.s32 @!p1 $0x100  }
0x227: {  	[tilespmem:s18], [sflag:$0x1] =	stream.indirect.gather @!p1 [hbm4b:s3+s4], $0x20, s17, s4, $0xb8;
	[tilespmem:$0x15D00] =	vst v63  }
0x228: {  	s25 =	sadd.s32 s5, s21;
	s17 =	simm.s32 @!p1 $0x180;
	s18 =	simm.s32 @!p1 $0x3400  }
0x229: {  	[tilespmem:s18], [sflag:$0x1] =	stream.indirect.gather @!p1 [hbm4b:s3+s4], $0x20, s17, s4, $0xb8;
	[tilespmem:$0x15D00] =	vst v63  }
0x22a: {  	s4 =	sadd.s32 s20, s25  }
0x22b: {  	[hbm4b:s4+s15] =	stream.strided.scatter [tilespmem:s2], [sflag:$0x3], $0x4000, s0, s15, $0x38;
	[tilespmem:$0x15D00] =	vst v63  }
0x22c: {  	_ =	swait.ge [sflag:s8], $0x4000  }
0x22d: {  	[sflag:s8] =	ssyncset.done $0x0  }
0x22e: {  	s4 =	simm.s32 @!p0 $0x4;
	[sflag:s8] =	ssyncadd.s32 $0xFFFFC000  }
0x22f: {  	_ =	swait.ge @!p0 [sflag:s4], $0x4000  }
0x230: {  	[sflag:s4] =	ssyncset.done @!p0 $0x0  }
0x231: {  	[sflag:s4] =	ssyncadd.s32 @!p0 $0xFFFFC000  }
0x232: {  	s26 =	simm.s32 $0x4410;
	s4 =	simm.s32 $0x0;
	v18 =	vld [tilespmem:s16+$0x14400]  }
0x233: {  	v19 =	vadd.s32 s4, v0;
	v20 =	vld [tilespmem:s26+$0xFFFFFFF0]  }
0x234: {  	v21 =	vand.u32 $0xF, v19  }
0x235: {  	v23 =	vor.u32 s4, v21;
	_ =	sdelay $0x2  }
0x236: {  	s28 =	simm.s32 $0x1;
	s17 =	simm.s32 $0x4430;
	v24 =	vadd.f32 v20, v18  }
0x237: {  	v25 =	vld [tilespmem:s17+$0xFFFFFFF0];
	v20 =	vadd.s32 s28, v0  }
0x238: {  	v19 =	vld [tilespmem:s16+$0x14410];
	s16 =	simm.s32 $0x20;
	v20 =	vand.u32 $0xF, v20;
	[tilespmem:v23+s31+$0x0] =	vst.idx.msk $0xffff, v24  }
0x239: {  	v24 =	vor.u32 s16, v20;
	v23 =	vld [tilespmem:s26+$0x0]  }
0x23a: {  	s29 =	simm.s32 $0x10  }
0x23b: {  	s14 =	sadd.s32 $0x1, s14;
	v21 =	vor.u32 s29, v21  }
0x23c: {  	s18 =	simm.s32 $0x2;
	s25 =	simm.s32 $0x20;
	v25 =	vadd.f32 v25, v18;
	s26 =	simm.s32 $0x4450  }
.LBB2_7:
0x23d: {  	v26 =	vadd.s32 s18, v0;
	v27 =	vld [tilespmem:s26+$0xFFFFFFF0];
	p0 =	sne.s32 s18, $0x1FF;
	s18 =	sadd.s32 $0x1, s18  }
.Ltmp2:
0x23e: {  	s16 =	sadd.s32 $0x20, s16;
	v26 =	vand.u32 $0xF, v26;
	[tilespmem:v24+s31+$0x0] =	vst.idx.msk $0xffff, v25;
	v25 =	vadd.f32 v23, v19;
	(pc) =	sbr.rel @p0 .LBB2_7-.Ltmp2, $4  }
0x23f: {  	v24 =	vor.u32 s16, v26;
	v23 =	vld [tilespmem:s17+$0x0];
	s17 =	smov.u32 s26  }
0x240: {  	s28 =	sadd.s32 $0x10, s25;
	s25 =	smov.u32 s16;
	[tilespmem:v21+s31+$0x0] =	vst.idx.msk $0xffff, v25  }
0x241: {  	v21 =	vor.u32 s28, v20;
	v20 =	vmov v26  }
0x242: {  	s26 =	sadd.s32 $0x20, s26;
	v25 =	vadd.f32 v27, v18  }
0x243: {  	_ =	sdelay $0x3  }
0x244: {  	[tilespmem:v24+s31+$0x0] =	vst.idx.msk $0xffff, v25  }
0x245: {  	v18 =	vmov s4;
	v24 =	vld [tilespmem:s17+$0x0]  }
0x246: {  	v18 =	vshll.u32 v18, $0x5;
	s17 =	sadd.s32 $0x10, s25  }
0x247: {  	v18 =	vor.u32 v1, v18;
	v20 =	vor.u32 s17, v20  }
0x248: {  	v25 =	vor.u32 v0, v18  }
0x249: {  	v23 =	vadd.f32 v23, v19  }
0x24a: {  	v19 =	vadd.f32 v24, v19  }
0x24b: {  	[tilespmem:v21+s31+$0x0] =	vst.idx.msk $0xffff, v23  }
0x24c: {  	[tilespmem:v20+s31+$0x0] =	vst.idx.msk $0xffff, v19  }
0x24d: {  	v19 =	vld.idx.msk [tilespmem:v25+s31+$0x0], $0xffff  }
0x24e: {  	v20 =	vor.u32 v2, v18;
	_ =	sdelay $0x2  }
0x24f: {  	s4 =	simm.s32 $0x12400  }
0x250: {  	[tilespmem:s4+$0xFFFFE000] =	vst v19  }
0x251: {  	v19 =	vld.idx.msk [tilespmem:v20+s31+$0x0], $0xffff  }
0x252: {  	v20 =	vor.u32 v3, v18;
	_ =	sdelay $0x3  }
0x253: {  	[tilespmem:s4+$0xFFFFE200] =	vst v19  }
0x254: {  	v19 =	vld.idx.msk [tilespmem:v20+s31+$0x0], $0xffff  }
0x255: {  	v20 =	vor.u32 v4, v18;
	_ =	sdelay $0x3  }
0x256: {  	[tilespmem:s4+$0xFFFFE400] =	vst v19  }
0x257: {  	s16 =	simm.s32 $0x10;
	v19 =	vld.idx.msk [tilespmem:v20+s31+$0x0], $0xffff  }
0x258: {  	v21 =	vmov s16;
	v20 =	vor.u32 v5, v18  }
0x259: {  	v21 =	vshll.u32 v21, $0x5  }
0x25a: {  	v57 =	vor.u32 v1, v21  }
0x25b: {  	v21 =	vor.u32 v0, v57  }
0x25c: {  	[tilespmem:s4+$0xFFFFE600] =	vst v19  }
0x25d: {  	v19 =	vld.idx.msk [tilespmem:v20+s31+$0x0], $0xffff  }
0x25e: {  	v20 =	vor.u32 v6, v18;
	_ =	sdelay $0x1  }
0x25f: {  	v21 =	vld.idx.msk [tilespmem:v21+s31+$0x0], $0xffff  }
0x260: {  	v23 =	vor.u32 v2, v57  }
0x261: {  	[tilespmem:s4+$0xFFFFE800] =	vst v19  }
0x262: {  	v19 =	vld.idx.msk [tilespmem:v20+s31+$0x0], $0xffff  }
0x263: {  	s25 =	simm.s32 $0x12410;
	v20 =	vor.u32 v7, v18  }
0x264: {  	[tilespmem:s25+$0xFFFFE000] =	vst v21  }
0x265: {  	v21 =	vld.idx.msk [tilespmem:v23+s31+$0x0], $0xffff  }
0x266: {  	v23 =	vor.u32 v3, v57  }
0x267: {  	[tilespmem:s4+$0xFFFFEA00] =	vst v19  }
0x268: {  	v19 =	vld.idx.msk [tilespmem:v20+s31+$0x0], $0xffff  }
0x269: {  	v20 =	vor.u32 v8, v18  }
0x26a: {  	[tilespmem:s25+$0xFFFFE200] =	vst v21  }
0x26b: {  	v21 =	vld.idx.msk [tilespmem:v23+s31+$0x0], $0xffff  }
0x26c: {  	v23 =	vor.u32 v4, v57  }
0x26d: {  	[tilespmem:s4+$0xFFFFEC00] =	vst v19  }
0x26e: {  	v19 =	vld.idx.msk [tilespmem:v20+s31+$0x0], $0xffff  }
0x26f: {  	v20 =	vor.u32 v9, v18  }
0x270: {  	[tilespmem:s25+$0xFFFFE400] =	vst v21  }
0x271: {  	v21 =	vld.idx.msk [tilespmem:v23+s31+$0x0], $0xffff  }
0x272: {  	s18 =	simm.s32 $0x20;
	v23 =	vor.u32 v5, v57  }
0x273: {  	[tilespmem:s4+$0xFFFFEE00] =	vst v19;
	v19 =	vmov s18  }
0x274: {  	v20 =	vld.idx.msk [tilespmem:v20+s31+$0x0], $0xffff;
	v19 =	vshll.u32 v19, $0x5  }
0x275: {  	v55 =	vor.u32 v1, v19;
	v19 =	vor.u32 v10, v18  }
0x276: {  	[tilespmem:s25+$0xFFFFE600] =	vst v21;
	v24 =	vor.u32 v0, v55  }
0x277: {  	v21 =	vld.idx.msk [tilespmem:v23+s31+$0x0], $0xffff  }
0x278: {  	v23 =	vor.u32 v6, v57  }
0x279: {  	[tilespmem:s4+$0xFFFFF000] =	vst v20  }
0x27a: {  	v19 =	vld.idx.msk [tilespmem:v19+s31+$0x0], $0xffff  }
0x27b: {  	v20 =	vld.idx.msk [tilespmem:v24+s31+$0x0], $0xffff;
	v24 =	vor.u32 v11, v18  }
0x27c: {  	[tilespmem:s25+$0xFFFFE800] =	vst v21;
	v25 =	vor.u32 v2, v55  }
0x27d: {  	v21 =	vld.idx.msk [tilespmem:v23+s31+$0x0], $0xffff  }
0x27e: {  	v23 =	vor.u32 v7, v57  }
0x27f: {  	s16 =	simm.s32 $0x12420;
	[tilespmem:s4+$0xFFFFF200] =	vst v19  }
0x280: {  	[tilespmem:s16+$0xFFFFE000] =	vst v20;
	v19 =	vld.idx.msk [tilespmem:v24+s31+$0x0], $0xffff  }
0x281: {  	v24 =	vor.u32 v12, v18;
	v20 =	vld.idx.msk [tilespmem:v25+s31+$0x0], $0xffff  }
0x282: {  	[tilespmem:s25+$0xFFFFEA00] =	vst v21;
	v25 =	vor.u32 v3, v55  }
0x283: {  	v21 =	vld.idx.msk [tilespmem:v23+s31+$0x0], $0xffff  }
0x284: {  	v23 =	vor.u32 v8, v57  }
0x285: {  	[tilespmem:s4+$0xFFFFF400] =	vst v19  }
0x286: {  	[tilespmem:s16+$0xFFFFE200] =	vst v20;
	v19 =	vld.idx.msk [tilespmem:v24+s31+$0x0], $0xffff  }
0x287: {  	v24 =	vor.u32 v13, v18;
	v20 =	vld.idx.msk [tilespmem:v25+s31+$0x0], $0xffff  }
0x288: {  	[tilespmem:s25+$0xFFFFEC00] =	vst v21;
	v25 =	vor.u32 v4, v55  }
0x289: {  	v21 =	vld.idx.msk [tilespmem:v23+s31+$0x0], $0xffff  }
0x28a: {  	v23 =	vor.u32 v9, v57  }
0x28b: {  	[tilespmem:s4+$0xFFFFF600] =	vst v19  }
0x28c: {  	[tilespmem:s16+$0xFFFFE400] =	vst v20;
	v19 =	vld.idx.msk [tilespmem:v24+s31+$0x0], $0xffff  }
0x28d: {  	s26 =	simm.s32 $0x30;
	v24 =	vor.u32 v14, v18;
	v20 =	vld.idx.msk [tilespmem:v25+s31+$0x0], $0xffff  }
0x28e: {  	[tilespmem:s25+$0xFFFFEE00] =	vst v21;
	v21 =	vmov s26;
	v25 =	vor.u32 v5, v55  }
0x28f: {  	v23 =	vld.idx.msk [tilespmem:v23+s31+$0x0], $0xffff;
	v21 =	vshll.u32 v21, $0x5  }
0x290: {  	v56 =	vor.u32 v1, v21;
	v21 =	vor.u32 v10, v57  }
0x291: {  	[tilespmem:s4+$0xFFFFF800] =	vst v19;
	v19 =	vor.u32 v0, v56  }
0x292: {  	[tilespmem:s16+$0xFFFFE600] =	vst v20;
	v20 =	vld.idx.msk [tilespmem:v24+s31+$0x0], $0xffff  }
0x293: {  	v24 =	vld.idx.msk [tilespmem:v25+s31+$0x0], $0xffff;
	v25 =	vor.u32 v15, v18  }
0x294: {  	v26 =	vor.u32 v6, v55;
	[tilespmem:s25+$0xFFFFF000] =	vst v23  }
0x295: {  	v21 =	vld.idx.msk [tilespmem:v21+s31+$0x0], $0xffff  }
0x296: {  	v23 =	vor.u32 v11, v57;
	v19 =	vld.idx.msk [tilespmem:v19+s31+$0x0], $0xffff  }
0x297: {  	[tilespmem:s4+$0xFFFFFA00] =	vst v20;
	v20 =	vor.u32 v2, v56  }
0x298: {  	[tilespmem:s16+$0xFFFFE800] =	vst v24;
	v24 =	vld.idx.msk [tilespmem:v25+s31+$0x0], $0xffff  }
0x299: {  	v25 =	vld.idx.msk [tilespmem:v26+s31+$0x0], $0xffff;
	v26 =	vor.u32 v16, v18  }
0x29a: {  	s26 =	simm.s32 $0x12430;
	v27 =	vor.u32 v7, v55;
	[tilespmem:s25+$0xFFFFF200] =	vst v21  }
0x29b: {  	[tilespmem:s26+$0xFFFFE000] =	vst v19;
	v19 =	vld.idx.msk [tilespmem:v23+s31+$0x0], $0xffff  }
0x29c: {  	v21 =	vor.u32 v12, v57;
	v20 =	vld.idx.msk [tilespmem:v20+s31+$0x0], $0xffff  }
0x29d: {  	v23 =	vor.u32 v3, v56;
	[tilespmem:s4+$0xFFFFFC00] =	vst v24  }
0x29e: {  	[tilespmem:s16+$0xFFFFEA00] =	vst v25;
	v24 =	vld.idx.msk [tilespmem:v26+s31+$0x0], $0xffff  }
0x29f: {  	v26 =	vor.u32 v17, v18;
	v25 =	vld.idx.msk [tilespmem:v27+s31+$0x0], $0xffff  }
0x2a0: {  	v27 =	vor.u32 v8, v55;
	[tilespmem:s25+$0xFFFFF400] =	vst v19  }
0x2a1: {  	[tilespmem:s26+$0xFFFFE200] =	vst v20;
	v19 =	vld.idx.msk [tilespmem:v21+s31+$0x0], $0xffff  }
0x2a2: {  	v21 =	vor.u32 v13, v57;
	v20 =	vld.idx.msk [tilespmem:v23+s31+$0x0], $0xffff  }
0x2a3: {  	v23 =	vor.u32 v4, v56;
	[tilespmem:s4+$0xFFFFFE00] =	vst v24  }
0x2a4: {  	[tilespmem:s16+$0xFFFFEC00] =	vst v25;
	v24 =	vld.idx.msk [tilespmem:v26+s31+$0x0], $0xffff  }
0x2a5: {  	v26 =	vor.u32 v22, v18;
	v25 =	vld.idx.msk [tilespmem:v27+s31+$0x0], $0xffff  }
0x2a6: {  	v27 =	vor.u32 v9, v55;
	[tilespmem:s25+$0xFFFFF600] =	vst v19  }
0x2a7: {  	[tilespmem:s26+$0xFFFFE400] =	vst v20;
	v19 =	vld.idx.msk [tilespmem:v21+s31+$0x0], $0xffff  }
0x2a8: {  	v21 =	vor.u32 v14, v57;
	v20 =	vld.idx.msk [tilespmem:v23+s31+$0x0], $0xffff  }
0x2a9: {  	s18 =	simm.s32 $0x40;
	v23 =	vor.u32 v5, v56;
	[tilespmem:s4+$0x0] =	vst v24  }
0x2aa: {  	[tilespmem:s16+$0xFFFFEE00] =	vst v25;
	v24 =	vld.idx.msk [tilespmem:v26+s31+$0x0], $0xffff;
	v25 =	vmov s18  }
0x2ab: {  	v26 =	vld.idx.msk [tilespmem:v27+s31+$0x0], $0xffff;
	v25 =	vshll.u32 v25, $0x5;
	v27 =	vor.u32 v35, v18  }
0x2ac: {  	v58 =	vor.u32 v1, v25;
	v25 =	vor.u32 v10, v55;
	[tilespmem:s25+$0xFFFFF800] =	vst v19  }
0x2ad: {  	v19 =	vor.u32 v0, v58;
	[tilespmem:s26+$0xFFFFE600] =	vst v20;
	v20 =	vld.idx.msk [tilespmem:v21+s31+$0x0], $0xffff  }
0x2ae: {  	v21 =	vld.idx.msk [tilespmem:v23+s31+$0x0], $0xffff;
	v23 =	vor.u32 v15, v57  }
0x2af: {  	[tilespmem:s4+$0x200] =	vst v24;
	v24 =	vor.u32 v6, v56  }
0x2b0: {  	[tilespmem:s16+$0xFFFFF000] =	vst v26;
	v26 =	vld.idx.msk [tilespmem:v27+s31+$0x0], $0xffff  }
0x2b1: {  	v27 =	vor.u32 v38, v18;
	v25 =	vld.idx.msk [tilespmem:v25+s31+$0x0], $0xffff  }
0x2b2: {  	v28 =	vor.u32 v11, v55;
	v19 =	vld.idx.msk [tilespmem:v19+s31+$0x0], $0xffff;
	[tilespmem:s25+$0xFFFFFA00] =	vst v20  }
0x2b3: {  	v20 =	vor.u32 v2, v58;
	[tilespmem:s26+$0xFFFFE800] =	vst v21;
	v21 =	vld.idx.msk [tilespmem:v23+s31+$0x0], $0xffff  }
0x2b4: {  	v23 =	vld.idx.msk [tilespmem:v24+s31+$0x0], $0xffff;
	v24 =	vor.u32 v16, v57  }
0x2b5: {  	[tilespmem:s4+$0x400] =	vst v26;
	v26 =	vor.u32 v7, v56  }
0x2b6: {  	s28 =	simm.s32 $0x12440;
	[tilespmem:s16+$0xFFFFF200] =	vst v25;
	v25 =	vld.idx.msk [tilespmem:v27+s31+$0x0], $0xffff  }
0x2b7: {  	v27 =	vor.u32 v41, v18;
	[tilespmem:s28+$0xFFFFE000] =	vst v19;
	v19 =	vld.idx.msk [tilespmem:v28+s31+$0x0], $0xffff  }
0x2b8: {  	v28 =	vor.u32 v12, v55;
	v20 =	vld.idx.msk [tilespmem:v20+s31+$0x0], $0xffff;
	[tilespmem:s25+$0xFFFFFC00] =	vst v21  }
0x2b9: {  	v21 =	vor.u32 v3, v58;
	[tilespmem:s26+$0xFFFFEA00] =	vst v23;
	v23 =	vld.idx.msk [tilespmem:v24+s31+$0x0], $0xffff  }
0x2ba: {  	v24 =	vld.idx.msk [tilespmem:v26+s31+$0x0], $0xffff;
	v26 =	vor.u32 v17, v57  }
0x2bb: {  	[tilespmem:s4+$0x600] =	vst v25;
	v25 =	vor.u32 v8, v56  }
0x2bc: {  	[tilespmem:s16+$0xFFFFF400] =	vst v19;
	v19 =	vld.idx.msk [tilespmem:v27+s31+$0x0], $0xffff  }
0x2bd: {  	v27 =	vor.u32 v44, v18;
	[tilespmem:s28+$0xFFFFE200] =	vst v20;
	v20 =	vld.idx.msk [tilespmem:v28+s31+$0x0], $0xffff  }
0x2be: {  	v28 =	vor.u32 v13, v55;
	v21 =	vld.idx.msk [tilespmem:v21+s31+$0x0], $0xffff;
	[tilespmem:s25+$0xFFFFFE00] =	vst v23  }
0x2bf: {  	v23 =	vor.u32 v4, v58;
	[tilespmem:s26+$0xFFFFEC00] =	vst v24;
	v24 =	vld.idx.msk [tilespmem:v26+s31+$0x0], $0xffff  }
0x2c0: {  	v26 =	vor.u32 v22, v57;
	v25 =	vld.idx.msk [tilespmem:v25+s31+$0x0], $0xffff  }
0x2c1: {  	[tilespmem:s4+$0x800] =	vst v19;
	v19 =	vor.u32 v9, v56  }
0x2c2: {  	[tilespmem:s16+$0xFFFFF600] =	vst v20;
	v20 =	vld.idx.msk [tilespmem:v27+s31+$0x0], $0xffff  }
0x2c3: {  	v27 =	vor.u32 v45, v18;
	[tilespmem:s28+$0xFFFFE400] =	vst v21;
	v21 =	vld.idx.msk [tilespmem:v28+s31+$0x0], $0xffff  }
0x2c4: {  	s18 =	simm.s32 $0x50;
	v28 =	vor.u32 v14, v55;
	v23 =	vld.idx.msk [tilespmem:v23+s31+$0x0], $0xffff;
	[tilespmem:s25+$0x0] =	vst v24  }
0x2c5: {  	v24 =	vor.u32 v5, v58;
	[tilespmem:s26+$0xFFFFEE00] =	vst v25;
	v25 =	vld.idx.msk [tilespmem:v26+s31+$0x0], $0xffff;
	v26 =	vmov s18  }
0x2c6: {  	v29 =	vor.u32 v35, v57;
	v19 =	vld.idx.msk [tilespmem:v19+s31+$0x0], $0xffff;
	v26 =	vshll.u32 v26, $0x5  }
0x2c7: {  	[tilespmem:s4+$0xA00] =	vst v20;
	v59 =	vor.u32 v1, v26;
	v20 =	vor.u32 v10, v56  }
0x2c8: {  	[tilespmem:s16+$0xFFFFF800] =	vst v21;
	v21 =	vld.idx.msk [tilespmem:v27+s31+$0x0], $0xffff;
	v26 =	vor.u32 v0, v59  }
0x2c9: {  	v27 =	vor.u32 v46, v18;
	[tilespmem:s28+$0xFFFFE600] =	vst v23;
	v23 =	vld.idx.msk [tilespmem:v28+s31+$0x0], $0xffff  }
0x2ca: {  	v28 =	vor.u32 v15, v55;
	v24 =	vld.idx.msk [tilespmem:v24+s31+$0x0], $0xffff;
	[tilespmem:s25+$0x200] =	vst v25  }
0x2cb: {  	v25 =	vor.u32 v6, v58;
	[tilespmem:s26+$0xFFFFF000] =	vst v19;
	v19 =	vld.idx.msk [tilespmem:v29+s31+$0x0], $0xffff  }
0x2cc: {  	v29 =	vor.u32 v38, v57;
	v20 =	vld.idx.msk [tilespmem:v20+s31+$0x0], $0xffff  }
0x2cd: {  	v26 =	vld.idx.msk [tilespmem:v26+s31+$0x0], $0xffff;
	[tilespmem:s4+$0xC00] =	vst v21;
	v21 =	vor.u32 v11, v56  }
0x2ce: {  	[tilespmem:s16+$0xFFFFFA00] =	vst v23;
	v23 =	vld.idx.msk [tilespmem:v27+s31+$0x0], $0xffff;
	v27 =	vor.u32 v2, v59  }
0x2cf: {  	[tilespmem:s28+$0xFFFFE800] =	vst v24;
	v24 =	vld.idx.msk [tilespmem:v28+s31+$0x0], $0xffff;
	v28 =	vor.u32 v47, v18  }
0x2d0: {  	v30 =	vor.u32 v16, v55;
	v25 =	vld.idx.msk [tilespmem:v25+s31+$0x0], $0xffff;
	[tilespmem:s25+$0x400] =	vst v19  }
0x2d1: {  	s29 =	simm.s32 $0x12450;
	v19 =	vor.u32 v7, v58;
	[tilespmem:s26+$0xFFFFF200] =	vst v20;
	v20 =	vld.idx.msk [tilespmem:v29+s31+$0x0], $0xffff  }
0x2d2: {  	[tilespmem:s29+$0xFFFFE000] =	vst v26;
	v21 =	vld.idx.msk [tilespmem:v21+s31+$0x0], $0xffff;
	v26 =	vor.u32 v41, v57  }
0x2d3: {  	v27 =	vld.idx.msk [tilespmem:v27+s31+$0x0], $0xffff;
	[tilespmem:s4+$0xE00] =	vst v23;
	v23 =	vor.u32 v12, v56  }
0x2d4: {  	[tilespmem:s16+$0xFFFFFC00] =	vst v24;
	v24 =	vld.idx.msk [tilespmem:v28+s31+$0x0], $0xffff;
	v28 =	vor.u32 v3, v59  }
0x2d5: {  	v29 =	vor.u32 v48, v18;
	[tilespmem:s28+$0xFFFFEA00] =	vst v25;
	v25 =	vld.idx.msk [tilespmem:v30+s31+$0x0], $0xffff  }
0x2d6: {  	v30 =	vor.u32 v17, v55;
	v19 =	vld.idx.msk [tilespmem:v19+s31+$0x0], $0xffff;
	[tilespmem:s25+$0x600] =	vst v20  }
0x2d7: {  	v20 =	vor.u32 v8, v58;
	[tilespmem:s26+$0xFFFFF400] =	vst v21;
	v21 =	vld.idx.msk [tilespmem:v26+s31+$0x0], $0xffff  }
0x2d8: {  	v26 =	vor.u32 v44, v57;
	[tilespmem:s29+$0xFFFFE200] =	vst v27;
	v23 =	vld.idx.msk [tilespmem:v23+s31+$0x0], $0xffff  }
0x2d9: {  	v27 =	vld.idx.msk [tilespmem:v28+s31+$0x0], $0xffff;
	[tilespmem:s4+$0x1000] =	vst v24;
	v24 =	vor.u32 v13, v56  }
0x2da: {  	v28 =	vor.u32 v4, v59;
	[tilespmem:s16+$0xFFFFFE00] =	vst v25;
	v25 =	vld.idx.msk [tilespmem:v29+s31+$0x0], $0xffff  }
0x2db: {  	v29 =	vor.u32 v49, v18;
	[tilespmem:s28+$0xFFFFEC00] =	vst v19;
	v19 =	vld.idx.msk [tilespmem:v30+s31+$0x0], $0xffff  }
0x2dc: {  	v30 =	vor.u32 v22, v55;
	v20 =	vld.idx.msk [tilespmem:v20+s31+$0x0], $0xffff;
	[tilespmem:s25+$0x800] =	vst v21  }
0x2dd: {  	v21 =	vor.u32 v9, v58;
	[tilespmem:s26+$0xFFFFF600] =	vst v23;
	v23 =	vld.idx.msk [tilespmem:v26+s31+$0x0], $0xffff  }
0x2de: {  	v26 =	vor.u32 v45, v57;
	[tilespmem:s29+$0xFFFFE400] =	vst v27;
	v24 =	vld.idx.msk [tilespmem:v24+s31+$0x0], $0xffff  }
0x2df: {  	v27 =	vld.idx.msk [tilespmem:v28+s31+$0x0], $0xffff;
	[tilespmem:s4+$0x1200] =	vst v25;
	v25 =	vor.u32 v14, v56  }
0x2e0: {  	s18 =	simm.s32 $0x60;
	v28 =	vor.u32 v5, v59;
	[tilespmem:s16+$0x0] =	vst v19;
	v19 =	vld.idx.msk [tilespmem:v29+s31+$0x0], $0xffff  }
0x2e1: {  	v29 =	vmov s18;
	[tilespmem:s28+$0xFFFFEE00] =	vst v20;
	v20 =	vld.idx.msk [tilespmem:v30+s31+$0x0], $0xffff;
	v30 =	vor.u32 v50, v18  }
0x2e2: {  	v31 =	vor.u32 v35, v55;
	v29 =	vshll.u32 v29, $0x5;
	v21 =	vld.idx.msk [tilespmem:v21+s31+$0x0], $0xffff;
	[tilespmem:s25+$0xA00] =	vst v23  }
0x2e3: {  	v60 =	vor.u32 v1, v29;
	v23 =	vor.u32 v10, v58;
	[tilespmem:s26+$0xFFFFF800] =	vst v24;
	v24 =	vld.idx.msk [tilespmem:v26+s31+$0x0], $0xffff  }
0x2e4: {  	v26 =	vor.u32 v0, v60;
	[tilespmem:s29+$0xFFFFE600] =	vst v27;
	v25 =	vld.idx.msk [tilespmem:v25+s31+$0x0], $0xffff  }
0x2e5: {  	v27 =	vld.idx.msk [tilespmem:v28+s31+$0x0], $0xffff;
	v28 =	vor.u32 v46, v57;
	[tilespmem:s4+$0x1400] =	vst v19  }
0x2e6: {  	v19 =	vor.u32 v15, v56;
	[tilespmem:s16+$0x200] =	vst v20;
	v20 =	vld.idx.msk [tilespmem:v30+s31+$0x0], $0xffff  }
0x2e7: {  	v29 =	vor.u32 v6, v59;
	[tilespmem:s28+$0xFFFFF000] =	vst v21;
	v21 =	vld.idx.msk [tilespmem:v31+s31+$0x0], $0xffff  }
0x2e8: {  	v30 =	vor.u32 v51, v18;
	v23 =	vld.idx.msk [tilespmem:v23+s31+$0x0], $0xffff  }
0x2e9: {  	v31 =	vor.u32 v38, v55;
	v26 =	vld.idx.msk [tilespmem:v26+s31+$0x0], $0xffff;
	[tilespmem:s25+$0xC00] =	vst v24  }
0x2ea: {  	v24 =	vor.u32 v11, v58;
	[tilespmem:s26+$0xFFFFFA00] =	vst v25;
	v25 =	vld.idx.msk [tilespmem:v28+s31+$0x0], $0xffff  }
0x2eb: {  	v28 =	vor.u32 v2, v60;
	[tilespmem:s29+$0xFFFFE800] =	vst v27;
	v19 =	vld.idx.msk [tilespmem:v19+s31+$0x0], $0xffff  }
0x2ec: {  	v27 =	vld.idx.msk [tilespmem:v29+s31+$0x0], $0xffff;
	v29 =	vor.u32 v47, v57;
	[tilespmem:s4+$0x1600] =	vst v20  }
0x2ed: {  	v20 =	vor.u32 v16, v56;
	[tilespmem:s16+$0x400] =	vst v21;
	v21 =	vld.idx.msk [tilespmem:v30+s31+$0x0], $0xffff  }
0x2ee: {  	s17 =	simm.s32 $0x12460;
	v30 =	vor.u32 v7, v59;
	[tilespmem:s28+$0xFFFFF200] =	vst v23;
	v23 =	vld.idx.msk [tilespmem:v31+s31+$0x0], $0xffff  }
0x2ef: {  	[tilespmem:s17+$0xFFFFE000] =	vst v26;
	v26 =	vor.u32 v52, v18;
	v24 =	vld.idx.msk [tilespmem:v24+s31+$0x0], $0xffff  }
0x2f0: {  	v31 =	vor.u32 v41, v55;
	v28 =	vld.idx.msk [tilespmem:v28+s31+$0x0], $0xffff;
	[tilespmem:s25+$0xE00] =	vst v25  }
0x2f1: {  	v25 =	vor.u32 v12, v58;
	[tilespmem:s26+$0xFFFFFC00] =	vst v19;
	v19 =	vld.idx.msk [tilespmem:v29+s31+$0x0], $0xffff  }
0x2f2: {  	v29 =	vor.u32 v3, v60;
	[tilespmem:s29+$0xFFFFEA00] =	vst v27;
	v20 =	vld.idx.msk [tilespmem:v20+s31+$0x0], $0xffff  }
0x2f3: {  	v27 =	vld.idx.msk [tilespmem:v30+s31+$0x0], $0xffff;
	v30 =	vor.u32 v48, v57;
	[tilespmem:s4+$0x1800] =	vst v21  }
0x2f4: {  	v21 =	vor.u32 v17, v56;
	[tilespmem:s16+$0x600] =	vst v23;
	v23 =	vld.idx.msk [tilespmem:v26+s31+$0x0], $0xffff  }
0x2f5: {  	v26 =	vor.u32 v8, v59;
	[tilespmem:s28+$0xFFFFF400] =	vst v24;
	v24 =	vld.idx.msk [tilespmem:v31+s31+$0x0], $0xffff  }
0x2f6: {  	[tilespmem:s17+$0xFFFFE200] =	vst v28;
	v25 =	vld.idx.msk [tilespmem:v25+s31+$0x0], $0xffff;
	v28 =	vor.u32 v53, v18  }
0x2f7: {  	v31 =	vor.u32 v44, v55;
	v29 =	vld.idx.msk [tilespmem:v29+s31+$0x0], $0xffff;
	[tilespmem:s25+$0x1000] =	vst v19  }
0x2f8: {  	v32 =	vor.u32 v13, v58;
	[tilespmem:s26+$0xFFFFFE00] =	vst v20;
	v20 =	vld.idx.msk [tilespmem:v30+s31+$0x0], $0xffff  }
0x2f9: {  	v30 =	vor.u32 v4, v60;
	[tilespmem:s29+$0xFFFFEC00] =	vst v27;
	v21 =	vld.idx.msk [tilespmem:v21+s31+$0x0], $0xffff  }
0x2fa: {  	v27 =	vor.u32 v49, v57;
	v33 =	vld.idx.msk [tilespmem:v26+s31+$0x0], $0xffff;
	[tilespmem:s4+$0x1A00] =	vst v23  }
0x2fb: {  	v34 =	vor.u32 v22, v56;
	[tilespmem:s16+$0x800] =	vst v24;
	v36 =	vld.idx.msk [tilespmem:v28+s31+$0x0], $0xffff  }
0x2fc: {  	v28 =	vor.u32 v9, v59;
	[tilespmem:s28+$0xFFFFF600] =	vst v25;
	v19 =	vld.idx.msk [tilespmem:v31+s31+$0x0], $0xffff  }
0x2fd: {  	v25 =	vor.u32 v54, v18;
	[tilespmem:s17+$0xFFFFE400] =	vst v29;
	v26 =	vld.idx.msk [tilespmem:v32+s31+$0x0], $0xffff  }
0x2fe: {  	v23 =	vor.u32 v45, v55;
	v29 =	vld.idx.msk [tilespmem:v30+s31+$0x0], $0xffff;
	[tilespmem:s25+$0x1200] =	vst v20  }
0x2ff: {  	[tilespmem:s26+$0x0] =	vst v21;
	v24 =	vld.idx.msk [tilespmem:v27+s31+$0x0], $0xffff;
	v27 =	vor.u32 v14, v58  }
0x300: {  	s18 =	simm.s32 $0x70;
	v30 =	vor.u32 v5, v60;
	[tilespmem:s29+$0xFFFFEE00] =	vst v33;
	v20 =	vld.idx.msk [tilespmem:v34+s31+$0x0], $0xffff  }
0x301: {  	v18 =	vmov s18;
	s18 =	simm.s32 $0x80;
	v21 =	vor.u32 v50, v57;
	v28 =	vld.idx.msk [tilespmem:v28+s31+$0x0], $0xffff;
	[tilespmem:s4+$0x1C00] =	vst v36  }
.LBB2_9:
0x302: {  	p0 =	sne.s32 s18, $0x1F0;
	v18 =	vshll.u32 v18, $0x5;
	v31 =	vor.u32 v35, v56;
	[tilespmem:s16+$0xA00] =	vst v19;
	v19 =	vld.idx.msk [tilespmem:v25+s31+$0x0], $0xffff  }
0x303: {  	v25 =	vor.u32 v10, v59;
	v18 =	vor.u32 v1, v18;
	[tilespmem:s28+$0xFFFFF800] =	vst v26;
	v23 =	vld.idx.msk [tilespmem:v23+s31+$0x0], $0xffff  }
0x304: {  	v26 =	vor.u32 v0, v18;
	[tilespmem:s17+$0xFFFFE600] =	vst v29;
	v27 =	vld.idx.msk [tilespmem:v27+s31+$0x0], $0xffff  }
0x305: {  	v29 =	vld.idx.msk [tilespmem:v30+s31+$0x0], $0xffff;
	v30 =	vor.u32 v46, v55;
	[tilespmem:s25+$0x1400] =	vst v24  }
0x306: {  	v24 =	vor.u32 v15, v58;
	[tilespmem:s26+$0x200] =	vst v20;
	v20 =	vld.idx.msk [tilespmem:v21+s31+$0x0], $0xffff  }
0x307: {  	v21 =	vor.u32 v6, v60;
	[tilespmem:s29+$0xFFFFF000] =	vst v28;
	v28 =	vld.idx.msk [tilespmem:v31+s31+$0x0], $0xffff  }
0x308: {  	v31 =	vor.u32 v51, v57;
	v25 =	vld.idx.msk [tilespmem:v25+s31+$0x0], $0xffff;
	[tilespmem:s4+$0x1E00] =	vst v19;
	s4 =	smov.u32 s25;
	s25 =	smov.u32 s16;
	s16 =	smov.u32 s26  }
0x309: {  	s26 =	smov.u32 s28;
	s28 =	smov.u32 s29;
	s29 =	smov.u32 s17;
	v19 =	vld.idx.msk [tilespmem:v26+s31+$0x0], $0xffff;
	v26 =	vor.u32 v38, v56;
	[tilespmem:s25+$0xC00] =	vst v23  }
0x30a: {  	v23 =	vor.u32 v11, v59;
	[tilespmem:s26+$0xFFFFFA00] =	vst v27;
	v27 =	vld.idx.msk [tilespmem:v30+s31+$0x0], $0xffff  }
0x30b: {  	v30 =	vor.u32 v2, v18;
	[tilespmem:s17+$0xFFFFE800] =	vst v29;
	v24 =	vld.idx.msk [tilespmem:v24+s31+$0x0], $0xffff  }
0x30c: {  	v29 =	vor.u32 v47, v55;
	v21 =	vld.idx.msk [tilespmem:v21+s31+$0x0], $0xffff;
	[tilespmem:s4+$0x1600] =	vst v20  }
0x30d: {  	v20 =	vor.u32 v16, v58;
	[tilespmem:s16+$0x400] =	vst v28;
	v28 =	vld.idx.msk [tilespmem:v31+s31+$0x0], $0xffff  }
0x30e: {  	s17 =	sadd.s32 $0x10, s17;
	v31 =	vor.u32 v7, v60;
	[tilespmem:s28+$0xFFFFF200] =	vst v25;
	v25 =	vld.idx.msk [tilespmem:v26+s31+$0x0], $0xffff  }
0x30f: {  	[tilespmem:s17+$0xFFFFE000] =	vst v19;
	v19 =	vld.idx.msk [tilespmem:v23+s31+$0x0], $0xffff;
	v23 =	vor.u32 v52, v57  }
0x310: {  	v26 =	vld.idx.msk [tilespmem:v30+s31+$0x0], $0xffff;
	v30 =	vor.u32 v41, v56;
	[tilespmem:s25+$0xE00] =	vst v27  }
0x311: {  	v27 =	vor.u32 v12, v59;
	[tilespmem:s26+$0xFFFFFC00] =	vst v24;
	v24 =	vld.idx.msk [tilespmem:v29+s31+$0x0], $0xffff  }
0x312: {  	v29 =	vor.u32 v3, v18;
	[tilespmem:s29+$0xFFFFEA00] =	vst v21;
	v20 =	vld.idx.msk [tilespmem:v20+s31+$0x0], $0xffff  }
0x313: {  	v21 =	vld.idx.msk [tilespmem:v31+s31+$0x0], $0xffff;
	v31 =	vor.u32 v48, v55;
	[tilespmem:s4+$0x1800] =	vst v28  }
0x314: {  	v28 =	vor.u32 v17, v58;
	[tilespmem:s16+$0x600] =	vst v25;
	v23 =	vld.idx.msk [tilespmem:v23+s31+$0x0], $0xffff  }
0x315: {  	v25 =	vor.u32 v8, v60;
	[tilespmem:s28+$0xFFFFF400] =	vst v19;
	v19 =	vld.idx.msk [tilespmem:v30+s31+$0x0], $0xffff  }
0x316: {  	[tilespmem:s17+$0xFFFFE200] =	vst v26;
	v26 =	vld.idx.msk [tilespmem:v27+s31+$0x0], $0xffff;
	v27 =	vor.u32 v53, v57  }
0x317: {  	v30 =	vor.u32 v44, v56;
	v29 =	vld.idx.msk [tilespmem:v29+s31+$0x0], $0xffff;
	[tilespmem:s25+$0x1000] =	vst v24  }
0x318: {  	v24 =	vor.u32 v13, v59;
	[tilespmem:s26+$0xFFFFFE00] =	vst v20;
	v20 =	vld.idx.msk [tilespmem:v31+s31+$0x0], $0xffff  }
0x319: {  	v31 =	vor.u32 v4, v18;
	[tilespmem:s29+$0xFFFFEC00] =	vst v21;
	v21 =	vld.idx.msk [tilespmem:v28+s31+$0x0], $0xffff  }
0x31a: {  	v32 =	vor.u32 v49, v55;
	v28 =	vld.idx.msk [tilespmem:v25+s31+$0x0], $0xffff;
	[tilespmem:s4+$0x1A00] =	vst v23  }
0x31b: {  	v33 =	vor.u32 v22, v58;
	[tilespmem:s16+$0x800] =	vst v19;
	v34 =	vld.idx.msk [tilespmem:v27+s31+$0x0], $0xffff  }
0x31c: {  	v36 =	vor.u32 v9, v60;
	[tilespmem:s28+$0xFFFFF600] =	vst v26;
	v19 =	vld.idx.msk [tilespmem:v30+s31+$0x0], $0xffff  }
.Ltmp3:
0x31d: {  	v25 =	vor.u32 v54, v57;
	v57 =	vmovc v55;
	v55 =	vmov v56;
	v56 =	vmov v58;
	[tilespmem:s17+$0xFFFFE400] =	vst v29;
	v26 =	vld.idx.msk [tilespmem:v24+s31+$0x0], $0xffff;
	(pc) =	sbr.rel @p0 .LBB2_9-.Ltmp3, $4  }
0x31e: {  	v58 =	vmovc v59;
	v59 =	vmov v60;
	v60 =	vmov v18;
	v23 =	vor.u32 v45, v55;
	v29 =	vld.idx.msk [tilespmem:v31+s31+$0x0], $0xffff;
	[tilespmem:s25+$0x1200] =	vst v20  }
0x31f: {  	v27 =	vor.u32 v14, v58;
	[tilespmem:s26+$0x0] =	vst v21;
	v24 =	vld.idx.msk [tilespmem:v32+s31+$0x0], $0xffff  }
0x320: {  	v30 =	vor.u32 v5, v60;
	[tilespmem:s29+$0xFFFFEE00] =	vst v28;
	v20 =	vld.idx.msk [tilespmem:v33+s31+$0x0], $0xffff  }
0x321: {  	v18 =	vmov s18;
	s18 =	sadd.s32 $0x10, s18;
	v21 =	vor.u32 v50, v57;
	v28 =	vld.idx.msk [tilespmem:v36+s31+$0x0], $0xffff;
	[tilespmem:s4+$0x1C00] =	vst v34  }
0x322: {  	v18 =	vshll.u32 v18, $0x5  }
0x323: {  	v18 =	vor.u32 v1, v18  }
0x324: {  	v31 =	vor.u32 v0, v18;
	_ =	sdelay $0x4  }
0x325: {  	v31 =	vld.idx.msk [tilespmem:v31+s31+$0x0], $0xffff  }
0x326: {  	v32 =	vor.u32 v2, v18;
	_ =	sdelay $0x2  }
0x327: {  	s18 =	sadd.s32 $0x10, s17  }
0x328: {  	[tilespmem:s18+$0xFFFFE000] =	vst v31  }
0x329: {  	v31 =	vld.idx.msk [tilespmem:v32+s31+$0x0], $0xffff  }
0x32a: {  	v61 =	vor.u32 v3, v18;
	_ =	sdelay $0x3  }
0x32b: {  	[tilespmem:s18+$0xFFFFE200] =	vst v31  }
0x32c: {  	v31 =	vld.idx.msk [tilespmem:v61+s31+$0x0], $0xffff  }
0x32d: {  	v62 =	vor.u32 v4, v18;
	_ =	sdelay $0x3  }
0x32e: {  	[tilespmem:s18+$0xFFFFE400] =	vst v31  }
0x32f: {  	v31 =	vld.idx.msk [tilespmem:v62+s31+$0x0], $0xffff  }
0x330: {  	v63 =	vor.u32 v5, v18;
	_ =	sdelay $0x2  }
0x331: {  	[tilespmem:s17+$0xFFFFE600] =	vst v29  }
0x332: {  	v29 =	vld.idx.msk [tilespmem:v30+s31+$0x0], $0xffff;
	[tilespmem:s18+$0xFFFFE600] =	vst v31  }
0x333: {  	v36 =	vor.u32 v6, v60;
	v31 =	vld.idx.msk [tilespmem:v63+s31+$0x0], $0xffff  }
0x334: {  	v37 =	vor.u32 v6, v18;
	_ =	sdelay $0x2  }
0x335: {  	[tilespmem:s17+$0xFFFFE800] =	vst v29  }
0x336: {  	v29 =	vld.idx.msk [tilespmem:v36+s31+$0x0], $0xffff;
	[tilespmem:s18+$0xFFFFE800] =	vst v31  }
0x337: {  	v39 =	vor.u32 v7, v60;
	v31 =	vld.idx.msk [tilespmem:v37+s31+$0x0], $0xffff  }
0x338: {  	v61 =	vor.u32 v7, v18;
	_ =	sdelay $0x2  }
0x339: {  	[tilespmem:s17+$0xFFFFEA00] =	vst v29  }
0x33a: {  	v29 =	vld.idx.msk [tilespmem:v39+s31+$0x0], $0xffff;
	[tilespmem:s18+$0xFFFFEA00] =	vst v31  }
0x33b: {  	v62 =	vor.u32 v8, v60;
	v31 =	vld.idx.msk [tilespmem:v61+s31+$0x0], $0xffff  }
0x33c: {  	v63 =	vor.u32 v8, v18;
	_ =	sdelay $0x2  }
0x33d: {  	[tilespmem:s17+$0xFFFFEC00] =	vst v29  }
0x33e: {  	v29 =	vld.idx.msk [tilespmem:v62+s31+$0x0], $0xffff;
	[tilespmem:s18+$0xFFFFEC00] =	vst v31  }
0x33f: {  	v36 =	vor.u32 v9, v60;
	v31 =	vld.idx.msk [tilespmem:v63+s31+$0x0], $0xffff  }
0x340: {  	v37 =	vor.u32 v9, v18;
	_ =	sdelay $0x2  }
0x341: {  	v39 =	vor.u32 v10, v59;
	[tilespmem:s17+$0xFFFFEE00] =	vst v29  }
0x342: {  	v30 =	vld.idx.msk [tilespmem:v36+s31+$0x0], $0xffff;
	[tilespmem:s18+$0xFFFFEE00] =	vst v31  }
0x343: {  	v61 =	vor.u32 v10, v60;
	v32 =	vld.idx.msk [tilespmem:v37+s31+$0x0], $0xffff  }
0x344: {  	v33 =	vor.u32 v10, v18  }
0x345: {  	[tilespmem:s29+$0xFFFFF000] =	vst v28  }
0x346: {  	v28 =	vld.idx.msk [tilespmem:v39+s31+$0x0], $0xffff  }
0x347: {  	v62 =	vor.u32 v11, v59;
	[tilespmem:s17+$0xFFFFF000] =	vst v30  }
0x348: {  	v30 =	vld.idx.msk [tilespmem:v61+s31+$0x0], $0xffff;
	[tilespmem:s18+$0xFFFFF000] =	vst v32  }
0x349: {  	v63 =	vor.u32 v11, v60;
	v32 =	vld.idx.msk [tilespmem:v33+s31+$0x0], $0xffff  }
0x34a: {  	v36 =	vor.u32 v11, v18  }
0x34b: {  	[tilespmem:s29+$0xFFFFF200] =	vst v28  }
0x34c: {  	v28 =	vld.idx.msk [tilespmem:v62+s31+$0x0], $0xffff  }
0x34d: {  	[tilespmem:s17+$0xFFFFF200] =	vst v30;
	v37 =	vor.u32 v12, v59  }
0x34e: {  	v30 =	vld.idx.msk [tilespmem:v63+s31+$0x0], $0xffff;
	[tilespmem:s18+$0xFFFFF200] =	vst v32  }
0x34f: {  	v39 =	vor.u32 v12, v60;
	v32 =	vld.idx.msk [tilespmem:v36+s31+$0x0], $0xffff  }
0x350: {  	v61 =	vor.u32 v12, v18  }
0x351: {  	[tilespmem:s29+$0xFFFFF400] =	vst v28  }
0x352: {  	v28 =	vld.idx.msk [tilespmem:v37+s31+$0x0], $0xffff  }
0x353: {  	v62 =	vor.u32 v13, v59;
	[tilespmem:s17+$0xFFFFF400] =	vst v30  }
0x354: {  	v30 =	vld.idx.msk [tilespmem:v39+s31+$0x0], $0xffff;
	[tilespmem:s18+$0xFFFFF400] =	vst v32  }
0x355: {  	v63 =	vor.u32 v13, v60;
	v32 =	vld.idx.msk [tilespmem:v61+s31+$0x0], $0xffff  }
0x356: {  	v36 =	vor.u32 v13, v18  }
0x357: {  	[tilespmem:s29+$0xFFFFF600] =	vst v28  }
0x358: {  	v28 =	vld.idx.msk [tilespmem:v62+s31+$0x0], $0xffff  }
0x359: {  	v37 =	vor.u32 v14, v59;
	[tilespmem:s17+$0xFFFFF600] =	vst v30  }
0x35a: {  	v30 =	vld.idx.msk [tilespmem:v63+s31+$0x0], $0xffff;
	[tilespmem:s18+$0xFFFFF600] =	vst v32  }
0x35b: {  	[tilespmem:s28+$0xFFFFF800] =	vst v26;
	v39 =	vor.u32 v14, v60;
	v32 =	vld.idx.msk [tilespmem:v36+s31+$0x0], $0xffff  }
0x35c: {  	v26 =	vld.idx.msk [tilespmem:v27+s31+$0x0], $0xffff;
	v61 =	vor.u32 v14, v18  }
0x35d: {  	v62 =	vor.u32 v15, v58;
	[tilespmem:s29+$0xFFFFF800] =	vst v28  }
0x35e: {  	v28 =	vld.idx.msk [tilespmem:v37+s31+$0x0], $0xffff  }
0x35f: {  	v63 =	vor.u32 v15, v59;
	[tilespmem:s17+$0xFFFFF800] =	vst v30  }
0x360: {  	v30 =	vld.idx.msk [tilespmem:v39+s31+$0x0], $0xffff;
	[tilespmem:s18+$0xFFFFF800] =	vst v32  }
0x361: {  	[tilespmem:s28+$0xFFFFFA00] =	vst v26;
	v36 =	vor.u32 v15, v60;
	v32 =	vld.idx.msk [tilespmem:v61+s31+$0x0], $0xffff  }
0x362: {  	v26 =	vld.idx.msk [tilespmem:v62+s31+$0x0], $0xffff;
	v37 =	vor.u32 v15, v18  }
0x363: {  	v39 =	vor.u32 v16, v58;
	[tilespmem:s29+$0xFFFFFA00] =	vst v28  }
0x364: {  	v28 =	vld.idx.msk [tilespmem:v63+s31+$0x0], $0xffff  }
0x365: {  	[tilespmem:s17+$0xFFFFFA00] =	vst v30;
	v61 =	vor.u32 v16, v59  }
0x366: {  	v30 =	vld.idx.msk [tilespmem:v36+s31+$0x0], $0xffff;
	[tilespmem:s18+$0xFFFFFA00] =	vst v32  }
0x367: {  	v62 =	vor.u32 v16, v60;
	[tilespmem:s28+$0xFFFFFC00] =	vst v26;
	v32 =	vld.idx.msk [tilespmem:v37+s31+$0x0], $0xffff  }
0x368: {  	v26 =	vld.idx.msk [tilespmem:v39+s31+$0x0], $0xffff;
	v63 =	vor.u32 v16, v18  }
0x369: {  	[tilespmem:s29+$0xFFFFFC00] =	vst v28;
	v36 =	vor.u32 v17, v58  }
0x36a: {  	v28 =	vld.idx.msk [tilespmem:v61+s31+$0x0], $0xffff  }
0x36b: {  	v25 =	vld.idx.msk [tilespmem:v25+s31+$0x0], $0xffff;
	[tilespmem:s17+$0xFFFFFC00] =	vst v30;
	v37 =	vor.u32 v17, v59  }
0x36c: {  	v30 =	vld.idx.msk [tilespmem:v62+s31+$0x0], $0xffff;
	[tilespmem:s18+$0xFFFFFC00] =	vst v32  }
0x36d: {  	v39 =	vor.u32 v17, v60;
	[tilespmem:s28+$0xFFFFFE00] =	vst v26;
	v32 =	vld.idx.msk [tilespmem:v63+s31+$0x0], $0xffff  }
0x36e: {  	[tilespmem:s16+$0xA00] =	vst v19;
	v26 =	vld.idx.msk [tilespmem:v36+s31+$0x0], $0xffff;
	v61 =	vor.u32 v17, v18  }
0x36f: {  	v62 =	vor.u32 v22, v58;
	[tilespmem:s29+$0xFFFFFE00] =	vst v28  }
0x370: {  	[tilespmem:s4+$0x1E00] =	vst v25;
	v28 =	vld.idx.msk [tilespmem:v37+s31+$0x0], $0xffff  }
0x371: {  	[tilespmem:s17+$0xFFFFFE00] =	vst v30;
	v63 =	vor.u32 v22, v59  }
0x372: {  	v30 =	vld.idx.msk [tilespmem:v39+s31+$0x0], $0xffff;
	[tilespmem:s18+$0xFFFFFE00] =	vst v32  }
0x373: {  	v19 =	vor.u32 v22, v60;
	[tilespmem:s28+$0x0] =	vst v26;
	v25 =	vld.idx.msk [tilespmem:v61+s31+$0x0], $0xffff  }
0x374: {  	[tilespmem:s25+$0x1400] =	vst v24;
	v33 =	vor.u32 v22, v18;
	v27 =	vld.idx.msk [tilespmem:v62+s31+$0x0], $0xffff  }
0x375: {  	v23 =	vld.idx.msk [tilespmem:v23+s31+$0x0], $0xffff;
	v36 =	vor.u32 v35, v58;
	[tilespmem:s29+$0x0] =	vst v28  }
0x376: {  	v34 =	vor.u32 v35, v56;
	[tilespmem:s26+$0x200] =	vst v20;
	v29 =	vld.idx.msk [tilespmem:v63+s31+$0x0], $0xffff  }
0x377: {  	v21 =	vld.idx.msk [tilespmem:v21+s31+$0x0], $0xffff;
	v37 =	vor.u32 v35, v59;
	[tilespmem:s17+$0x0] =	vst v30  }
0x378: {  	v19 =	vld.idx.msk [tilespmem:v19+s31+$0x0], $0xffff;
	[tilespmem:s18+$0x0] =	vst v25  }
0x379: {  	v20 =	vor.u32 v35, v60;
	[tilespmem:s28+$0x200] =	vst v27;
	v24 =	vld.idx.msk [tilespmem:v33+s31+$0x0], $0xffff  }
0x37a: {  	[tilespmem:s16+$0xC00] =	vst v23;
	v23 =	vor.u32 v35, v18;
	v28 =	vld.idx.msk [tilespmem:v36+s31+$0x0], $0xffff  }
0x37b: {  	v26 =	vld.idx.msk [tilespmem:v34+s31+$0x0], $0xffff;
	v62 =	vor.u32 v38, v58;
	[tilespmem:s29+$0x200] =	vst v29  }
0x37c: {  	[tilespmem:s25+$0x1600] =	vst v21;
	v61 =	vor.u32 v38, v56;
	v30 =	vld.idx.msk [tilespmem:v37+s31+$0x0], $0xffff  }
0x37d: {  	[tilespmem:s17+$0x200] =	vst v19;
	v19 =	vor.u32 v38, v59  }
0x37e: {  	v39 =	vor.u32 v46, v55;
	v20 =	vld.idx.msk [tilespmem:v20+s31+$0x0], $0xffff;
	[tilespmem:s18+$0x200] =	vst v24  }
0x37f: {  	v21 =	vor.u32 v38, v60;
	[tilespmem:s28+$0x400] =	vst v28;
	v23 =	vld.idx.msk [tilespmem:v23+s31+$0x0], $0xffff  }
0x380: {  	[tilespmem:s26+$0x400] =	vst v26;
	v29 =	vld.idx.msk [tilespmem:v62+s31+$0x0], $0xffff;
	v33 =	vor.u32 v38, v18  }
0x381: {  	v27 =	vld.idx.msk [tilespmem:v61+s31+$0x0], $0xffff;
	v37 =	vor.u32 v41, v58;
	[tilespmem:s29+$0x400] =	vst v30  }
0x382: {  	v36 =	vor.u32 v41, v56;
	v19 =	vld.idx.msk [tilespmem:v19+s31+$0x0], $0xffff  }
0x383: {  	v63 =	vld.idx.msk [tilespmem:v39+s31+$0x0], $0xffff;
	[tilespmem:s17+$0x400] =	vst v20;
	v20 =	vor.u32 v41, v59  }
0x384: {  	v34 =	vor.u32 v51, v57;
	v21 =	vld.idx.msk [tilespmem:v21+s31+$0x0], $0xffff;
	[tilespmem:s18+$0x400] =	vst v23  }
0x385: {  	[tilespmem:s28+$0x600] =	vst v29;
	v23 =	vor.u32 v41, v60;
	v39 =	vld.idx.msk [tilespmem:v33+s31+$0x0], $0xffff  }
0x386: {  	v62 =	vor.u32 v41, v18;
	[tilespmem:s26+$0x600] =	vst v27;
	v30 =	vld.idx.msk [tilespmem:v37+s31+$0x0], $0xffff  }
0x387: {  	v28 =	vld.idx.msk [tilespmem:v36+s31+$0x0], $0xffff;
	[tilespmem:s29+$0x600] =	vst v19;
	v19 =	vor.u32 v44, v58  }
0x388: {  	[tilespmem:s16+$0xE00] =	vst v63;
	v20 =	vld.idx.msk [tilespmem:v20+s31+$0x0], $0xffff;
	v33 =	vor.u32 v44, v56  }
0x389: {  	v61 =	vld.idx.msk [tilespmem:v34+s31+$0x0], $0xffff;
	[tilespmem:s17+$0x600] =	vst v21;
	v21 =	vor.u32 v44, v59  }
0x38a: {  	v63 =	vor.u32 v47, v55;
	v23 =	vld.idx.msk [tilespmem:v23+s31+$0x0], $0xffff;
	[tilespmem:s18+$0x600] =	vst v39  }
0x38b: {  	v34 =	vor.u32 v44, v60;
	[tilespmem:s28+$0x800] =	vst v30;
	v36 =	vld.idx.msk [tilespmem:v62+s31+$0x0], $0xffff  }
0x38c: {  	[tilespmem:s26+$0x800] =	vst v28;
	v19 =	vld.idx.msk [tilespmem:v19+s31+$0x0], $0xffff;
	v39 =	vor.u32 v44, v18  }
0x38d: {  	[tilespmem:s29+$0x800] =	vst v20;
	v20 =	vor.u32 v45, v58;
	v29 =	vld.idx.msk [tilespmem:v33+s31+$0x0], $0xffff  }
0x38e: {  	[tilespmem:s25+$0x1800] =	vst v61;
	v61 =	vor.u32 v45, v56;
	v21 =	vld.idx.msk [tilespmem:v21+s31+$0x0], $0xffff  }
0x38f: {  	v37 =	vld.idx.msk [tilespmem:v63+s31+$0x0], $0xffff;
	v44 =	vor.u32 v52, v57;
	[tilespmem:s17+$0x800] =	vst v23  }
0x390: {  	v23 =	vor.u32 v45, v59;
	v24 =	vld.idx.msk [tilespmem:v34+s31+$0x0], $0xffff;
	[tilespmem:s18+$0x800] =	vst v36  }
0x391: {  	v62 =	vor.u32 v45, v60;
	[tilespmem:s28+$0xA00] =	vst v19;
	v63 =	vld.idx.msk [tilespmem:v39+s31+$0x0], $0xffff  }
0x392: {  	v20 =	vld.idx.msk [tilespmem:v20+s31+$0x0], $0xffff;
	[tilespmem:s26+$0xA00] =	vst v29;
	v34 =	vor.u32 v45, v18  }
0x393: {  	[tilespmem:s29+$0xA00] =	vst v21;
	v21 =	vor.u32 v46, v58;
	v30 =	vld.idx.msk [tilespmem:v61+s31+$0x0], $0xffff  }
0x394: {  	[tilespmem:s16+$0x1000] =	vst v37;
	v19 =	vor.u32 v46, v56;
	v33 =	vld.idx.msk [tilespmem:v44+s31+$0x0], $0xffff  }
0x395: {  	v36 =	vor.u32 v48, v55;
	v23 =	vld.idx.msk [tilespmem:v23+s31+$0x0], $0xffff;
	[tilespmem:s17+$0xA00] =	vst v24  }
0x396: {  	v37 =	vor.u32 v46, v59;
	v25 =	vld.idx.msk [tilespmem:v62+s31+$0x0], $0xffff;
	[tilespmem:s18+$0xA00] =	vst v63  }
0x397: {  	v39 =	vor.u32 v46, v60;
	[tilespmem:s28+$0xC00] =	vst v20;
	v44 =	vld.idx.msk [tilespmem:v34+s31+$0x0], $0xffff  }
0x398: {  	v61 =	vor.u32 v46, v18;
	v21 =	vld.idx.msk [tilespmem:v21+s31+$0x0], $0xffff;
	[tilespmem:s26+$0xC00] =	vst v30  }
0x399: {  	[tilespmem:s25+$0x1A00] =	vst v33;
	v62 =	vor.u32 v53, v57;
	v19 =	vld.idx.msk [tilespmem:v19+s31+$0x0], $0xffff  }
0x39a: {  	v20 =	vor.u32 v47, v56;
	v45 =	vld.idx.msk [tilespmem:v36+s31+$0x0], $0xffff;
	[tilespmem:s29+$0xC00] =	vst v23  }
0x39b: {  	v23 =	vor.u32 v47, v58;
	v24 =	vld.idx.msk [tilespmem:v37+s31+$0x0], $0xffff;
	[tilespmem:s17+$0xC00] =	vst v25  }
0x39c: {  	v63 =	vor.u32 v47, v59;
	v26 =	vld.idx.msk [tilespmem:v39+s31+$0x0], $0xffff;
	[tilespmem:s18+$0xC00] =	vst v44  }
0x39d: {  	v33 =	vor.u32 v47, v60;
	[tilespmem:s28+$0xE00] =	vst v21;
	v34 =	vld.idx.msk [tilespmem:v61+s31+$0x0], $0xffff  }
0x39e: {  	v36 =	vld.idx.msk [tilespmem:v62+s31+$0x0], $0xffff;
	[tilespmem:s26+$0xE00] =	vst v19;
	v19 =	vor.u32 v47, v18  }
0x39f: {  	v37 =	vor.u32 v49, v55;
	[tilespmem:s16+$0x1200] =	vst v45;
	v20 =	vld.idx.msk [tilespmem:v20+s31+$0x0], $0xffff  }
0x3a0: {  	v21 =	vor.u32 v48, v56;
	v23 =	vld.idx.msk [tilespmem:v23+s31+$0x0], $0xffff;
	[tilespmem:s29+$0xE00] =	vst v24  }
0x3a1: {  	v39 =	vor.u32 v48, v58;
	v25 =	vld.idx.msk [tilespmem:v63+s31+$0x0], $0xffff;
	[tilespmem:s17+$0xE00] =	vst v26  }
0x3a2: {  	v44 =	vor.u32 v48, v59;
	v27 =	vld.idx.msk [tilespmem:v33+s31+$0x0], $0xffff;
	[tilespmem:s18+$0xE00] =	vst v34  }
0x3a3: {  	v45 =	vor.u32 v48, v60;
	[tilespmem:s25+$0x1C00] =	vst v36;
	v19 =	vld.idx.msk [tilespmem:v19+s31+$0x0], $0xffff  }
0x3a4: {  	v46 =	vld.idx.msk [tilespmem:v37+s31+$0x0], $0xffff;
	[tilespmem:s26+$0x1000] =	vst v20;
	v20 =	vor.u32 v48, v18  }
0x3a5: {  	v47 =	vor.u32 v54, v57;
	v21 =	vld.idx.msk [tilespmem:v21+s31+$0x0], $0xffff;
	[tilespmem:s28+$0x1000] =	vst v23  }
0x3a6: {  	v23 =	vor.u32 v49, v56;
	v24 =	vld.idx.msk [tilespmem:v39+s31+$0x0], $0xffff;
	[tilespmem:s29+$0x1000] =	vst v25  }
0x3a7: {  	v48 =	vor.u32 v49, v58;
	v26 =	vld.idx.msk [tilespmem:v44+s31+$0x0], $0xffff;
	[tilespmem:s17+$0x1000] =	vst v27  }
0x3a8: {  	v57 =	vor.u32 v49, v59;
	v28 =	vld.idx.msk [tilespmem:v45+s31+$0x0], $0xffff;
	[tilespmem:s18+$0x1000] =	vst v19  }
0x3a9: {  	[tilespmem:s16+$0x1400] =	vst v46;
	v19 =	vor.u32 v49, v60;
	v20 =	vld.idx.msk [tilespmem:v20+s31+$0x0], $0xffff  }
0x3aa: {  	v61 =	vld.idx.msk [tilespmem:v47+s31+$0x0], $0xffff;
	[tilespmem:s26+$0x1200] =	vst v21;
	v21 =	vor.u32 v49, v18  }
0x3ab: {  	v62 =	vor.u32 v50, v55;
	v23 =	vld.idx.msk [tilespmem:v23+s31+$0x0], $0xffff;
	[tilespmem:s28+$0x1200] =	vst v24  }
0x3ac: {  	v63 =	vor.u32 v50, v56;
	v25 =	vld.idx.msk [tilespmem:v48+s31+$0x0], $0xffff;
	[tilespmem:s29+$0x1200] =	vst v26  }
0x3ad: {  	v33 =	vor.u32 v50, v58;
	v27 =	vld.idx.msk [tilespmem:v57+s31+$0x0], $0xffff;
	[tilespmem:s17+$0x1200] =	vst v28  }
0x3ae: {  	v34 =	vor.u32 v50, v59;
	v19 =	vld.idx.msk [tilespmem:v19+s31+$0x0], $0xffff;
	[tilespmem:s18+$0x1200] =	vst v20  }
0x3af: {  	[tilespmem:s25+$0x1E00] =	vst v61;
	v20 =	vor.u32 v50, v60;
	v21 =	vld.idx.msk [tilespmem:v21+s31+$0x0], $0xffff  }
0x3b0: {  	v36 =	vld.idx.msk [tilespmem:v62+s31+$0x0], $0xffff;
	[tilespmem:s26+$0x1400] =	vst v23;
	v23 =	vor.u32 v50, v18  }
0x3b1: {  	v37 =	vor.u32 v51, v55;
	v24 =	vld.idx.msk [tilespmem:v63+s31+$0x0], $0xffff;
	[tilespmem:s28+$0x1400] =	vst v25  }
0x3b2: {  	v39 =	vor.u32 v51, v56;
	v26 =	vld.idx.msk [tilespmem:v33+s31+$0x0], $0xffff;
	[tilespmem:s29+$0x1400] =	vst v27  }
0x3b3: {  	v44 =	vor.u32 v51, v58;
	v28 =	vld.idx.msk [tilespmem:v34+s31+$0x0], $0xffff;
	[tilespmem:s17+$0x1400] =	vst v19  }
0x3b4: {  	v19 =	vor.u32 v51, v59;
	v20 =	vld.idx.msk [tilespmem:v20+s31+$0x0], $0xffff;
	[tilespmem:s18+$0x1400] =	vst v21  }
0x3b5: {  	[tilespmem:s16+$0x1600] =	vst v36;
	v21 =	vor.u32 v51, v60;
	v23 =	vld.idx.msk [tilespmem:v23+s31+$0x0], $0xffff  }
0x3b6: {  	v45 =	vor.u32 v51, v18;
	v29 =	vld.idx.msk [tilespmem:v37+s31+$0x0], $0xffff;
	[tilespmem:s26+$0x1600] =	vst v24  }
0x3b7: {  	v46 =	vor.u32 v52, v55;
	v25 =	vld.idx.msk [tilespmem:v39+s31+$0x0], $0xffff;
	[tilespmem:s28+$0x1600] =	vst v26  }
0x3b8: {  	v47 =	vor.u32 v52, v56;
	v27 =	vld.idx.msk [tilespmem:v44+s31+$0x0], $0xffff;
	[tilespmem:s29+$0x1600] =	vst v28  }
0x3b9: {  	v48 =	vor.u32 v52, v58;
	v19 =	vld.idx.msk [tilespmem:v19+s31+$0x0], $0xffff;
	[tilespmem:s17+$0x1600] =	vst v20  }
0x3ba: {  	v20 =	vor.u32 v52, v59;
	v21 =	vld.idx.msk [tilespmem:v21+s31+$0x0], $0xffff;
	[tilespmem:s18+$0x1600] =	vst v23  }
0x3bb: {  	[tilespmem:s16+$0x1800] =	vst v29;
	v23 =	vor.u32 v52, v60;
	v24 =	vld.idx.msk [tilespmem:v45+s31+$0x0], $0xffff  }
0x3bc: {  	v49 =	vor.u32 v52, v18;
	v29 =	vld.idx.msk [tilespmem:v46+s31+$0x0], $0xffff;
	[tilespmem:s26+$0x1800] =	vst v25  }
0x3bd: {  	v50 =	vor.u32 v53, v55;
	v26 =	vld.idx.msk [tilespmem:v47+s31+$0x0], $0xffff;
	[tilespmem:s28+$0x1800] =	vst v27  }
0x3be: {  	v51 =	vor.u32 v53, v56;
	v28 =	vld.idx.msk [tilespmem:v48+s31+$0x0], $0xffff;
	[tilespmem:s29+$0x1800] =	vst v19  }
0x3bf: {  	v19 =	vor.u32 v53, v58;
	v20 =	vld.idx.msk [tilespmem:v20+s31+$0x0], $0xffff;
	[tilespmem:s17+$0x1800] =	vst v21  }
0x3c0: {  	v21 =	vor.u32 v53, v59;
	v23 =	vld.idx.msk [tilespmem:v23+s31+$0x0], $0xffff;
	[tilespmem:s18+$0x1800] =	vst v24  }
0x3c1: {  	[tilespmem:s16+$0x1A00] =	vst v29;
	v52 =	vor.u32 v53, v60;
	v25 =	vld.idx.msk [tilespmem:v49+s31+$0x0], $0xffff  }
0x3c2: {  	v57 =	vor.u32 v53, v18;
	v29 =	vld.idx.msk [tilespmem:v50+s31+$0x0], $0xffff;
	[tilespmem:s26+$0x1A00] =	vst v26  }
0x3c3: {  	v61 =	vor.u32 v54, v55;
	v27 =	vld.idx.msk [tilespmem:v51+s31+$0x0], $0xffff;
	[tilespmem:s28+$0x1A00] =	vst v28  }
0x3c4: {  	v62 =	vor.u32 v54, v56;
	v19 =	vld.idx.msk [tilespmem:v19+s31+$0x0], $0xffff;
	[tilespmem:s29+$0x1A00] =	vst v20  }
0x3c5: {  	v20 =	vor.u32 v54, v58;
	v21 =	vld.idx.msk [tilespmem:v21+s31+$0x0], $0xffff;
	[tilespmem:s17+$0x1A00] =	vst v23  }
0x3c6: {  	v23 =	vor.u32 v54, v59;
	v24 =	vld.idx.msk [tilespmem:v52+s31+$0x0], $0xffff;
	[tilespmem:s18+$0x1A00] =	vst v25  }
0x3c7: {  	v63 =	vor.u32 v54, v60;
	[tilespmem:s16+$0x1C00] =	vst v29;
	v26 =	vld.idx.msk [tilespmem:v57+s31+$0x0], $0xffff  }
0x3c8: {  	v18 =	vor.u32 v54, v18;
	v29 =	vld.idx.msk [tilespmem:v61+s31+$0x0], $0xffff;
	[tilespmem:s26+$0x1C00] =	vst v27  }
0x3c9: {  	v27 =	vld.idx.msk [tilespmem:v62+s31+$0x0], $0xffff;
	[tilespmem:s28+$0x1C00] =	vst v19  }
0x3ca: {  	v19 =	vld.idx.msk [tilespmem:v20+s31+$0x0], $0xffff;
	[tilespmem:s29+$0x1C00] =	vst v21  }
0x3cb: {  	v20 =	vld.idx.msk [tilespmem:v23+s31+$0x0], $0xffff;
	[tilespmem:s17+$0x1C00] =	vst v24  }
0x3cc: {  	v21 =	vld.idx.msk [tilespmem:v63+s31+$0x0], $0xffff;
	[tilespmem:s18+$0x1C00] =	vst v26  }
0x3cd: {  	[tilespmem:s16+$0x1E00] =	vst v29;
	v18 =	vld.idx.msk [tilespmem:v18+s31+$0x0], $0xffff  }
0x3ce: {  	[tilespmem:s26+$0x1E00] =	vst v27  }
0x3cf: {  	[tilespmem:s28+$0x1E00] =	vst v19  }
0x3d0: {  	[tilespmem:s29+$0x1E00] =	vst v20  }
0x3d1: {  	[tilespmem:s17+$0x1E00] =	vst v21  }
0x3d2: {  	s4 =	sadd.s32 @!p1 s7, s22;
	s16 =	simm.s32 @!p1 $0x0;
	s17 =	simm.s32 @!p1 $0x200;
	[tilespmem:s18+$0x1E00] =	vst v18  }
0x3d3: {  	[tilespmem:s17], [sflag:$0x5] =	stream.linear.gather @!p1 [hbm4b:s4+s16], $0x200, $0x38;
	[tilespmem:$0x15D00] =	vst v63  }
0x3d4: {  	s4 =	simm.s32 @!p1 $0x5  }
0x3d5: {  	_ =	swait.ge @!p1 [sflag:s4], $0x200  }
0x3d6: {  	[sflag:s4] =	ssyncset.done @!p1 $0x0  }
0x3d7: {  	s16 =	simm.s32 @!p1 $0x4400;
	[sflag:s4] =	ssyncadd.s32 @!p1 $0xFFFFFE00;
	s4 =	simm.s32 @!p1 $0x80  }
0x3d8: {  	[tilespmem:s16], [sflag:$0x2] =	stream.indirect.gather @!p1 [hbm4b:s3+s4], $0x20, s17, s4, $0xb8;
	[tilespmem:$0x15D00] =	vst v63  }
0x3d9: {  	p0 =	sne.s32 s14, $0x19;
	s16 =	simm.s32 @!p1 $0x280;
	s17 =	simm.s32 @!p1 $0x5400  }
0x3da: {  	[tilespmem:s17], [sflag:$0x2] =	stream.indirect.gather @!p1 [hbm4b:s3+s4], $0x20, s16, s4, $0xb8;
	[tilespmem:$0x15D00] =	vst v63  }
0x3db: {  	s29 =	sadd.s32 s5, s20;
	s16 =	simm.s32 @!p1 $0x300;
	s17 =	simm.s32 @!p1 $0x6400  }
0x3dc: {  	[tilespmem:s17], [sflag:$0x2] =	stream.indirect.gather @!p1 [hbm4b:s3+s4], $0x20, s16, s4, $0xb8;
	[tilespmem:$0x15D00] =	vst v63  }
.Ltmp4:
0x3dd: {  	s16 =	simm.s32 @!p1 $0x380;
	s17 =	simm.s32 @!p1 $0x7400;
	(pc) =	sbr.rel @p0 .LBB2_2-.Ltmp4, $4  }
0x3de: {  	[tilespmem:s17], [sflag:$0x2] =	stream.indirect.gather @!p1 [hbm4b:s3+s4], $0x20, s16, s4, $0xb8;
	[tilespmem:$0x15D00] =	vst v63  }
0x3df: {  	s4 =	sadd.s32 s21, s29  }
0x3e0: {  	s4 =	sadd.s32 $0x40, s4  }
0x3e1: {  	[hbm4b:s4+s15] =	stream.strided.scatter [tilespmem:s9], [sflag:$0x4], $0x4000, s0, s15, $0x38;
	[tilespmem:$0x15D00] =	vst v63  }
0x3e2: {  	_ =	swait.ge [sflag:s10], $0x4000  }
0x3e3: {  	[sflag:s10] =	ssyncset.done $0x0  }
0x3e4: {  	[sflag:s10] =	ssyncadd.s32 $0xFFFFC000  }
0x3e5: {  	_ =	swait.ge [sflag:s12], $0x4000  }
0x3e6: {  	s13 =	sadd.s32 $0x1, s13;
	s4 =	rddreg [dreg:$0x5]  }
0x3e7: {  	p0 =	sne.s32 s13, s4  }
.Ltmp5:
0x3e8: {  	_ = 	snop;
	(pc) =	sbr.rel @p0 .LBB2_1-.Ltmp5, $3  }
0x3e9: {  	_ =	sdelay $0x1  }
0x3ea: {  	[sflag:s12] =	ssyncset.done $0x0  }
0x3eb: {  	[sflag:s12] =	ssyncadd.s32 $0xFFFFC000  }
0x3ec: {  	_ =	sfence.sel $0x180000  }
0x3ed: {  	[bflag:$0x0] =	sbarrier.arrive $0xFFFF  }
0x3ee: {  	_ =	strace $0x90000047  }
0x3ef: {  	s0 =	stileid.u32;
	[bflag:$0x2] =	sbarrier.arrive $0xFFFF  }
0x3f0: {  	p0 =	sne.s32 s0, $0x0;
	s0 =	rddreg [dreg:$0x2]  }
0x3f1: {  	s0 =	sadd.s32 @!p0 $0x100000, s0  }
0x3f2: {  	[sflag:s0] =	ssyncadd.tile.s32 @!p0 $0x1;
	_ =	shalt  }
.Lfunc_end2:
_tile_overlayer_lowered:
.L_overlay_start_2:
0x3f3: {  	(tag) =	ssettag $0x2  }
0x3f4: {  	s0 =	rddreg [dreg:$0x0];
	s2 =	stileid.u32  }
0x3f5: {  	s1 =	rddreg [dreg:$0x1];
	p0 =	sne.s32 s2, $0x0  }
0x3f6: {  	s3 =	rddreg [dreg:$0x2];
	[bflag:$0x3] =	sbarrier.arrive $0xFFFF;
	s2 =	simm.s32 @!p0 $0x1C05  }
0x3f7: {  	[timem:s3], [sflag:s2] =	dma.local @!p0 [hbm:s0], s1  }
0x3f8: {  	s0 =	simm.s32 @!p0 $0x5  }
0x3f9: {  	_ =	swait.ge @!p0 [sflag:s0], s1  }
0x3fa: {  	s1 =	ssub.s32 @!p0 $0x0, s1;
	[sflag:s0] =	ssyncset.done @!p0 $0x0  }
0x3fb: {  	[sflag:s0] =	ssyncadd.s32 @!p0 s1  }
0x3fc: {  	[bflag:$0x3] =	sbarrier.arrive $0xFFFF  }
0x3fd: {  	_ =	shalt  }

</sc_bundles>
